<compile_context>
chip_gen: v7x
topology: tpu7x:2x2x1
jax: 0.10.2.dev20260603
libtpu: 0.0.44.dev20260713+nightly
codegen_flags: <defaults>
</compile_context>

<pallas_src>
import functools

import jax
import jax.numpy as jnp
from jax import lax
from jax.experimental import pallas as pl
from jax.experimental.pallas import tpu as pltpu, tpu_sc as plsc

N = 10000
E = 320000
D = 128
G = 64
NP = 10240
NS = 16
NC = 2
SA = NP // NS
SY = NP // (NS * NC)
SB = NP // NS
EPT_B = E // (NS * NC)
CH = 128
CHH = 128

_mesh = plsc.VectorSubcoreMesh(core_axis_name="c", subcore_axis_name="s")
_sc_params = pltpu.CompilerParams(use_tc_tiling_on_sc=False)


def _rsqrt16(v):
    i = lax.bitcast_convert_type(v, jnp.int32)
    i = jnp.int32(0x5F3759DF) - lax.shift_right_logical(i, 1)
    z = lax.bitcast_convert_type(i, jnp.float32)
    for _ in range(3):
        z = z * (1.5 - 0.5 * v * z * z)
    return z


@functools.partial(
    pl.kernel,
    out_type=jax.ShapeDtypeStruct((NC * NP, 16), jnp.float32),
    mesh=_mesh,
    compiler_params=_sc_params,
    scratch_types=[
        pltpu.MemorySpace.VMEM_SHARED((NP, 16), jnp.float32),
        pltpu.VMEM((CHH,), jnp.int32),
        pltpu.VMEM((CHH,), jnp.int32),
        pltpu.VMEM((16,), jnp.int32),
        pltpu.VMEM((CHH, 16), jnp.float32),
        pltpu.VMEM((16, 16), jnp.float32),
        pltpu.VMEM((SA, 16), jnp.float32),
        pltpu.SemaphoreType.DMA,
        pltpu.SemaphoreType.DMA,
    ],
)
def _sc_hist(dst_hbm, deg_hbm,
             hist_sp, didx0, didx1, didx_t, ones, ones_t, hrows, s0, s1):
    cid = lax.axis_index("c")
    sid = lax.axis_index("s")
    zeros16 = jnp.zeros((16,), jnp.float32)
    ones16 = jnp.ones((16,), jnp.float32)
    NCH = EPT_B // CHH

    @pl.loop(0, SA)
    def _(r):
        hrows[r, :] = zeros16

    @pl.loop(0, CHH)
    def _(r):
        ones[r, :] = ones16

    @pl.loop(0, 16)
    def _(r):
        ones_t[r, :] = ones16

    pltpu.sync_copy(hrows, hist_sp.at[pl.ds(sid * SA, SA), :])
    plsc.subcore_barrier()

    ebase = cid * (E // NC) + sid * EPT_B
    pltpu.sync_copy(dst_hbm.at[pl.ds(ebase, CHH)], didx0)

    @pl.loop(0, NCH // 2)
    def _(c):
        pltpu.async_copy(ones, hist_sp.at[didx0], s0, add=True)
        pltpu.sync_copy(dst_hbm.at[pl.ds(ebase + (2 * c + 1) * CHH, CHH)],
                        didx1)
        pltpu.async_copy(ones, hist_sp.at[didx1], s1, add=True)
        pltpu.make_async_copy(ones, hist_sp.at[didx0], s0).wait()

        @pl.when(c < NCH // 2 - 1)
        def _():
            pltpu.sync_copy(dst_hbm.at[pl.ds(ebase + (2 * c + 2) * CHH, CHH)],
                            didx0)

        pltpu.make_async_copy(ones, hist_sp.at[didx1], s1).wait()

    n_tail = EPT_B - NCH * CHH
    pltpu.sync_copy(dst_hbm.at[pl.ds(ebase + EPT_B - n_tail, n_tail)], didx_t)
    pltpu.sync_copy(ones_t, hist_sp.at[didx_t], add=True)
    plsc.subcore_barrier()

    pltpu.sync_copy(hist_sp.at[pl.ds(sid * SA, SA), :], hrows)
    pltpu.sync_copy(hrows, deg_hbm.at[pl.ds(cid * NP + sid * SA, SA), :])


@functools.partial(
    pl.kernel,
    out_type=(
        jax.ShapeDtypeStruct((NP, D), jnp.float32),
        jax.ShapeDtypeStruct((NP, 16), jnp.float32),
    ),
    mesh=_mesh,
    compiler_params=_sc_params,
    scratch_types=[
        pltpu.VMEM((SY, 16), jnp.float32),
        pltpu.VMEM((SY, 16), jnp.float32),
        pltpu.VMEM((SY, D), jnp.float32),
        pltpu.SemaphoreType.DMA,
    ],
)
def _sc_y(x_hbm, deg_hbm, y_hbm, dis_hbm, h0, h1, xbuf, xs):
    cid = lax.axis_index("c")
    sid = lax.axis_index("s")
    wid = sid * NC + cid
    rbase = wid * SY
    last = NS * NC - 1
    SL = N - last * SY

    @pl.when(wid < last)
    def _():
        pltpu.async_copy(x_hbm.at[pl.ds(rbase, SY), :], xbuf, xs)

    @pl.when(wid == last)
    def _():
        pltpu.async_copy(x_hbm.at[pl.ds(rbase, SL), :],
                         xbuf.at[pl.ds(0, SL), :], xs)

    pltpu.sync_copy(deg_hbm.at[pl.ds(rbase, SY), :], h0)
    pltpu.sync_copy(deg_hbm.at[pl.ds(NP + rbase, SY), :], h1)

    @pl.loop(0, SY)
    def _(r):
        disv = _rsqrt16(h0[r, :] + h1[r, :] + 1.0)
        h0[r, :] = disv

    pltpu.sync_copy(h0, dis_hbm.at[pl.ds(rbase, SY), :])
    nrows = jnp.where(wid == last, SL, SY)

    @pl.when(wid < last)
    def _():
        pltpu.make_async_copy(x_hbm.at[pl.ds(rbase, SY), :], xbuf, xs).wait()

    @pl.when(wid == last)
    def _():
        pltpu.make_async_copy(x_hbm.at[pl.ds(rbase, SL), :],
                              xbuf.at[pl.ds(0, SL), :], xs).wait()

    @pl.loop(0, nrows)
    def _(r):
        disv = h0[r, :]
        for k in range(D // 16):
            xbuf[r, pl.ds(k * 16, 16)] = xbuf[r, pl.ds(k * 16, 16)] * disv

    @pl.when(wid < last)
    def _():
        pltpu.sync_copy(xbuf, y_hbm.at[pl.ds(rbase, SY), :])

    @pl.when(wid == last)
    def _():
        pltpu.sync_copy(xbuf.at[pl.ds(0, SL), :],
                        y_hbm.at[pl.ds(rbase, SL), :])


CB = 88
NCB = EPT_B // CB
NB4 = 4
NTR = NCB // NB4
TAIL_B = EPT_B - NCB * CB


@functools.partial(
    pl.kernel,
    out_type=jax.ShapeDtypeStruct((NC * NP, D), jnp.float32),
    mesh=_mesh,
    compiler_params=_sc_params,
    scratch_types=[
        pltpu.MemorySpace.VMEM_SHARED((NP, D), jnp.float32),
        pltpu.VMEM((2, CB), jnp.int32),
        pltpu.VMEM((2, CB), jnp.int32),
        pltpu.VMEM((2, CB), jnp.int32),
        pltpu.VMEM((2, CB), jnp.int32),
        pltpu.VMEM((2, TAIL_B), jnp.int32),
        pltpu.VMEM((CB, D), jnp.float32),
        pltpu.VMEM((CB, D), jnp.float32),
        pltpu.VMEM((CB, D), jnp.float32),
        pltpu.VMEM((CB, D), jnp.float32),
        pltpu.SemaphoreType.DMA,
        pltpu.SemaphoreType.DMA,
        pltpu.SemaphoreType.DMA,
        pltpu.SemaphoreType.DMA,
        pltpu.SemaphoreType.DMA,
        pltpu.SemaphoreType.DMA,
        pltpu.SemaphoreType.DMA,
        pltpu.SemaphoreType.DMA,
    ],
)
def _sc_agg(y_hbm, eidx_hbm, acc_hbm,
            acc_sp, eidx0, eidx1, eidx2, eidx3, eidx_t,
            rows0, rows1, rows2, rows3, g0, g1, g2, g3, s0, s1, s2, s3):
    cid = lax.axis_index("c")
    sid = lax.axis_index("s")
    zeros16 = jnp.zeros((16,), jnp.float32)
    bufs = [(eidx0, rows0, g0, s0), (eidx1, rows1, g1, s1),
            (eidx2, rows2, g2, s2), (eidx3, rows3, g3, s3)]

    @pl.loop(0, CB)
    def _(r):
        for k in range(D // 16):
            rows0[r, pl.ds(k * 16, 16)] = zeros16

    nz = (SB + CB - 1) // CB
    for j in range(nz):
        off = min(j * CB, SB - CB)
        pltpu.sync_copy(rows0, acc_sp.at[pl.ds(sid * SB + off, CB), :])
    plsc.subcore_barrier()

    ebase = cid * (E // NC) + sid * EPT_B

    def load_idx(c, eidx):
        pltpu.sync_copy(eidx_hbm.at[:, pl.ds(ebase + c * CB, CB)], eidx)

    for j, (eidx, rows, g, _) in enumerate(bufs):
        load_idx(j, eidx)
        pltpu.async_copy(y_hbm.at[eidx.at[0]], rows, g)

    @pl.loop(0, NTR)
    def _(c):
        for j, (eidx, rows, g, sc) in enumerate(bufs):
            pltpu.make_async_copy(y_hbm.at[eidx.at[0]], rows, g).wait()
            pltpu.async_copy(rows, acc_sp.at[eidx.at[1]], sc, add=True)

        for j, (eidx, rows, g, sc) in enumerate(bufs):
            @pl.when(c < NTR - 1)
            def _(eidx=eidx, rows=rows, g=g, sc=sc, j=j):
                pltpu.make_async_copy(rows, acc_sp.at[eidx.at[1]], sc).wait()
                load_idx(NB4 * c + NB4 + j, eidx)
                pltpu.async_copy(y_hbm.at[eidx.at[0]], rows, g)

    for eidx, rows, g, sc in bufs:
        pltpu.make_async_copy(rows, acc_sp.at[eidx.at[1]], sc).wait()

    for c in range(NTR * NB4, NCB):
        load_idx(c, eidx0)
        pltpu.async_copy(y_hbm.at[eidx0.at[0]], rows0, g0).wait()
        pltpu.sync_copy(rows0, acc_sp.at[eidx0.at[1]], add=True)

    b = ebase + NCB * CB
    pltpu.sync_copy(eidx_hbm.at[:, pl.ds(b, TAIL_B)], eidx_t)
    pltpu.async_copy(y_hbm.at[eidx_t.at[0]],
                     rows0.at[pl.ds(0, TAIL_B), :], g0).wait()
    pltpu.sync_copy(rows0.at[pl.ds(0, TAIL_B), :],
                    acc_sp.at[eidx_t.at[1]], add=True)
    plsc.subcore_barrier()

    rbase = sid * SB
    for j in range((SB + CB - 1) // CB):
        off = min(j * CB, SB - CB)
        pltpu.sync_copy(acc_sp.at[pl.ds(rbase + off, CB), :], rows0)
        pltpu.sync_copy(rows0, acc_hbm.at[pl.ds(cid * NP + rbase + off, CB), :])


def _tc_body(y_ref, dis_ref, acc_ref, batch_ref,
             wg_ref, bg_ref, gm_ref, bt_ref, wf_ref, bf_ref, o_ref):
    y = y_ref[...][:N, :]
    disc = dis_ref[...][:N, 0:1]
    acc = acc_ref[0, :N, :] + acc_ref[1, :N, :]
    agg = disc * (acc + y)
    out = jnp.dot(agg, wg_ref[...], preferred_element_type=jnp.float32)
    out = out + bg_ref[...]
    mean = jnp.mean(out, axis=0, keepdims=True)
    var = jnp.mean(out * out, axis=0, keepdims=True) - mean * mean
    xb = (out - mean) * lax.rsqrt(var + 1e-5) * gm_ref[...] + bt_ref[...]
    xe = jnp.where(xb > 0, xb, jnp.exp(jnp.minimum(xb, 0.0)) - 1.0)
    onehot = (lax.broadcasted_iota(jnp.int32, (G, N), 0)
              == batch_ref[...]).astype(jnp.float32)
    sums = jnp.dot(onehot, xe, preferred_element_type=jnp.float32)
    cnt = jnp.sum(onehot, axis=1, keepdims=True)
    pooled = sums / jnp.maximum(cnt, 1.0)
    o_ref[...] = (jnp.dot(pooled, wf_ref[...],
                          preferred_element_type=jnp.float32) + bf_ref[...])


_tc_final = pl.pallas_call(
    _tc_body,
    out_shape=jax.ShapeDtypeStruct((G, D), jnp.float32),
)


def kernel(x, edge_index, batch, W_gcn, b_gcn, gamma, beta, W_fc, b_fc):
    dst = edge_index[1]
    degp = _sc_hist(dst)
    y, dis = _sc_y(x, degp)
    acc = _sc_agg(y, edge_index)
    return _tc_final(y, dis, acc.reshape(NC, NP, D),
                     batch.reshape(1, N), W_gcn, b_gcn.reshape(1, D),
                     gamma.reshape(1, D), beta.reshape(1, D),
                     W_fc, b_fc.reshape(1, D))

# --- scband reference (transcript-rebuilt; emitter-appended) ---
"""Pipeline reference for scband-graph-net-11441792877370 (READ-ONLY COPY).

The authoritative reference and input builder live on the scoring server;
editing this copy changes nothing except your own understanding.
"""

import jax, jax.numpy as jnp
import numpy as np

N = 10000
E = 320000
D = 128
G = 64


def setup_inputs(seed: int = 0) -> dict:
    key = jax.random.key(seed)
    ks = jax.random.split(key, 8)
    x = jax.random.normal(ks[0], (N, D), dtype=jnp.float32)
    edge_index = jax.random.randint(ks[1], (2, E), 0, N, dtype=jnp.int32)
    batch = jnp.sort(jax.random.randint(ks[2], (N,), 0, G, dtype=jnp.int32))
    W_gcn = jax.random.normal(ks[3], (D, D), dtype=jnp.float32) * 0.1
    b_gcn = jnp.zeros((D,), dtype=jnp.float32)
    gamma = jnp.ones((D,), dtype=jnp.float32)
    beta = jnp.zeros((D,), dtype=jnp.float32)
    W_fc = jax.random.normal(ks[4], (D, D), dtype=jnp.float32) * 0.1
    b_fc = jnp.zeros((D,), dtype=jnp.float32)
    return {"x": x, "edge_index": edge_index, "batch": batch, "W_gcn": W_gcn,
            "b_gcn": b_gcn, "gamma": gamma, "beta": beta, "W_fc": W_fc, "b_fc": b_fc}


def reference(x, edge_index, batch, W_gcn, b_gcn, gamma, beta, W_fc, b_fc):
    n = x.shape[0]
    loop = jnp.arange(n, dtype=edge_index.dtype)
    src = jnp.concatenate([edge_index[0], loop])
    dst = jnp.concatenate([edge_index[1], loop])
    # GCN symmetric normalization with self-loops
    deg = jax.ops.segment_sum(jnp.ones_like(src, dtype=x.dtype), dst, num_segments=n)
    dis = jnp.where(deg > 0, 1.0 / jnp.sqrt(deg), 0.0)
    norm = dis[src] * dis[dst]
    h = x @ W_gcn
    msgs = norm[:, None] * jnp.take(h, src, axis=0)
    out = jax.ops.segment_sum(msgs, dst, num_segments=n) + b_gcn
    # BatchNorm1d (batch statistics) + ELU
    mean = out.mean(axis=0)
    var = out.var(axis=0)
    xb = (out - mean) / jnp.sqrt(var + 1e-5) * gamma + beta
    xe = jax.nn.elu(xb)
    # global mean pool by graph id
    sums = jax.ops.segment_sum(xe, batch, num_segments=G)
    cnt = jax.ops.segment_sum(jnp.ones((n,), dtype=x.dtype), batch, num_segments=G)
    pooled = sums / jnp.maximum(cnt, 1.0)[:, None]
    return pooled @ W_fc + b_fc

if __name__ == "__main__":
    import jax
    _d = setup_inputs()
    print(jax.jit(kernel)(*tuple(_d.values())))

</pallas_src>

<mosaic_0001>
#map = affine_map<(d0, d1) -> (0)>
#map1 = affine_map<(d0, d1) -> (0, 0)>
module attributes {stable_mosaic.version = 14 : i64} {
  func.func @_sc_hist(%arg0: i32, %arg1: i32, %arg2: memref<320000xi32, #tpu.memory_space<hbm>>, %arg3: memref<20480x16xf32, #tpu.memory_space<hbm>>, %arg4: memref<10240x16xf32, #tpu.memory_space<vmem_shared>>, %arg5: memref<128xi32, #tpu.memory_space<vmem>>, %arg6: memref<128xi32, #tpu.memory_space<vmem>>, %arg7: memref<16xi32, #tpu.memory_space<vmem>>, %arg8: memref<128x16xf32, #tpu.memory_space<vmem>>, %arg9: memref<16x16xf32, #tpu.memory_space<vmem>>, %arg10: memref<640x16xf32, #tpu.memory_space<vmem>>, %arg11: memref<!tpu.dma_semaphore, #tpu.memory_space<semaphore_mem>>, %arg12: memref<!tpu.dma_semaphore, #tpu.memory_space<semaphore_mem>>) attributes {dimension_semantics = [#tpu.dimension_semantics<core_parallel>, #tpu.dimension_semantics<subcore_parallel>], iteration_bounds = array<i64: 2, 16>, scalar_prefetch = 0 : i64, scratch_operands = 9 : i64, tpu.core_type = #tpu.core_type<sc_vector_subcore>, window_params = [{transform_indices = #map}, {transform_indices = #map1}]} {
    %broadcast_in_dim3A = arith.constant 0.000000e+00 : f32
    %broadcast_in_dim3A_0 = vector.broadcast %broadcast_in_dim3A : f32 to vector<16xf32>
    %broadcast_in_dim3A_1 = arith.constant 1.000000e+00 : f32
    %broadcast_in_dim3A_2 = vector.broadcast %broadcast_in_dim3A_1 : f32 to vector<16xf32>
    %scan3A = arith.constant 0 : i32
    %scan3A_3 = arith.constant 640 : i32
    %scan3A_4 = arith.addi %scan3A, %scan3A_3 : i32
    %scan3A_5 = arith.constant 1 : i32
    scf.for %scan3A_38 = %scan3A to %scan3A_4 step %scan3A_5  : i32 {
      %mul3A_39 = arith.constant 1 : i32
      %mul3A_40 = arith.muli %scan3A_38, %mul3A_39 : i32
      %add3A_41 = arith.constant 0 : i32
      %add3A_42 = arith.addi %add3A_41, %mul3A_40 : i32
      %swap3A = arith.index_cast %add3A_42 : i32 to index
      %swap3A_43 = arith.constant 0 : index
      %swap3A_44 = tpu.vector_load %arg10[%swap3A, %swap3A_43] {strides = array<i32>} : memref<640x16xf32, #tpu.memory_space<vmem>>, vector<1x16xf32>,
      %swap3A_45 = vector.shape_cast %swap3A_44 : vector<1x16xf32> to vector<16xf32>
      %swap3A_46 = vector.shape_cast %broadcast_in_dim3A_0 : vector<16xf32> to vector<1x16xf32>
      tpu.vector_store %arg10[%swap3A, %swap3A_43], %swap3A_46 {strides = array<i32>} : memref<640x16xf32, #tpu.memory_space<vmem>>, vector<1x16xf32>,
    }
    %scan3A_6 = arith.constant 640 : i32
    %scan3A_7 = arith.constant 0 : i32
    %scan3A_8 = arith.constant 128 : i32
    %scan3A_9 = arith.addi %scan3A_7, %scan3A_8 : i32
    %scan3A_10 = arith.constant 1 : i32
    scf.for %scan3A_38 = %scan3A_7 to %scan3A_9 step %scan3A_10  : i32 {
      %mul3A_39 = arith.constant 1 : i32
      %mul3A_40 = arith.muli %scan3A_38, %mul3A_39 : i32
      %add3A_41 = arith.constant 0 : i32
      %add3A_42 = arith.addi %add3A_41, %mul3A_40 : i32
      %swap3A = arith.index_cast %add3A_42 : i32 to index
      %swap3A_43 = arith.constant 0 : index
      %swap3A_44 = tpu.vector_load %arg8[%swap3A, %swap3A_43] {strides = array<i32>} : memref<128x16xf32, #tpu.memory_space<vmem>>, vector<1x16xf32>,
      %swap3A_45 = vector.shape_cast %swap3A_44 : vector<1x16xf32> to vector<16xf32>
      %swap3A_46 = vector.shape_cast %broadcast_in_dim3A_2 : vector<16xf32> to vector<1x16xf32>
      tpu.vector_store %arg8[%swap3A, %swap3A_43], %swap3A_46 {strides = array<i32>} : memref<128x16xf32, #tpu.memory_space<vmem>>, vector<1x16xf32>,
    }
    %scan3A_11 = arith.constant 128 : i32
    %scan3A_12 = arith.constant 0 : i32
    %scan3A_13 = arith.constant 16 : i32
    %scan3A_14 = arith.addi %scan3A_12, %scan3A_13 : i32
    %scan3A_15 = arith.constant 1 : i32
    scf.for %scan3A_38 = %scan3A_12 to %scan3A_14 step %scan3A_15  : i32 {
      %mul3A_39 = arith.constant 1 : i32
      %mul3A_40 = arith.muli %scan3A_38, %mul3A_39 : i32
      %add3A_41 = arith.constant 0 : i32
      %add3A_42 = arith.addi %add3A_41, %mul3A_40 : i32
      %swap3A = arith.index_cast %add3A_42 : i32 to index
      %swap3A_43 = arith.constant 0 : index
      %swap3A_44 = tpu.vector_load %arg9[%swap3A, %swap3A_43] {strides = array<i32>} : memref<16x16xf32, #tpu.memory_space<vmem>>, vector<1x16xf32>,
      %swap3A_45 = vector.shape_cast %swap3A_44 : vector<1x16xf32> to vector<16xf32>
      %swap3A_46 = vector.shape_cast %broadcast_in_dim3A_2 : vector<16xf32> to vector<1x16xf32>
      tpu.vector_store %arg9[%swap3A, %swap3A_43], %swap3A_46 {strides = array<i32>} : memref<16x16xf32, #tpu.memory_space<vmem>>, vector<1x16xf32>,
    }
    %scan3A_16 = arith.constant 16 : i32
    %mul3A = arith.constant 640 : i32
    %mul3A_17 = arith.muli %arg1, %mul3A : i32
    "tpu.region"() ({
      %run_scoped3A = tpu.sem_alloc : memref<!tpu.dma_semaphore, #tpu.memory_space<semaphore_mem>>
      %dma_start3A = arith.constant 0 : i32
      %dma_start3A_38 = tpu.memref_slice %arg4[%mul3A_17, %dma_start3A] : memref<10240x16xf32, #tpu.memory_space<vmem_shared>> -> memref<640x16xf32, #tpu.memory_space<vmem_shared>>
      %dma_start3A_39 = arith.constant 0 : i32
      %dma_start3A_40 = tpu.memref_slice %arg4[%mul3A_17, %dma_start3A_39] : memref<10240x16xf32, #tpu.memory_space<vmem_shared>> -> memref<640x16xf32, #tpu.memory_space<vmem_shared>>
      tpu.enqueue_dma source(%arg10 : memref<640x16xf32, #tpu.memory_space<vmem>>) target(%dma_start3A_40 : memref<640x16xf32, #tpu.memory_space<vmem_shared>>) target_semaphore(%run_scoped3A : memref<!tpu.dma_semaphore, #tpu.memory_space<semaphore_mem>>)
      %dma_wait3A = arith.constant 0 : i32
      %dma_wait3A_41 = tpu.memref_slice %arg4[%mul3A_17, %dma_wait3A] : memref<10240x16xf32, #tpu.memory_space<vmem_shared>> -> memref<640x16xf32, #tpu.memory_space<vmem_shared>>
      %dma_wait3A_42 = arith.constant 0 : i32
      %dma_wait3A_43 = tpu.memref_slice %arg4[%mul3A_17, %dma_wait3A_42] : memref<10240x16xf32, #tpu.memory_space<vmem_shared>> -> memref<640x16xf32, #tpu.memory_space<vmem_shared>>
      tpu.wait_dma2 semaphore(%run_scoped3A : memref<!tpu.dma_semaphore, #tpu.memory_space<semaphore_mem>>) src(%arg10 : memref<640x16xf32, #tpu.memory_space<vmem>>) dst(%dma_wait3A_43 : memref<640x16xf32, #tpu.memory_space<vmem_shared>>)
      tpu.yield
    }) : () -> ()
    %barrier3A = arith.constant 0 : index
    tpu.barrier barrier_id(%barrier3A)
    %mul3A_18 = arith.constant 160000 : i32
    %mul3A_19 = arith.muli %arg0, %mul3A_18 : i32
    %mul3A_20 = arith.constant 10000 : i32
    %mul3A_21 = arith.muli %arg1, %mul3A_20 : i32
    %add3A = arith.addi %mul3A_19, %mul3A_21 : i32
    "tpu.region"() ({
      %run_scoped3A = tpu.sem_alloc : memref<!tpu.dma_semaphore, #tpu.memory_space<semaphore_mem>>
      %dma_start3A = tpu.memref_slice %arg2[%add3A] : memref<320000xi32, #tpu.memory_space<hbm>> -> memref<128xi32, #tpu.memory_space<hbm>>
      %dma_start3A_38 = tpu.memref_slice %arg2[%add3A] : memref<320000xi32, #tpu.memory_space<hbm>> -> memref<128xi32, #tpu.memory_space<hbm>>
      tpu.enqueue_dma source(%dma_start3A_38 : memref<128xi32, #tpu.memory_space<hbm>>) target(%arg5 : memref<128xi32, #tpu.memory_space<vmem>>) target_semaphore(%run_scoped3A : memref<!tpu.dma_semaphore, #tpu.memory_space<semaphore_mem>>)
      %dma_wait3A = tpu.memref_slice %arg2[%add3A] : memref<320000xi32, #tpu.memory_space<hbm>> -> memref<128xi32, #tpu.memory_space<hbm>>
      %dma_wait3A_39 = tpu.memref_slice %arg2[%add3A] : memref<320000xi32, #tpu.memory_space<hbm>> -> memref<128xi32, #tpu.memory_space<hbm>>
      tpu.wait_dma2 semaphore(%run_scoped3A : memref<!tpu.dma_semaphore, #tpu.memory_space<semaphore_mem>>) src(%dma_wait3A_39 : memref<128xi32, #tpu.memory_space<hbm>>) dst(%arg5 : memref<128xi32, #tpu.memory_space<vmem>>)
      tpu.yield
    }) : () -> ()
    %scan3A_22 = arith.constant 0 : i32
    %scan3A_23 = arith.constant 39 : i32
    %scan3A_24 = arith.addi %scan3A_22, %scan3A_23 : i32
    %scan3A_25 = arith.constant 1 : i32
    scf.for %scan3A_38 = %scan3A_22 to %scan3A_24 step %scan3A_25  : i32 {
      %mul3A_39 = arith.constant 1 : i32
      %mul3A_40 = arith.muli %scan3A_38, %mul3A_39 : i32
      %add3A_41 = arith.constant 0 : i32
      %add3A_42 = arith.addi %add3A_41, %mul3A_40 : i32
      %dma_start3A = arith.constant 0 : i32
      %dma_start3A_43 = arith.constant 0 : i32
      %dma_start3A_44 = tpu.memref_slice %arg4[%dma_start3A, %dma_start3A_43] : memref<10240x16xf32, #tpu.memory_space<vmem_shared>> -> memref<10240x16xf32, #tpu.memory_space<vmem_shared>>
      tpu.enqueue_indirect_dma source(%arg8 : memref<128x16xf32, #tpu.memory_space<vmem>>) target(%dma_start3A_44 : memref<10240x16xf32, #tpu.memory_space<vmem_shared>>) offsets(%arg5 : memref<128xi32, #tpu.memory_space<vmem>>) semaphore(%arg11 : memref<!tpu.dma_semaphore, #tpu.memory_space<semaphore_mem>>) {add = true}
      %mul3A_45 = arith.constant 2 : i32
      %mul3A_46 = arith.muli %mul3A_45, %add3A_42 : i32
      %add3A_47 = arith.constant 1 : i32
      %add3A_48 = arith.addi %mul3A_46, %add3A_47 : i32
      %mul3A_49 = arith.constant 128 : i32
      %mul3A_50 = arith.muli %add3A_48, %mul3A_49 : i32
      %add3A_51 = arith.addi %add3A, %mul3A_50 : i32
      "tpu.region"() ({
        %run_scoped3A = tpu.sem_alloc : memref<!tpu.dma_semaphore, #tpu.memory_space<semaphore_mem>>
        %dma_start3A_62 = tpu.memref_slice %arg2[%add3A_51] : memref<320000xi32, #tpu.memory_space<hbm>> -> memref<128xi32, #tpu.memory_space<hbm>>
        %dma_start3A_63 = tpu.memref_slice %arg2[%add3A_51] : memref<320000xi32, #tpu.memory_space<hbm>> -> memref<128xi32, #tpu.memory_space<hbm>>
        tpu.enqueue_dma source(%dma_start3A_63 : memref<128xi32, #tpu.memory_space<hbm>>) target(%arg6 : memref<128xi32, #tpu.memory_space<vmem>>) target_semaphore(%run_scoped3A : memref<!tpu.dma_semaphore, #tpu.memory_space<semaphore_mem>>)
        %dma_wait3A_64 = tpu.memref_slice %arg2[%add3A_51] : memref<320000xi32, #tpu.memory_space<hbm>> -> memref<128xi32, #tpu.memory_space<hbm>>
        %dma_wait3A_65 = tpu.memref_slice %arg2[%add3A_51] : memref<320000xi32, #tpu.memory_space<hbm>> -> memref<128xi32, #tpu.memory_space<hbm>>
        tpu.wait_dma2 semaphore(%run_scoped3A : memref<!tpu.dma_semaphore, #tpu.memory_space<semaphore_mem>>) src(%dma_wait3A_65 : memref<128xi32, #tpu.memory_space<hbm>>) dst(%arg6 : memref<128xi32, #tpu.memory_space<vmem>>)
        tpu.yield
      }) : () -> ()
      %dma_start3A_52 = arith.constant 0 : i32
      %dma_start3A_53 = arith.constant 0 : i32
      %dma_start3A_54 = tpu.memref_slice %arg4[%dma_start3A_52, %dma_start3A_53] : memref<10240x16xf32, #tpu.memory_space<vmem_shared>> -> memref<10240x16xf32, #tpu.memory_space<vmem_shared>>
      tpu.enqueue_indirect_dma source(%arg8 : memref<128x16xf32, #tpu.memory_space<vmem>>) target(%dma_start3A_54 : memref<10240x16xf32, #tpu.memory_space<vmem_shared>>) offsets(%arg6 : memref<128xi32, #tpu.memory_space<vmem>>) semaphore(%arg12 : memref<!tpu.dma_semaphore, #tpu.memory_space<semaphore_mem>>) {add = true}
      %dma_wait3A = arith.constant 0 : i32
      %dma_wait3A_55 = arith.constant 0 : i32
      %dma_wait3A_56 = tpu.memref_slice %arg4[%dma_wait3A, %dma_wait3A_55] : memref<10240x16xf32, #tpu.memory_space<vmem_shared>> -> memref<10240x16xf32, #tpu.memory_space<vmem_shared>>
      tpu.wait_indirect_dma semaphore(%arg11 : memref<!tpu.dma_semaphore, #tpu.memory_space<semaphore_mem>>) src(%arg8 : memref<128x16xf32, #tpu.memory_space<vmem>>) dst(%dma_wait3A_56 : memref<10240x16xf32, #tpu.memory_space<vmem_shared>>)
      %lt3A = arith.constant 38 : i32
      %lt3A_57 = arith.cmpi slt, %add3A_42, %lt3A : i32
      %convert_element_type3A = arith.extui %lt3A_57 : i1 to i32
      %cond3A = arith.constant 0 : i32
      %cond3A_58 = arith.cmpi ne, %convert_element_type3A, %cond3A : i32
      scf.if %cond3A_58 {
        %mul3A_62 = arith.constant 2 : i32
        %mul3A_63 = arith.muli %mul3A_62, %add3A_42 : i32
        %add3A_64 = arith.constant 2 : i32
        %add3A_65 = arith.addi %mul3A_63, %add3A_64 : i32
        %mul3A_66 = arith.constant 128 : i32
        %mul3A_67 = arith.muli %add3A_65, %mul3A_66 : i32
        %add3A_68 = arith.addi %add3A, %mul3A_67 : i32
        "tpu.region"() ({
          %run_scoped3A = tpu.sem_alloc : memref<!tpu.dma_semaphore, #tpu.memory_space<semaphore_mem>>
          %dma_start3A_69 = tpu.memref_slice %arg2[%add3A_68] : memref<320000xi32, #tpu.memory_space<hbm>> -> memref<128xi32, #tpu.memory_space<hbm>>
          %dma_start3A_70 = tpu.memref_slice %arg2[%add3A_68] : memref<320000xi32, #tpu.memory_space<hbm>> -> memref<128xi32, #tpu.memory_space<hbm>>
          tpu.enqueue_dma source(%dma_start3A_70 : memref<128xi32, #tpu.memory_space<hbm>>) target(%arg5 : memref<128xi32, #tpu.memory_space<vmem>>) target_semaphore(%run_scoped3A : memref<!tpu.dma_semaphore, #tpu.memory_space<semaphore_mem>>)
          %dma_wait3A_71 = tpu.memref_slice %arg2[%add3A_68] : memref<320000xi32, #tpu.memory_space<hbm>> -> memref<128xi32, #tpu.memory_space<hbm>>
          %dma_wait3A_72 = tpu.memref_slice %arg2[%add3A_68] : memref<320000xi32, #tpu.memory_space<hbm>> -> memref<128xi32, #tpu.memory_space<hbm>>
          tpu.wait_dma2 semaphore(%run_scoped3A : memref<!tpu.dma_semaphore, #tpu.memory_space<semaphore_mem>>) src(%dma_wait3A_72 : memref<128xi32, #tpu.memory_space<hbm>>) dst(%arg5 : memref<128xi32, #tpu.memory_space<vmem>>)
          tpu.yield
        }) : () -> ()
      } else {
      }
      %dma_wait3A_59 = arith.constant 0 : i32
      %dma_wait3A_60 = arith.constant 0 : i32
      %dma_wait3A_61 = tpu.memref_slice %arg4[%dma_wait3A_59, %dma_wait3A_60] : memref<10240x16xf32, #tpu.memory_space<vmem_shared>> -> memref<10240x16xf32, #tpu.memory_space<vmem_shared>>
      tpu.wait_indirect_dma semaphore(%arg12 : memref<!tpu.dma_semaphore, #tpu.memory_space<semaphore_mem>>) src(%arg8 : memref<128x16xf32, #tpu.memory_space<vmem>>) dst(%dma_wait3A_61 : memref<10240x16xf32, #tpu.memory_space<vmem_shared>>)
    }
    %scan3A_26 = arith.constant 39 : i32
    %add3A_27 = arith.constant 10000 : i32
    %add3A_28 = arith.addi %add3A, %add3A_27 : i32
    %sub3A = arith.constant 16 : i32
    %sub3A_29 = arith.subi %add3A_28, %sub3A : i32
    "tpu.region"() ({
      %run_scoped3A = tpu.sem_alloc : memref<!tpu.dma_semaphore, #tpu.memory_space<semaphore_mem>>
      %dma_start3A = tpu.memref_slice %arg2[%sub3A_29] : memref<320000xi32, #tpu.memory_space<hbm>> -> memref<16xi32, #tpu.memory_space<hbm>>
      %dma_start3A_38 = tpu.memref_slice %arg2[%sub3A_29] : memref<320000xi32, #tpu.memory_space<hbm>> -> memref<16xi32, #tpu.memory_space<hbm>>
      tpu.enqueue_dma source(%dma_start3A_38 : memref<16xi32, #tpu.memory_space<hbm>>) target(%arg7 : memref<16xi32, #tpu.memory_space<vmem>>) target_semaphore(%run_scoped3A : memref<!tpu.dma_semaphore, #tpu.memory_space<semaphore_mem>>)
      %dma_wait3A = tpu.memref_slice %arg2[%sub3A_29] : memref<320000xi32, #tpu.memory_space<hbm>> -> memref<16xi32, #tpu.memory_space<hbm>>
      %dma_wait3A_39 = tpu.memref_slice %arg2[%sub3A_29] : memref<320000xi32, #tpu.memory_space<hbm>> -> memref<16xi32, #tpu.memory_space<hbm>>
      tpu.wait_dma2 semaphore(%run_scoped3A : memref<!tpu.dma_semaphore, #tpu.memory_space<semaphore_mem>>) src(%dma_wait3A_39 : memref<16xi32, #tpu.memory_space<hbm>>) dst(%arg7 : memref<16xi32, #tpu.memory_space<vmem>>)
      tpu.yield
    }) : () -> ()
    "tpu.region"() ({
      %run_scoped3A = tpu.sem_alloc : memref<!tpu.dma_semaphore, #tpu.memory_space<semaphore_mem>>
      %dma_start3A = arith.constant 0 : i32
      %dma_start3A_38 = arith.constant 0 : i32
      %dma_start3A_39 = tpu.memref_slice %arg4[%dma_start3A, %dma_start3A_38] : memref<10240x16xf32, #tpu.memory_space<vmem_shared>> -> memref<10240x16xf32, #tpu.memory_space<vmem_shared>>
      tpu.enqueue_indirect_dma source(%arg9 : memref<16x16xf32, #tpu.memory_space<vmem>>) target(%dma_start3A_39 : memref<10240x16xf32, #tpu.memory_space<vmem_shared>>) offsets(%arg7 : memref<16xi32, #tpu.memory_space<vmem>>) semaphore(%run_scoped3A : memref<!tpu.dma_semaphore, #tpu.memory_space<semaphore_mem>>) {add = true}
      %dma_wait3A = arith.constant 0 : i32
      %dma_wait3A_40 = arith.constant 0 : i32
      %dma_wait3A_41 = tpu.memref_slice %arg4[%dma_wait3A, %dma_wait3A_40] : memref<10240x16xf32, #tpu.memory_space<vmem_shared>> -> memref<10240x16xf32, #tpu.memory_space<vmem_shared>>
      tpu.wait_indirect_dma semaphore(%run_scoped3A : memref<!tpu.dma_semaphore, #tpu.memory_space<semaphore_mem>>) src(%arg9 : memref<16x16xf32, #tpu.memory_space<vmem>>) dst(%dma_wait3A_41 : memref<10240x16xf32, #tpu.memory_space<vmem_shared>>)
      tpu.yield
    }) : () -> ()
    %barrier3A_30 = arith.constant 0 : index
    tpu.barrier barrier_id(%barrier3A_30)
    %mul3A_31 = arith.constant 640 : i32
    %mul3A_32 = arith.muli %arg1, %mul3A_31 : i32
    "tpu.region"() ({
      %run_scoped3A = tpu.sem_alloc : memref<!tpu.dma_semaphore, #tpu.memory_space<semaphore_mem>>
      %dma_start3A = arith.constant 0 : i32
      %dma_start3A_38 = tpu.memref_slice %arg4[%mul3A_32, %dma_start3A] : memref<10240x16xf32, #tpu.memory_space<vmem_shared>> -> memref<640x16xf32, #tpu.memory_space<vmem_shared>>
      %dma_start3A_39 = arith.constant 0 : i32
      %dma_start3A_40 = tpu.memref_slice %arg4[%mul3A_32, %dma_start3A_39] : memref<10240x16xf32, #tpu.memory_space<vmem_shared>> -> memref<640x16xf32, #tpu.memory_space<vmem_shared>>
      tpu.enqueue_dma source(%dma_start3A_40 : memref<640x16xf32, #tpu.memory_space<vmem_shared>>) target(%arg10 : memref<640x16xf32, #tpu.memory_space<vmem>>) target_semaphore(%run_scoped3A : memref<!tpu.dma_semaphore, #tpu.memory_space<semaphore_mem>>)
      %dma_wait3A = arith.constant 0 : i32
      %dma_wait3A_41 = tpu.memref_slice %arg4[%mul3A_32, %dma_wait3A] : memref<10240x16xf32, #tpu.memory_space<vmem_shared>> -> memref<640x16xf32, #tpu.memory_space<vmem_shared>>
      %dma_wait3A_42 = arith.constant 0 : i32
      %dma_wait3A_43 = tpu.memref_slice %arg4[%mul3A_32, %dma_wait3A_42] : memref<10240x16xf32, #tpu.memory_space<vmem_shared>> -> memref<640x16xf32, #tpu.memory_space<vmem_shared>>
      tpu.wait_dma2 semaphore(%run_scoped3A : memref<!tpu.dma_semaphore, #tpu.memory_space<semaphore_mem>>) src(%dma_wait3A_43 : memref<640x16xf32, #tpu.memory_space<vmem_shared>>) dst(%arg10 : memref<640x16xf32, #tpu.memory_space<vmem>>)
      tpu.yield
    }) : () -> ()
    %mul3A_33 = arith.constant 10240 : i32
    %mul3A_34 = arith.muli %arg0, %mul3A_33 : i32
    %mul3A_35 = arith.constant 640 : i32
    %mul3A_36 = arith.muli %arg1, %mul3A_35 : i32
    %add3A_37 = arith.addi %mul3A_34, %mul3A_36 : i32
    "tpu.region"() ({
      %run_scoped3A = tpu.sem_alloc : memref<!tpu.dma_semaphore, #tpu.memory_space<semaphore_mem>>
      %dma_start3A = arith.constant 0 : i32
      %dma_start3A_38 = tpu.memref_slice %arg3[%add3A_37, %dma_start3A] : memref<20480x16xf32, #tpu.memory_space<hbm>> -> memref<640x16xf32, #tpu.memory_space<hbm>>
      %dma_start3A_39 = arith.constant 0 : i32
      %dma_start3A_40 = tpu.memref_slice %arg3[%add3A_37, %dma_start3A_39] : memref<20480x16xf32, #tpu.memory_space<hbm>> -> memref<640x16xf32, #tpu.memory_space<hbm>>
      tpu.enqueue_dma source(%arg10 : memref<640x16xf32, #tpu.memory_space<vmem>>) target(%dma_start3A_40 : memref<640x16xf32, #tpu.memory_space<hbm>>) target_semaphore(%run_scoped3A : memref<!tpu.dma_semaphore, #tpu.memory_space<semaphore_mem>>)
      %dma_wait3A = arith.constant 0 : i32
      %dma_wait3A_41 = tpu.memref_slice %arg3[%add3A_37, %dma_wait3A] : memref<20480x16xf32, #tpu.memory_space<hbm>> -> memref<640x16xf32, #tpu.memory_space<hbm>>
      %dma_wait3A_42 = arith.constant 0 : i32
      %dma_wait3A_43 = tpu.memref_slice %arg3[%add3A_37, %dma_wait3A_42] : memref<20480x16xf32, #tpu.memory_space<hbm>> -> memref<640x16xf32, #tpu.memory_space<hbm>>
      tpu.wait_dma2 semaphore(%run_scoped3A : memref<!tpu.dma_semaphore, #tpu.memory_space<semaphore_mem>>) src(%arg10 : memref<640x16xf32, #tpu.memory_space<vmem>>) dst(%dma_wait3A_43 : memref<640x16xf32, #tpu.memory_space<hbm>>)
      tpu.yield
    }) : () -> ()
    return
  }
}

#map = affine_map<(d0, d1) -> (0, 0)>
module attributes {stable_mosaic.version = 14 : i64} {
  func.func @_sc_y(%arg0: i32, %arg1: i32, %arg2: memref<10000x128xf32, #tpu.memory_space<hbm>>, %arg3: memref<20480x16xf32, #tpu.memory_space<hbm>>, %arg4: memref<10240x128xf32, #tpu.memory_space<hbm>>, %arg5: memref<10240x16xf32, #tpu.memory_space<hbm>>, %arg6: memref<320x16xf32, #tpu.memory_space<vmem>>, %arg7: memref<320x16xf32, #tpu.memory_space<vmem>>, %arg8: memref<320x128xf32, #tpu.memory_space<vmem>>, %arg9: memref<!tpu.dma_semaphore, #tpu.memory_space<semaphore_mem>>) attributes {dimension_semantics = [#tpu.dimension_semantics<core_parallel>, #tpu.dimension_semantics<subcore_parallel>], iteration_bounds = array<i64: 2, 16>, scalar_prefetch = 0 : i64, scratch_operands = 4 : i64, tpu.core_type = #tpu.core_type<sc_vector_subcore>, window_params = [{transform_indices = #map}, {transform_indices = #map}, {transform_indices = #map}, {transform_indices = #map}]} {
    %mul3A = arith.constant 2 : i32
    %mul3A_0 = arith.muli %arg1, %mul3A : i32
    %add3A = arith.addi %mul3A_0, %arg0 : i32
    %mul3A_1 = arith.constant 320 : i32
    %mul3A_2 = arith.muli %add3A, %mul3A_1 : i32
    %lt3A = arith.constant 31 : i32
    %lt3A_3 = arith.cmpi slt, %add3A, %lt3A : i32
    %convert_element_type3A = arith.extui %lt3A_3 : i1 to i32
    %cond3A = arith.constant 0 : i32
    %cond3A_4 = arith.cmpi ne, %convert_element_type3A, %cond3A : i32
    scf.if %cond3A_4 {
      %dma_start3A = arith.constant 0 : i32
      %dma_start3A_54 = tpu.memref_slice %arg2[%mul3A_2, %dma_start3A] : memref<10000x128xf32, #tpu.memory_space<hbm>> -> memref<320x128xf32, #tpu.memory_space<hbm>>
      %dma_start3A_55 = arith.constant 0 : i32
      %dma_start3A_56 = tpu.memref_slice %arg2[%mul3A_2, %dma_start3A_55] : memref<10000x128xf32, #tpu.memory_space<hbm>> -> memref<320x128xf32, #tpu.memory_space<hbm>>
      tpu.enqueue_dma source(%dma_start3A_56 : memref<320x128xf32, #tpu.memory_space<hbm>>) target(%arg8 : memref<320x128xf32, #tpu.memory_space<vmem>>) target_semaphore(%arg9 : memref<!tpu.dma_semaphore, #tpu.memory_space<semaphore_mem>>)
    } else {
    }
    %eq3A = arith.constant 31 : i32
    %eq3A_5 = arith.cmpi eq, %add3A, %eq3A : i32
    %convert_element_type3A_6 = arith.extui %eq3A_5 : i1 to i32
    %cond3A_7 = arith.constant 0 : i32
    %cond3A_8 = arith.cmpi ne, %convert_element_type3A_6, %cond3A_7 : i32
    scf.if %cond3A_8 {
      %dma_start3A = arith.constant 0 : i32
      %dma_start3A_54 = arith.constant 0 : i32
      %dma_start3A_55 = tpu.memref_slice %arg8[%dma_start3A, %dma_start3A_54] : memref<320x128xf32, #tpu.memory_space<vmem>> -> memref<80x128xf32, #tpu.memory_space<vmem>>
      %dma_start3A_56 = arith.constant 0 : i32
      %dma_start3A_57 = tpu.memref_slice %arg2[%mul3A_2, %dma_start3A_56] : memref<10000x128xf32, #tpu.memory_space<hbm>> -> memref<80x128xf32, #tpu.memory_space<hbm>>
      %dma_start3A_58 = arith.constant 0 : i32
      %dma_start3A_59 = arith.constant 0 : i32
      %dma_start3A_60 = tpu.memref_slice %arg8[%dma_start3A_58, %dma_start3A_59] : memref<320x128xf32, #tpu.memory_space<vmem>> -> memref<80x128xf32, #tpu.memory_space<vmem>>
      %dma_start3A_61 = arith.constant 0 : i32
      %dma_start3A_62 = tpu.memref_slice %arg2[%mul3A_2, %dma_start3A_61] : memref<10000x128xf32, #tpu.memory_space<hbm>> -> memref<80x128xf32, #tpu.memory_space<hbm>>
      tpu.enqueue_dma source(%dma_start3A_62 : memref<80x128xf32, #tpu.memory_space<hbm>>) target(%dma_start3A_60 : memref<80x128xf32, #tpu.memory_space<vmem>>) target_semaphore(%arg9 : memref<!tpu.dma_semaphore, #tpu.memory_space<semaphore_mem>>)
    } else {
    }
    "tpu.region"() ({
      %run_scoped3A = tpu.sem_alloc : memref<!tpu.dma_semaphore, #tpu.memory_space<semaphore_mem>>
      %dma_start3A = arith.constant 0 : i32
      %dma_start3A_54 = tpu.memref_slice %arg3[%mul3A_2, %dma_start3A] : memref<20480x16xf32, #tpu.memory_space<hbm>> -> memref<320x16xf32, #tpu.memory_space<hbm>>
      %dma_start3A_55 = arith.constant 0 : i32
      %dma_start3A_56 = tpu.memref_slice %arg3[%mul3A_2, %dma_start3A_55] : memref<20480x16xf32, #tpu.memory_space<hbm>> -> memref<320x16xf32, #tpu.memory_space<hbm>>
      tpu.enqueue_dma source(%dma_start3A_56 : memref<320x16xf32, #tpu.memory_space<hbm>>) target(%arg6 : memref<320x16xf32, #tpu.memory_space<vmem>>) target_semaphore(%run_scoped3A : memref<!tpu.dma_semaphore, #tpu.memory_space<semaphore_mem>>)
      %dma_wait3A = arith.constant 0 : i32
      %dma_wait3A_57 = tpu.memref_slice %arg3[%mul3A_2, %dma_wait3A] : memref<20480x16xf32, #tpu.memory_space<hbm>> -> memref<320x16xf32, #tpu.memory_space<hbm>>
      %dma_wait3A_58 = arith.constant 0 : i32
      %dma_wait3A_59 = tpu.memref_slice %arg3[%mul3A_2, %dma_wait3A_58] : memref<20480x16xf32, #tpu.memory_space<hbm>> -> memref<320x16xf32, #tpu.memory_space<hbm>>
      tpu.wait_dma2 semaphore(%run_scoped3A : memref<!tpu.dma_semaphore, #tpu.memory_space<semaphore_mem>>) src(%dma_wait3A_59 : memref<320x16xf32, #tpu.memory_space<hbm>>) dst(%arg6 : memref<320x16xf32, #tpu.memory_space<vmem>>)
      tpu.yield
    }) : () -> ()
    %add3A_9 = arith.constant 10240 : i32
    %add3A_10 = arith.addi %add3A_9, %mul3A_2 : i32
    "tpu.region"() ({
      %run_scoped3A = tpu.sem_alloc : memref<!tpu.dma_semaphore, #tpu.memory_space<semaphore_mem>>
      %dma_start3A = arith.constant 0 : i32
      %dma_start3A_54 = tpu.memref_slice %arg3[%add3A_10, %dma_start3A] : memref<20480x16xf32, #tpu.memory_space<hbm>> -> memref<320x16xf32, #tpu.memory_space<hbm>>
      %dma_start3A_55 = arith.constant 0 : i32
      %dma_start3A_56 = tpu.memref_slice %arg3[%add3A_10, %dma_start3A_55] : memref<20480x16xf32, #tpu.memory_space<hbm>> -> memref<320x16xf32, #tpu.memory_space<hbm>>
      tpu.enqueue_dma source(%dma_start3A_56 : memref<320x16xf32, #tpu.memory_space<hbm>>) target(%arg7 : memref<320x16xf32, #tpu.memory_space<vmem>>) target_semaphore(%run_scoped3A : memref<!tpu.dma_semaphore, #tpu.memory_space<semaphore_mem>>)
      %dma_wait3A = arith.constant 0 : i32
      %dma_wait3A_57 = tpu.memref_slice %arg3[%add3A_10, %dma_wait3A] : memref<20480x16xf32, #tpu.memory_space<hbm>> -> memref<320x16xf32, #tpu.memory_space<hbm>>
      %dma_wait3A_58 = arith.constant 0 : i32
      %dma_wait3A_59 = tpu.memref_slice %arg3[%add3A_10, %dma_wait3A_58] : memref<20480x16xf32, #tpu.memory_space<hbm>> -> memref<320x16xf32, #tpu.memory_space<hbm>>
      tpu.wait_dma2 semaphore(%run_scoped3A : memref<!tpu.dma_semaphore, #tpu.memory_space<semaphore_mem>>) src(%dma_wait3A_59 : memref<320x16xf32, #tpu.memory_space<hbm>>) dst(%arg7 : memref<320x16xf32, #tpu.memory_space<vmem>>)
      tpu.yield
    }) : () -> ()
    %scan3A = arith.constant 0 : i32
    %scan3A_11 = arith.constant 320 : i32
    %scan3A_12 = arith.addi %scan3A, %scan3A_11 : i32
    %scan3A_13 = arith.constant 1 : i32
    scf.for %scan3A_54 = %scan3A to %scan3A_12 step %scan3A_13  : i32 {
      %mul3A_55 = arith.constant 1 : i32
      %mul3A_56 = arith.muli %scan3A_54, %mul3A_55 : i32
      %add3A_57 = arith.constant 0 : i32
      %add3A_58 = arith.addi %add3A_57, %mul3A_56 : i32
      %get3A = arith.index_cast %add3A_58 : i32 to index
      %get3A_59 = arith.constant 0 : index
      %get3A_60 = tpu.vector_load %arg6[%get3A, %get3A_59] {strides = array<i32>} : memref<320x16xf32, #tpu.memory_space<vmem>>, vector<1x16xf32>,
      %get3A_61 = vector.shape_cast %get3A_60 : vector<1x16xf32> to vector<16xf32>
      %get3A_62 = arith.index_cast %add3A_58 : i32 to index
      %get3A_63 = arith.constant 0 : index
      %get3A_64 = tpu.vector_load %arg7[%get3A_62, %get3A_63] {strides = array<i32>} : memref<320x16xf32, #tpu.memory_space<vmem>>, vector<1x16xf32>,
      %get3A_65 = vector.shape_cast %get3A_64 : vector<1x16xf32> to vector<16xf32>
      %add3A_66 = arith.addf %get3A_61, %get3A_65 : vector<16xf32>
      %add3A_67 = arith.constant 1.000000e+00 : f32
      %add3A_68 = vector.broadcast %add3A_67 : f32 to vector<16xf32>
      %add3A_69 = arith.addf %add3A_66, %add3A_68 : vector<16xf32>
      %bitcast_convert_type3A = tpu.bitcast %add3A_69 : vector<16xf32> -> vector<16xi32>
      %shift_right_logical3A = arith.constant 1 : i32
      %shift_right_logical3A_70 = vector.broadcast %shift_right_logical3A : i32 to vector<16xi32>
      %shift_right_logical3A_71 = arith.shrui %bitcast_convert_type3A, %shift_right_logical3A_70 : vector<16xi32>
      %sub3A_72 = arith.constant 1597463007 : i32
      %sub3A_73 = vector.broadcast %sub3A_72 : i32 to vector<16xi32>
      %sub3A_74 = arith.subi %sub3A_73, %shift_right_logical3A_71 : vector<16xi32>
      %bitcast_convert_type3A_75 = tpu.bitcast %sub3A_74 : vector<16xi32> -> vector<16xf32>
      %mul3A_76 = arith.constant 5.000000e-01 : f32
      %mul3A_77 = vector.broadcast %mul3A_76 : f32 to vector<16xf32>
      %mul3A_78 = arith.mulf %mul3A_77, %add3A_69 : vector<16xf32>
      %mul3A_79 = arith.mulf %mul3A_78, %bitcast_convert_type3A_75 : vector<16xf32>
      %mul3A_80 = arith.mulf %mul3A_79, %bitcast_convert_type3A_75 : vector<16xf32>
      %sub3A_81 = arith.constant 1.500000e+00 : f32
      %sub3A_82 = vector.broadcast %sub3A_81 : f32 to vector<16xf32>
      %sub3A_83 = arith.subf %sub3A_82, %mul3A_80 : vector<16xf32>
      %mul3A_84 = arith.mulf %bitcast_convert_type3A_75, %sub3A_83 : vector<16xf32>
      %mul3A_85 = arith.constant 5.000000e-01 : f32
      %mul3A_86 = vector.broadcast %mul3A_85 : f32 to vector<16xf32>
      %mul3A_87 = arith.mulf %mul3A_86, %add3A_69 : vector<16xf32>
      %mul3A_88 = arith.mulf %mul3A_87, %mul3A_84 : vector<16xf32>
      %mul3A_89 = arith.mulf %mul3A_88, %mul3A_84 : vector<16xf32>
      %sub3A_90 = arith.constant 1.500000e+00 : f32
      %sub3A_91 = vector.broadcast %sub3A_90 : f32 to vector<16xf32>
      %sub3A_92 = arith.subf %sub3A_91, %mul3A_89 : vector<16xf32>
      %mul3A_93 = arith.mulf %mul3A_84, %sub3A_92 : vector<16xf32>
      %mul3A_94 = arith.constant 5.000000e-01 : f32
      %mul3A_95 = vector.broadcast %mul3A_94 : f32 to vector<16xf32>
      %mul3A_96 = arith.mulf %mul3A_95, %add3A_69 : vector<16xf32>
      %mul3A_97 = arith.mulf %mul3A_96, %mul3A_93 : vector<16xf32>
      %mul3A_98 = arith.mulf %mul3A_97, %mul3A_93 : vector<16xf32>
      %sub3A_99 = arith.constant 1.500000e+00 : f32
      %sub3A_100 = vector.broadcast %sub3A_99 : f32 to vector<16xf32>
      %sub3A_101 = arith.subf %sub3A_100, %mul3A_98 : vector<16xf32>
      %mul3A_102 = arith.mulf %mul3A_93, %sub3A_101 : vector<16xf32>
      %swap3A = arith.index_cast %add3A_58 : i32 to index
      %swap3A_103 = arith.constant 0 : index
      %swap3A_104 = tpu.vector_load %arg6[%swap3A, %swap3A_103] {strides = array<i32>} : memref<320x16xf32, #tpu.memory_space<vmem>>, vector<1x16xf32>,
      %swap3A_105 = vector.shape_cast %swap3A_104 : vector<1x16xf32> to vector<16xf32>
      %swap3A_106 = vector.shape_cast %mul3A_102 : vector<16xf32> to vector<1x16xf32>
      tpu.vector_store %arg6[%swap3A, %swap3A_103], %swap3A_106 {strides = array<i32>} : memref<320x16xf32, #tpu.memory_space<vmem>>, vector<1x16xf32>,
    }
    %scan3A_14 = arith.constant 320 : i32
    "tpu.region"() ({
      %run_scoped3A = tpu.sem_alloc : memref<!tpu.dma_semaphore, #tpu.memory_space<semaphore_mem>>
      %dma_start3A = arith.constant 0 : i32
      %dma_start3A_54 = tpu.memref_slice %arg5[%mul3A_2, %dma_start3A] : memref<10240x16xf32, #tpu.memory_space<hbm>> -> memref<320x16xf32, #tpu.memory_space<hbm>>
      %dma_start3A_55 = arith.constant 0 : i32
      %dma_start3A_56 = tpu.memref_slice %arg5[%mul3A_2, %dma_start3A_55] : memref<10240x16xf32, #tpu.memory_space<hbm>> -> memref<320x16xf32, #tpu.memory_space<hbm>>
      tpu.enqueue_dma source(%arg6 : memref<320x16xf32, #tpu.memory_space<vmem>>) target(%dma_start3A_56 : memref<320x16xf32, #tpu.memory_space<hbm>>) target_semaphore(%run_scoped3A : memref<!tpu.dma_semaphore, #tpu.memory_space<semaphore_mem>>)
      %dma_wait3A = arith.constant 0 : i32
      %dma_wait3A_57 = tpu.memref_slice %arg5[%mul3A_2, %dma_wait3A] : memref<10240x16xf32, #tpu.memory_space<hbm>> -> memref<320x16xf32, #tpu.memory_space<hbm>>
      %dma_wait3A_58 = arith.constant 0 : i32
      %dma_wait3A_59 = tpu.memref_slice %arg5[%mul3A_2, %dma_wait3A_58] : memref<10240x16xf32, #tpu.memory_space<hbm>> -> memref<320x16xf32, #tpu.memory_space<hbm>>
      tpu.wait_dma2 semaphore(%run_scoped3A : memref<!tpu.dma_semaphore, #tpu.memory_space<semaphore_mem>>) src(%arg6 : memref<320x16xf32, #tpu.memory_space<vmem>>) dst(%dma_wait3A_59 : memref<320x16xf32, #tpu.memory_space<hbm>>)
      tpu.yield
    }) : () -> ()
    %eq3A_15 = arith.constant 31 : i32
    %eq3A_16 = arith.cmpi eq, %add3A, %eq3A_15 : i32
    %jit3A = arith.constant 80 : i32
    %jit3A_17 = arith.constant 320 : i32
    %select_n3A = arith.select %eq3A_16, %jit3A, %jit3A_17 : i32
    %lt3A_18 = arith.constant 31 : i32
    %lt3A_19 = arith.cmpi slt, %add3A, %lt3A_18 : i32
    %convert_element_type3A_20 = arith.extui %lt3A_19 : i1 to i32
    %cond3A_21 = arith.constant 0 : i32
    %cond3A_22 = arith.cmpi ne, %convert_element_type3A_20, %cond3A_21 : i32
    scf.if %cond3A_22 {
      %dma_wait3A = arith.constant 0 : i32
      %dma_wait3A_54 = tpu.memref_slice %arg2[%mul3A_2, %dma_wait3A] : memref<10000x128xf32, #tpu.memory_space<hbm>> -> memref<320x128xf32, #tpu.memory_space<hbm>>
      %dma_wait3A_55 = arith.constant 0 : i32
      %dma_wait3A_56 = tpu.memref_slice %arg2[%mul3A_2, %dma_wait3A_55] : memref<10000x128xf32, #tpu.memory_space<hbm>> -> memref<320x128xf32, #tpu.memory_space<hbm>>
      tpu.wait_dma2 semaphore(%arg9 : memref<!tpu.dma_semaphore, #tpu.memory_space<semaphore_mem>>) src(%dma_wait3A_56 : memref<320x128xf32, #tpu.memory_space<hbm>>) dst(%arg8 : memref<320x128xf32, #tpu.memory_space<vmem>>)
    } else {
    }
    %eq3A_23 = arith.constant 31 : i32
    %eq3A_24 = arith.cmpi eq, %add3A, %eq3A_23 : i32
    %convert_element_type3A_25 = arith.extui %eq3A_24 : i1 to i32
    %cond3A_26 = arith.constant 0 : i32
    %cond3A_27 = arith.cmpi ne, %convert_element_type3A_25, %cond3A_26 : i32
    scf.if %cond3A_27 {
      %dma_wait3A = arith.constant 0 : i32
      %dma_wait3A_54 = arith.constant 0 : i32
      %dma_wait3A_55 = tpu.memref_slice %arg8[%dma_wait3A, %dma_wait3A_54] : memref<320x128xf32, #tpu.memory_space<vmem>> -> memref<80x128xf32, #tpu.memory_space<vmem>>
      %dma_wait3A_56 = arith.constant 0 : i32
      %dma_wait3A_57 = tpu.memref_slice %arg2[%mul3A_2, %dma_wait3A_56] : memref<10000x128xf32, #tpu.memory_space<hbm>> -> memref<80x128xf32, #tpu.memory_space<hbm>>
      %dma_wait3A_58 = arith.constant 0 : i32
      %dma_wait3A_59 = arith.constant 0 : i32
      %dma_wait3A_60 = tpu.memref_slice %arg8[%dma_wait3A_58, %dma_wait3A_59] : memref<320x128xf32, #tpu.memory_space<vmem>> -> memref<80x128xf32, #tpu.memory_space<vmem>>
      %dma_wait3A_61 = arith.constant 0 : i32
      %dma_wait3A_62 = tpu.memref_slice %arg2[%mul3A_2, %dma_wait3A_61] : memref<10000x128xf32, #tpu.memory_space<hbm>> -> memref<80x128xf32, #tpu.memory_space<hbm>>
      tpu.wait_dma2 semaphore(%arg9 : memref<!tpu.dma_semaphore, #tpu.memory_space<semaphore_mem>>) src(%dma_wait3A_62 : memref<80x128xf32, #tpu.memory_space<hbm>>) dst(%dma_wait3A_60 : memref<80x128xf32, #tpu.memory_space<vmem>>)
    } else {
    }
    %sub3A = arith.constant 0 : i32
    %sub3A_28 = arith.subi %select_n3A, %sub3A : i32
    %sub3A_29 = arith.constant 1 : i32
    %sub3A_30 = arith.constant 1 : i32
    %sub3A_31 = arith.subi %sub3A_29, %sub3A_30 : i32
    %add3A_32 = arith.addi %sub3A_28, %sub3A_31 : i32
    %div3A = arith.constant 1 : i32
    %div3A_33 = arith.divsi %add3A_32, %div3A : i32
    %while3A = arith.constant 1 : i32
    %while3A_34 = arith.constant 0 : i32
    %while3A_35 = arith.constant 0 : i32
    %while3A_36 = arith.subi %div3A_33, %while3A_35 : i32
    %while3A_37 = arith.addi %while3A_35, %while3A_36 : i32
    %while3A_38 = arith.constant 1 : i32
    %while3A_39 = arith.divsi %while3A_36, %while3A_38 : i32
    %while3A_40 = arith.muli %while3A_39, %while3A_38 : i32
    %while3A_41 = arith.addi %while3A_35, %while3A_40 : i32
    %while3A_42 = arith.constant 1 : i32
    scf.for %while3A_54 = %while3A_35 to %while3A_41 step %while3A_42  : i32 {
      %mul3A_55 = arith.muli %while3A_54, %while3A : i32
      %add3A_56 = arith.addi %while3A_34, %mul3A_55 : i32
      %get3A = arith.index_cast %add3A_56 : i32 to index
      %get3A_57 = arith.constant 0 : index
      %get3A_58 = tpu.vector_load %arg6[%get3A, %get3A_57] {strides = array<i32>} : memref<320x16xf32, #tpu.memory_space<vmem>>, vector<1x16xf32>,
      %get3A_59 = vector.shape_cast %get3A_58 : vector<1x16xf32> to vector<16xf32>
      %get3A_60 = arith.index_cast %add3A_56 : i32 to index
      %get3A_61 = arith.constant 0 : index
      %get3A_62 = tpu.vector_load %arg8[%get3A_60, %get3A_61] {strides = array<i32>} : memref<320x128xf32, #tpu.memory_space<vmem>>, vector<1x16xf32>,
      %get3A_63 = vector.shape_cast %get3A_62 : vector<1x16xf32> to vector<16xf32>
      %mul3A_64 = arith.mulf %get3A_63, %get3A_59 : vector<16xf32>
      %swap3A = arith.index_cast %add3A_56 : i32 to index
      %swap3A_65 = arith.constant 0 : index
      %swap3A_66 = tpu.vector_load %arg8[%swap3A, %swap3A_65] {strides = array<i32>} : memref<320x128xf32, #tpu.memory_space<vmem>>, vector<1x16xf32>,
      %swap3A_67 = vector.shape_cast %swap3A_66 : vector<1x16xf32> to vector<16xf32>
      %swap3A_68 = vector.shape_cast %mul3A_64 : vector<16xf32> to vector<1x16xf32>
      tpu.vector_store %arg8[%swap3A, %swap3A_65], %swap3A_68 {strides = array<i32>} : memref<320x128xf32, #tpu.memory_space<vmem>>, vector<1x16xf32>,
      %get3A_69 = arith.index_cast %add3A_56 : i32 to index
      %get3A_70 = arith.constant 16 : index
      %get3A_71 = tpu.vector_load %arg8[%get3A_69, %get3A_70] {strides = array<i32>} : memref<320x128xf32, #tpu.memory_space<vmem>>, vector<1x16xf32>,
      %get3A_72 = vector.shape_cast %get3A_71 : vector<1x16xf32> to vector<16xf32>
      %mul3A_73 = arith.mulf %get3A_72, %get3A_59 : vector<16xf32>
      %swap3A_74 = arith.index_cast %add3A_56 : i32 to index
      %swap3A_75 = arith.constant 16 : index
      %swap3A_76 = tpu.vector_load %arg8[%swap3A_74, %swap3A_75] {strides = array<i32>} : memref<320x128xf32, #tpu.memory_space<vmem>>, vector<1x16xf32>,
      %swap3A_77 = vector.shape_cast %swap3A_76 : vector<1x16xf32> to vector<16xf32>
      %swap3A_78 = vector.shape_cast %mul3A_73 : vector<16xf32> to vector<1x16xf32>
      tpu.vector_store %arg8[%swap3A_74, %swap3A_75], %swap3A_78 {strides = array<i32>} : memref<320x128xf32, #tpu.memory_space<vmem>>, vector<1x16xf32>,
      %get3A_79 = arith.index_cast %add3A_56 : i32 to index
      %get3A_80 = arith.constant 32 : index
      %get3A_81 = tpu.vector_load %arg8[%get3A_79, %get3A_80] {strides = array<i32>} : memref<320x128xf32, #tpu.memory_space<vmem>>, vector<1x16xf32>,
      %get3A_82 = vector.shape_cast %get3A_81 : vector<1x16xf32> to vector<16xf32>
      %mul3A_83 = arith.mulf %get3A_82, %get3A_59 : vector<16xf32>
      %swap3A_84 = arith.index_cast %add3A_56 : i32 to index
      %swap3A_85 = arith.constant 32 : index
      %swap3A_86 = tpu.vector_load %arg8[%swap3A_84, %swap3A_85] {strides = array<i32>} : memref<320x128xf32, #tpu.memory_space<vmem>>, vector<1x16xf32>,
      %swap3A_87 = vector.shape_cast %swap3A_86 : vector<1x16xf32> to vector<16xf32>
      %swap3A_88 = vector.shape_cast %mul3A_83 : vector<16xf32> to vector<1x16xf32>
      tpu.vector_store %arg8[%swap3A_84, %swap3A_85], %swap3A_88 {strides = array<i32>} : memref<320x128xf32, #tpu.memory_space<vmem>>, vector<1x16xf32>,
      %get3A_89 = arith.index_cast %add3A_56 : i32 to index
      %get3A_90 = arith.constant 48 : index
      %get3A_91 = tpu.vector_load %arg8[%get3A_89, %get3A_90] {strides = array<i32>} : memref<320x128xf32, #tpu.memory_space<vmem>>, vector<1x16xf32>,
      %get3A_92 = vector.shape_cast %get3A_91 : vector<1x16xf32> to vector<16xf32>
      %mul3A_93 = arith.mulf %get3A_92, %get3A_59 : vector<16xf32>
      %swap3A_94 = arith.index_cast %add3A_56 : i32 to index
      %swap3A_95 = arith.constant 48 : index
      %swap3A_96 = tpu.vector_load %arg8[%swap3A_94, %swap3A_95] {strides = array<i32>} : memref<320x128xf32, #tpu.memory_space<vmem>>, vector<1x16xf32>,
      %swap3A_97 = vector.shape_cast %swap3A_96 : vector<1x16xf32> to vector<16xf32>
      %swap3A_98 = vector.shape_cast %mul3A_93 : vector<16xf32> to vector<1x16xf32>
      tpu.vector_store %arg8[%swap3A_94, %swap3A_95], %swap3A_98 {strides = array<i32>} : memref<320x128xf32, #tpu.memory_space<vmem>>, vector<1x16xf32>,
      %get3A_99 = arith.index_cast %add3A_56 : i32 to index
      %get3A_100 = arith.constant 64 : index
      %get3A_101 = tpu.vector_load %arg8[%get3A_99, %get3A_100] {strides = array<i32>} : memref<320x128xf32, #tpu.memory_space<vmem>>, vector<1x16xf32>,
      %get3A_102 = vector.shape_cast %get3A_101 : vector<1x16xf32> to vector<16xf32>
      %mul3A_103 = arith.mulf %get3A_102, %get3A_59 : vector<16xf32>
      %swap3A_104 = arith.index_cast %add3A_56 : i32 to index
      %swap3A_105 = arith.constant 64 : index
      %swap3A_106 = tpu.vector_load %arg8[%swap3A_104, %swap3A_105] {strides = array<i32>} : memref<320x128xf32, #tpu.memory_space<vmem>>, vector<1x16xf32>,
      %swap3A_107 = vector.shape_cast %swap3A_106 : vector<1x16xf32> to vector<16xf32>
      %swap3A_108 = vector.shape_cast %mul3A_103 : vector<16xf32> to vector<1x16xf32>
      tpu.vector_store %arg8[%swap3A_104, %swap3A_105], %swap3A_108 {strides = array<i32>} : memref<320x128xf32, #tpu.memory_space<vmem>>, vector<1x16xf32>,
      %get3A_109 = arith.index_cast %add3A_56 : i32 to index
      %get3A_110 = arith.constant 80 : index
      %get3A_111 = tpu.vector_load %arg8[%get3A_109, %get3A_110] {strides = array<i32>} : memref<320x128xf32, #tpu.memory_space<vmem>>, vector<1x16xf32>,
      %get3A_112 = vector.shape_cast %get3A_111 : vector<1x16xf32> to vector<16xf32>
      %mul3A_113 = arith.mulf %get3A_112, %get3A_59 : vector<16xf32>
      %swap3A_114 = arith.index_cast %add3A_56 : i32 to index
      %swap3A_115 = arith.constant 80 : index
      %swap3A_116 = tpu.vector_load %arg8[%swap3A_114, %swap3A_115] {strides = array<i32>} : memref<320x128xf32, #tpu.memory_space<vmem>>, vector<1x16xf32>,
      %swap3A_117 = vector.shape_cast %swap3A_116 : vector<1x16xf32> to vector<16xf32>
      %swap3A_118 = vector.shape_cast %mul3A_113 : vector<16xf32> to vector<1x16xf32>
      tpu.vector_store %arg8[%swap3A_114, %swap3A_115], %swap3A_118 {strides = array<i32>} : memref<320x128xf32, #tpu.memory_space<vmem>>, vector<1x16xf32>,
      %get3A_119 = arith.index_cast %add3A_56 : i32 to index
      %get3A_120 = arith.constant 96 : index
      %get3A_121 = tpu.vector_load %arg8[%get3A_119, %get3A_120] {strides = array<i32>} : memref<320x128xf32, #tpu.memory_space<vmem>>, vector<1x16xf32>,
      %get3A_122 = vector.shape_cast %get3A_121 : vector<1x16xf32> to vector<16xf32>
      %mul3A_123 = arith.mulf %get3A_122, %get3A_59 : vector<16xf32>
      %swap3A_124 = arith.index_cast %add3A_56 : i32 to index
      %swap3A_125 = arith.constant 96 : index
      %swap3A_126 = tpu.vector_load %arg8[%swap3A_124, %swap3A_125] {strides = array<i32>} : memref<320x128xf32, #tpu.memory_space<vmem>>, vector<1x16xf32>,
      %swap3A_127 = vector.shape_cast %swap3A_126 : vector<1x16xf32> to vector<16xf32>
      %swap3A_128 = vector.shape_cast %mul3A_123 : vector<16xf32> to vector<1x16xf32>
      tpu.vector_store %arg8[%swap3A_124, %swap3A_125], %swap3A_128 {strides = array<i32>} : memref<320x128xf32, #tpu.memory_space<vmem>>, vector<1x16xf32>,
      %get3A_129 = arith.index_cast %add3A_56 : i32 to index
      %get3A_130 = arith.constant 112 : index
      %get3A_131 = tpu.vector_load %arg8[%get3A_129, %get3A_130] {strides = array<i32>} : memref<320x128xf32, #tpu.memory_space<vmem>>, vector<1x16xf32>,
      %get3A_132 = vector.shape_cast %get3A_131 : vector<1x16xf32> to vector<16xf32>
      %mul3A_133 = arith.mulf %get3A_132, %get3A_59 : vector<16xf32>
      %swap3A_134 = arith.index_cast %add3A_56 : i32 to index
      %swap3A_135 = arith.constant 112 : index
      %swap3A_136 = tpu.vector_load %arg8[%swap3A_134, %swap3A_135] {strides = array<i32>} : memref<320x128xf32, #tpu.memory_space<vmem>>, vector<1x16xf32>,
      %swap3A_137 = vector.shape_cast %swap3A_136 : vector<1x16xf32> to vector<16xf32>
      %swap3A_138 = vector.shape_cast %mul3A_133 : vector<16xf32> to vector<1x16xf32>
      tpu.vector_store %arg8[%swap3A_134, %swap3A_135], %swap3A_138 {strides = array<i32>} : memref<320x128xf32, #tpu.memory_space<vmem>>, vector<1x16xf32>,
    }
    %while3A_43 = arith.constant 1 : i32
    scf.for %while3A_54 = %while3A_41 to %while3A_37 step %while3A_43  : i32 {
      %mul3A_55 = arith.muli %while3A_54, %while3A : i32
      %add3A_56 = arith.addi %while3A_34, %mul3A_55 : i32
      %get3A = arith.index_cast %add3A_56 : i32 to index
      %get3A_57 = arith.constant 0 : index
      %get3A_58 = tpu.vector_load %arg6[%get3A, %get3A_57] {strides = array<i32>} : memref<320x16xf32, #tpu.memory_space<vmem>>, vector<1x16xf32>,
      %get3A_59 = vector.shape_cast %get3A_58 : vector<1x16xf32> to vector<16xf32>
      %get3A_60 = arith.index_cast %add3A_56 : i32 to index
      %get3A_61 = arith.constant 0 : index
      %get3A_62 = tpu.vector_load %arg8[%get3A_60, %get3A_61] {strides = array<i32>} : memref<320x128xf32, #tpu.memory_space<vmem>>, vector<1x16xf32>,
      %get3A_63 = vector.shape_cast %get3A_62 : vector<1x16xf32> to vector<16xf32>
      %mul3A_64 = arith.mulf %get3A_63, %get3A_59 : vector<16xf32>
      %swap3A = arith.index_cast %add3A_56 : i32 to index
      %swap3A_65 = arith.constant 0 : index
      %swap3A_66 = tpu.vector_load %arg8[%swap3A, %swap3A_65] {strides = array<i32>} : memref<320x128xf32, #tpu.memory_space<vmem>>, vector<1x16xf32>,
      %swap3A_67 = vector.shape_cast %swap3A_66 : vector<1x16xf32> to vector<16xf32>
      %swap3A_68 = vector.shape_cast %mul3A_64 : vector<16xf32> to vector<1x16xf32>
      tpu.vector_store %arg8[%swap3A, %swap3A_65], %swap3A_68 {strides = array<i32>} : memref<320x128xf32, #tpu.memory_space<vmem>>, vector<1x16xf32>,
      %get3A_69 = arith.index_cast %add3A_56 : i32 to index
      %get3A_70 = arith.constant 16 : index
      %get3A_71 = tpu.vector_load %arg8[%get3A_69, %get3A_70] {strides = array<i32>} : memref<320x128xf32, #tpu.memory_space<vmem>>, vector<1x16xf32>,
      %get3A_72 = vector.shape_cast %get3A_71 : vector<1x16xf32> to vector<16xf32>
      %mul3A_73 = arith.mulf %get3A_72, %get3A_59 : vector<16xf32>
      %swap3A_74 = arith.index_cast %add3A_56 : i32 to index
      %swap3A_75 = arith.constant 16 : index
      %swap3A_76 = tpu.vector_load %arg8[%swap3A_74, %swap3A_75] {strides = array<i32>} : memref<320x128xf32, #tpu.memory_space<vmem>>, vector<1x16xf32>,
      %swap3A_77 = vector.shape_cast %swap3A_76 : vector<1x16xf32> to vector<16xf32>
      %swap3A_78 = vector.shape_cast %mul3A_73 : vector<16xf32> to vector<1x16xf32>
      tpu.vector_store %arg8[%swap3A_74, %swap3A_75], %swap3A_78 {strides = array<i32>} : memref<320x128xf32, #tpu.memory_space<vmem>>, vector<1x16xf32>,
      %get3A_79 = arith.index_cast %add3A_56 : i32 to index
      %get3A_80 = arith.constant 32 : index
      %get3A_81 = tpu.vector_load %arg8[%get3A_79, %get3A_80] {strides = array<i32>} : memref<320x128xf32, #tpu.memory_space<vmem>>, vector<1x16xf32>,
      %get3A_82 = vector.shape_cast %get3A_81 : vector<1x16xf32> to vector<16xf32>
      %mul3A_83 = arith.mulf %get3A_82, %get3A_59 : vector<16xf32>
      %swap3A_84 = arith.index_cast %add3A_56 : i32 to index
      %swap3A_85 = arith.constant 32 : index
      %swap3A_86 = tpu.vector_load %arg8[%swap3A_84, %swap3A_85] {strides = array<i32>} : memref<320x128xf32, #tpu.memory_space<vmem>>, vector<1x16xf32>,
      %swap3A_87 = vector.shape_cast %swap3A_86 : vector<1x16xf32> to vector<16xf32>
      %swap3A_88 = vector.shape_cast %mul3A_83 : vector<16xf32> to vector<1x16xf32>
      tpu.vector_store %arg8[%swap3A_84, %swap3A_85], %swap3A_88 {strides = array<i32>} : memref<320x128xf32, #tpu.memory_space<vmem>>, vector<1x16xf32>,
      %get3A_89 = arith.index_cast %add3A_56 : i32 to index
      %get3A_90 = arith.constant 48 : index
      %get3A_91 = tpu.vector_load %arg8[%get3A_89, %get3A_90] {strides = array<i32>} : memref<320x128xf32, #tpu.memory_space<vmem>>, vector<1x16xf32>,
      %get3A_92 = vector.shape_cast %get3A_91 : vector<1x16xf32> to vector<16xf32>
      %mul3A_93 = arith.mulf %get3A_92, %get3A_59 : vector<16xf32>
      %swap3A_94 = arith.index_cast %add3A_56 : i32 to index
      %swap3A_95 = arith.constant 48 : index
      %swap3A_96 = tpu.vector_load %arg8[%swap3A_94, %swap3A_95] {strides = array<i32>} : memref<320x128xf32, #tpu.memory_space<vmem>>, vector<1x16xf32>,
      %swap3A_97 = vector.shape_cast %swap3A_96 : vector<1x16xf32> to vector<16xf32>
      %swap3A_98 = vector.shape_cast %mul3A_93 : vector<16xf32> to vector<1x16xf32>
      tpu.vector_store %arg8[%swap3A_94, %swap3A_95], %swap3A_98 {strides = array<i32>} : memref<320x128xf32, #tpu.memory_space<vmem>>, vector<1x16xf32>,
      %get3A_99 = arith.index_cast %add3A_56 : i32 to index
      %get3A_100 = arith.constant 64 : index
      %get3A_101 = tpu.vector_load %arg8[%get3A_99, %get3A_100] {strides = array<i32>} : memref<320x128xf32, #tpu.memory_space<vmem>>, vector<1x16xf32>,
      %get3A_102 = vector.shape_cast %get3A_101 : vector<1x16xf32> to vector<16xf32>
      %mul3A_103 = arith.mulf %get3A_102, %get3A_59 : vector<16xf32>
      %swap3A_104 = arith.index_cast %add3A_56 : i32 to index
      %swap3A_105 = arith.constant 64 : index
      %swap3A_106 = tpu.vector_load %arg8[%swap3A_104, %swap3A_105] {strides = array<i32>} : memref<320x128xf32, #tpu.memory_space<vmem>>, vector<1x16xf32>,
      %swap3A_107 = vector.shape_cast %swap3A_106 : vector<1x16xf32> to vector<16xf32>
      %swap3A_108 = vector.shape_cast %mul3A_103 : vector<16xf32> to vector<1x16xf32>
      tpu.vector_store %arg8[%swap3A_104, %swap3A_105], %swap3A_108 {strides = array<i32>} : memref<320x128xf32, #tpu.memory_space<vmem>>, vector<1x16xf32>,
      %get3A_109 = arith.index_cast %add3A_56 : i32 to index
      %get3A_110 = arith.constant 80 : index
      %get3A_111 = tpu.vector_load %arg8[%get3A_109, %get3A_110] {strides = array<i32>} : memref<320x128xf32, #tpu.memory_space<vmem>>, vector<1x16xf32>,
      %get3A_112 = vector.shape_cast %get3A_111 : vector<1x16xf32> to vector<16xf32>
      %mul3A_113 = arith.mulf %get3A_112, %get3A_59 : vector<16xf32>
      %swap3A_114 = arith.index_cast %add3A_56 : i32 to index
      %swap3A_115 = arith.constant 80 : index
      %swap3A_116 = tpu.vector_load %arg8[%swap3A_114, %swap3A_115] {strides = array<i32>} : memref<320x128xf32, #tpu.memory_space<vmem>>, vector<1x16xf32>,
      %swap3A_117 = vector.shape_cast %swap3A_116 : vector<1x16xf32> to vector<16xf32>
      %swap3A_118 = vector.shape_cast %mul3A_113 : vector<16xf32> to vector<1x16xf32>
      tpu.vector_store %arg8[%swap3A_114, %swap3A_115], %swap3A_118 {strides = array<i32>} : memref<320x128xf32, #tpu.memory_space<vmem>>, vector<1x16xf32>,
      %get3A_119 = arith.index_cast %add3A_56 : i32 to index
      %get3A_120 = arith.constant 96 : index
      %get3A_121 = tpu.vector_load %arg8[%get3A_119, %get3A_120] {strides = array<i32>} : memref<320x128xf32, #tpu.memory_space<vmem>>, vector<1x16xf32>,
      %get3A_122 = vector.shape_cast %get3A_121 : vector<1x16xf32> to vector<16xf32>
      %mul3A_123 = arith.mulf %get3A_122, %get3A_59 : vector<16xf32>
      %swap3A_124 = arith.index_cast %add3A_56 : i32 to index
      %swap3A_125 = arith.constant 96 : index
      %swap3A_126 = tpu.vector_load %arg8[%swap3A_124, %swap3A_125] {strides = array<i32>} : memref<320x128xf32, #tpu.memory_space<vmem>>, vector<1x16xf32>,
      %swap3A_127 = vector.shape_cast %swap3A_126 : vector<1x16xf32> to vector<16xf32>
      %swap3A_128 = vector.shape_cast %mul3A_123 : vector<16xf32> to vector<1x16xf32>
      tpu.vector_store %arg8[%swap3A_124, %swap3A_125], %swap3A_128 {strides = array<i32>} : memref<320x128xf32, #tpu.memory_space<vmem>>, vector<1x16xf32>,
      %get3A_129 = arith.index_cast %add3A_56 : i32 to index
      %get3A_130 = arith.constant 112 : index
      %get3A_131 = tpu.vector_load %arg8[%get3A_129, %get3A_130] {strides = array<i32>} : memref<320x128xf32, #tpu.memory_space<vmem>>, vector<1x16xf32>,
      %get3A_132 = vector.shape_cast %get3A_131 : vector<1x16xf32> to vector<16xf32>
      %mul3A_133 = arith.mulf %get3A_132, %get3A_59 : vector<16xf32>
      %swap3A_134 = arith.index_cast %add3A_56 : i32 to index
      %swap3A_135 = arith.constant 112 : index
      %swap3A_136 = tpu.vector_load %arg8[%swap3A_134, %swap3A_135] {strides = array<i32>} : memref<320x128xf32, #tpu.memory_space<vmem>>, vector<1x16xf32>,
      %swap3A_137 = vector.shape_cast %swap3A_136 : vector<1x16xf32> to vector<16xf32>
      %swap3A_138 = vector.shape_cast %mul3A_133 : vector<16xf32> to vector<1x16xf32>
      tpu.vector_store %arg8[%swap3A_134, %swap3A_135], %swap3A_138 {strides = array<i32>} : memref<320x128xf32, #tpu.memory_space<vmem>>, vector<1x16xf32>,
    }
    %lt3A_44 = arith.constant 31 : i32
    %lt3A_45 = arith.cmpi slt, %add3A, %lt3A_44 : i32
    %convert_element_type3A_46 = arith.extui %lt3A_45 : i1 to i32
    %cond3A_47 = arith.constant 0 : i32
    %cond3A_48 = arith.cmpi ne, %convert_element_type3A_46, %cond3A_47 : i32
    scf.if %cond3A_48 {
      "tpu.region"() ({
        %run_scoped3A = tpu.sem_alloc : memref<!tpu.dma_semaphore, #tpu.memory_space<semaphore_mem>>
        %dma_start3A = arith.constant 0 : i32
        %dma_start3A_54 = tpu.memref_slice %arg4[%mul3A_2, %dma_start3A] : memref<10240x128xf32, #tpu.memory_space<hbm>> -> memref<320x128xf32, #tpu.memory_space<hbm>>
        %dma_start3A_55 = arith.constant 0 : i32
        %dma_start3A_56 = tpu.memref_slice %arg4[%mul3A_2, %dma_start3A_55] : memref<10240x128xf32, #tpu.memory_space<hbm>> -> memref<320x128xf32, #tpu.memory_space<hbm>>
        tpu.enqueue_dma source(%arg8 : memref<320x128xf32, #tpu.memory_space<vmem>>) target(%dma_start3A_56 : memref<320x128xf32, #tpu.memory_space<hbm>>) target_semaphore(%run_scoped3A : memref<!tpu.dma_semaphore, #tpu.memory_space<semaphore_mem>>)
        %dma_wait3A = arith.constant 0 : i32
        %dma_wait3A_57 = tpu.memref_slice %arg4[%mul3A_2, %dma_wait3A] : memref<10240x128xf32, #tpu.memory_space<hbm>> -> memref<320x128xf32, #tpu.memory_space<hbm>>
        %dma_wait3A_58 = arith.constant 0 : i32
        %dma_wait3A_59 = tpu.memref_slice %arg4[%mul3A_2, %dma_wait3A_58] : memref<10240x128xf32, #tpu.memory_space<hbm>> -> memref<320x128xf32, #tpu.memory_space<hbm>>
        tpu.wait_dma2 semaphore(%run_scoped3A : memref<!tpu.dma_semaphore, #tpu.memory_space<semaphore_mem>>) src(%arg8 : memref<320x128xf32, #tpu.memory_space<vmem>>) dst(%dma_wait3A_59 : memref<320x128xf32, #tpu.memory_space<hbm>>)
        tpu.yield
      }) : () -> ()
    } else {
    }
    %eq3A_49 = arith.constant 31 : i32
    %eq3A_50 = arith.cmpi eq, %add3A, %eq3A_49 : i32
    %convert_element_type3A_51 = arith.extui %eq3A_50 : i1 to i32
    %cond3A_52 = arith.constant 0 : i32
    %cond3A_53 = arith.cmpi ne, %convert_element_type3A_51, %cond3A_52 : i32
    scf.if %cond3A_53 {
      "tpu.region"() ({
        %run_scoped3A = tpu.sem_alloc : memref<!tpu.dma_semaphore, #tpu.memory_space<semaphore_mem>>
        %dma_start3A = arith.constant 0 : i32
        %dma_start3A_54 = arith.constant 0 : i32
        %dma_start3A_55 = tpu.memref_slice %arg8[%dma_start3A, %dma_start3A_54] : memref<320x128xf32, #tpu.memory_space<vmem>> -> memref<80x128xf32, #tpu.memory_space<vmem>>
        %dma_start3A_56 = arith.constant 0 : i32
        %dma_start3A_57 = tpu.memref_slice %arg4[%mul3A_2, %dma_start3A_56] : memref<10240x128xf32, #tpu.memory_space<hbm>> -> memref<80x128xf32, #tpu.memory_space<hbm>>
        %dma_start3A_58 = arith.constant 0 : i32
        %dma_start3A_59 = tpu.memref_slice %arg4[%mul3A_2, %dma_start3A_58] : memref<10240x128xf32, #tpu.memory_space<hbm>> -> memref<80x128xf32, #tpu.memory_space<hbm>>
        %dma_start3A_60 = arith.constant 0 : i32
        %dma_start3A_61 = arith.constant 0 : i32
        %dma_start3A_62 = tpu.memref_slice %arg8[%dma_start3A_60, %dma_start3A_61] : memref<320x128xf32, #tpu.memory_space<vmem>> -> memref<80x128xf32, #tpu.memory_space<vmem>>
        tpu.enqueue_dma source(%dma_start3A_62 : memref<80x128xf32, #tpu.memory_space<vmem>>) target(%dma_start3A_59 : memref<80x128xf32, #tpu.memory_space<hbm>>) target_semaphore(%run_scoped3A : memref<!tpu.dma_semaphore, #tpu.memory_space<semaphore_mem>>)
        %dma_wait3A = arith.constant 0 : i32
        %dma_wait3A_63 = arith.constant 0 : i32
        %dma_wait3A_64 = tpu.memref_slice %arg8[%dma_wait3A, %dma_wait3A_63] : memref<320x128xf32, #tpu.memory_space<vmem>> -> memref<80x128xf32, #tpu.memory_space<vmem>>
        %dma_wait3A_65 = arith.constant 0 : i32
        %dma_wait3A_66 = tpu.memref_slice %arg4[%mul3A_2, %dma_wait3A_65] : memref<10240x128xf32, #tpu.memory_space<hbm>> -> memref<80x128xf32, #tpu.memory_space<hbm>>
        %dma_wait3A_67 = arith.constant 0 : i32
        %dma_wait3A_68 = tpu.memref_slice %arg4[%mul3A_2, %dma_wait3A_67] : memref<10240x128xf32, #tpu.memory_space<hbm>> -> memref<80x128xf32, #tpu.memory_space<hbm>>
        %dma_wait3A_69 = arith.constant 0 : i32
        %dma_wait3A_70 = arith.constant 0 : i32
        %dma_wait3A_71 = tpu.memref_slice %arg8[%dma_wait3A_69, %dma_wait3A_70] : memref<320x128xf32, #tpu.memory_space<vmem>> -> memref<80x128xf32, #tpu.memory_space<vmem>>
        tpu.wait_dma2 semaphore(%run_scoped3A : memref<!tpu.dma_semaphore, #tpu.memory_space<semaphore_mem>>) src(%dma_wait3A_71 : memref<80x128xf32, #tpu.memory_space<vmem>>) dst(%dma_wait3A_68 : memref<80x128xf32, #tpu.memory_space<hbm>>)
        tpu.yield
      }) : () -> ()
    } else {
    }
    return
  }
}

#map = affine_map<(d0, d1) -> (0, 0)>
module attributes {stable_mosaic.version = 14 : i64} {
  func.func @_sc_agg(%arg0: i32, %arg1: i32, %arg2: memref<10240x128xf32, #tpu.memory_space<hbm>>, %arg3: memref<2x320000xi32, #tpu.memory_space<hbm>>, %arg4: memref<20480x128xf32, #tpu.memory_space<hbm>>, %arg5: memref<10240x128xf32, #tpu.memory_space<vmem_shared>>, %arg6: memref<2x88xi32, #tpu.memory_space<vmem>>, %arg7: memref<2x88xi32, #tpu.memory_space<vmem>>, %arg8: memref<2x88xi32, #tpu.memory_space<vmem>>, %arg9: memref<2x88xi32, #tpu.memory_space<vmem>>, %arg10: memref<2x56xi32, #tpu.memory_space<vmem>>, %arg11: memref<88x128xf32, #tpu.memory_space<vmem>>, %arg12: memref<88x128xf32, #tpu.memory_space<vmem>>, %arg13: memref<88x128xf32, #tpu.memory_space<vmem>>, %arg14: memref<88x128xf32, #tpu.memory_space<vmem>>, %arg15: memref<!tpu.dma_semaphore, #tpu.memory_space<semaphore_mem>>, %arg16: memref<!tpu.dma_semaphore, #tpu.memory_space<semaphore_mem>>, %arg17: memref<!tpu.dma_semaphore, #tpu.memory_space<semaphore_mem>>, %arg18: memref<!tpu.dma_semaphore, #tpu.memory_space<semaphore_mem>>, %arg19: memref<!tpu.dma_semaphore, #tpu.memory_space<semaphore_mem>>, %arg20: memref<!tpu.dma_semaphore, #tpu.memory_space<semaphore_mem>>, %arg21: memref<!tpu.dma_semaphore, #tpu.memory_space<semaphore_mem>>, %arg22: memref<!tpu.dma_semaphore, #tpu.memory_space<semaphore_mem>>) attributes {dimension_semantics = [#tpu.dimension_semantics<core_parallel>, #tpu.dimension_semantics<subcore_parallel>], iteration_bounds = array<i64: 2, 16>, scalar_prefetch = 0 : i64, scratch_operands = 18 : i64, tpu.core_type = #tpu.core_type<sc_vector_subcore>, window_params = [{transform_indices = #map}, {transform_indices = #map}, {transform_indices = #map}]} {
    %broadcast_in_dim3A = arith.constant 0.000000e+00 : f32
    %broadcast_in_dim3A_0 = vector.broadcast %broadcast_in_dim3A : f32 to vector<16xf32>
    %scan3A = arith.constant 0 : i32
    %scan3A_1 = arith.constant 88 : i32
    %scan3A_2 = arith.addi %scan3A, %scan3A_1 : i32
    %scan3A_3 = arith.constant 1 : i32
    scf.for %scan3A_205 = %scan3A to %scan3A_2 step %scan3A_3  : i32 {
      %mul3A_206 = arith.constant 1 : i32
      %mul3A_207 = arith.muli %scan3A_205, %mul3A_206 : i32
      %add3A_208 = arith.constant 0 : i32
      %add3A_209 = arith.addi %add3A_208, %mul3A_207 : i32
      %swap3A = arith.index_cast %add3A_209 : i32 to index
      %swap3A_210 = arith.constant 0 : index
      %swap3A_211 = tpu.vector_load %arg11[%swap3A, %swap3A_210] {strides = array<i32>} : memref<88x128xf32, #tpu.memory_space<vmem>>, vector<1x16xf32>,
      %swap3A_212 = vector.shape_cast %swap3A_211 : vector<1x16xf32> to vector<16xf32>
      %swap3A_213 = vector.shape_cast %broadcast_in_dim3A_0 : vector<16xf32> to vector<1x16xf32>
      tpu.vector_store %arg11[%swap3A, %swap3A_210], %swap3A_213 {strides = array<i32>} : memref<88x128xf32, #tpu.memory_space<vmem>>, vector<1x16xf32>,
      %swap3A_214 = arith.index_cast %add3A_209 : i32 to index
      %swap3A_215 = arith.constant 16 : index
      %swap3A_216 = tpu.vector_load %arg11[%swap3A_214, %swap3A_215] {strides = array<i32>} : memref<88x128xf32, #tpu.memory_space<vmem>>, vector<1x16xf32>,
      %swap3A_217 = vector.shape_cast %swap3A_216 : vector<1x16xf32> to vector<16xf32>
      %swap3A_218 = vector.shape_cast %broadcast_in_dim3A_0 : vector<16xf32> to vector<1x16xf32>
      tpu.vector_store %arg11[%swap3A_214, %swap3A_215], %swap3A_218 {strides = array<i32>} : memref<88x128xf32, #tpu.memory_space<vmem>>, vector<1x16xf32>,
      %swap3A_219 = arith.index_cast %add3A_209 : i32 to index
      %swap3A_220 = arith.constant 32 : index
      %swap3A_221 = tpu.vector_load %arg11[%swap3A_219, %swap3A_220] {strides = array<i32>} : memref<88x128xf32, #tpu.memory_space<vmem>>, vector<1x16xf32>,
      %swap3A_222 = vector.shape_cast %swap3A_221 : vector<1x16xf32> to vector<16xf32>
      %swap3A_223 = vector.shape_cast %broadcast_in_dim3A_0 : vector<16xf32> to vector<1x16xf32>
      tpu.vector_store %arg11[%swap3A_219, %swap3A_220], %swap3A_223 {strides = array<i32>} : memref<88x128xf32, #tpu.memory_space<vmem>>, vector<1x16xf32>,
      %swap3A_224 = arith.index_cast %add3A_209 : i32 to index
      %swap3A_225 = arith.constant 48 : index
      %swap3A_226 = tpu.vector_load %arg11[%swap3A_224, %swap3A_225] {strides = array<i32>} : memref<88x128xf32, #tpu.memory_space<vmem>>, vector<1x16xf32>,
      %swap3A_227 = vector.shape_cast %swap3A_226 : vector<1x16xf32> to vector<16xf32>
      %swap3A_228 = vector.shape_cast %broadcast_in_dim3A_0 : vector<16xf32> to vector<1x16xf32>
      tpu.vector_store %arg11[%swap3A_224, %swap3A_225], %swap3A_228 {strides = array<i32>} : memref<88x128xf32, #tpu.memory_space<vmem>>, vector<1x16xf32>,
      %swap3A_229 = arith.index_cast %add3A_209 : i32 to index
      %swap3A_230 = arith.constant 64 : index
      %swap3A_231 = tpu.vector_load %arg11[%swap3A_229, %swap3A_230] {strides = array<i32>} : memref<88x128xf32, #tpu.memory_space<vmem>>, vector<1x16xf32>,
      %swap3A_232 = vector.shape_cast %swap3A_231 : vector<1x16xf32> to vector<16xf32>
      %swap3A_233 = vector.shape_cast %broadcast_in_dim3A_0 : vector<16xf32> to vector<1x16xf32>
      tpu.vector_store %arg11[%swap3A_229, %swap3A_230], %swap3A_233 {strides = array<i32>} : memref<88x128xf32, #tpu.memory_space<vmem>>, vector<1x16xf32>,
      %swap3A_234 = arith.index_cast %add3A_209 : i32 to index
      %swap3A_235 = arith.constant 80 : index
      %swap3A_236 = tpu.vector_load %arg11[%swap3A_234, %swap3A_235] {strides = array<i32>} : memref<88x128xf32, #tpu.memory_space<vmem>>, vector<1x16xf32>,
      %swap3A_237 = vector.shape_cast %swap3A_236 : vector<1x16xf32> to vector<16xf32>
      %swap3A_238 = vector.shape_cast %broadcast_in_dim3A_0 : vector<16xf32> to vector<1x16xf32>
      tpu.vector_store %arg11[%swap3A_234, %swap3A_235], %swap3A_238 {strides = array<i32>} : memref<88x128xf32, #tpu.memory_space<vmem>>, vector<1x16xf32>,
      %swap3A_239 = arith.index_cast %add3A_209 : i32 to index
      %swap3A_240 = arith.constant 96 : index
      %swap3A_241 = tpu.vector_load %arg11[%swap3A_239, %swap3A_240] {strides = array<i32>} : memref<88x128xf32, #tpu.memory_space<vmem>>, vector<1x16xf32>,
      %swap3A_242 = vector.shape_cast %swap3A_241 : vector<1x16xf32> to vector<16xf32>
      %swap3A_243 = vector.shape_cast %broadcast_in_dim3A_0 : vector<16xf32> to vector<1x16xf32>
      tpu.vector_store %arg11[%swap3A_239, %swap3A_240], %swap3A_243 {strides = array<i32>} : memref<88x128xf32, #tpu.memory_space<vmem>>, vector<1x16xf32>,
      %swap3A_244 = arith.index_cast %add3A_209 : i32 to index
      %swap3A_245 = arith.constant 112 : index
      %swap3A_246 = tpu.vector_load %arg11[%swap3A_244, %swap3A_245] {strides = array<i32>} : memref<88x128xf32, #tpu.memory_space<vmem>>, vector<1x16xf32>,
      %swap3A_247 = vector.shape_cast %swap3A_246 : vector<1x16xf32> to vector<16xf32>
      %swap3A_248 = vector.shape_cast %broadcast_in_dim3A_0 : vector<16xf32> to vector<1x16xf32>
      tpu.vector_store %arg11[%swap3A_244, %swap3A_245], %swap3A_248 {strides = array<i32>} : memref<88x128xf32, #tpu.memory_space<vmem>>, vector<1x16xf32>,
    }
    %scan3A_4 = arith.constant 88 : i32
    %mul3A = arith.constant 640 : i32
    %mul3A_5 = arith.muli %arg1, %mul3A : i32
    %add3A = arith.constant 0 : i32
    %add3A_6 = arith.addi %mul3A_5, %add3A : i32
    "tpu.region"() ({
      %run_scoped3A_205 = tpu.sem_alloc : memref<!tpu.dma_semaphore, #tpu.memory_space<semaphore_mem>>
      %dma_start3A_206 = arith.constant 0 : i32
      %dma_start3A_207 = tpu.memref_slice %arg5[%add3A_6, %dma_start3A_206] : memref<10240x128xf32, #tpu.memory_space<vmem_shared>> -> memref<88x128xf32, #tpu.memory_space<vmem_shared>>
      %dma_start3A_208 = arith.constant 0 : i32
      %dma_start3A_209 = tpu.memref_slice %arg5[%add3A_6, %dma_start3A_208] : memref<10240x128xf32, #tpu.memory_space<vmem_shared>> -> memref<88x128xf32, #tpu.memory_space<vmem_shared>>
      tpu.enqueue_dma source(%arg11 : memref<88x128xf32, #tpu.memory_space<vmem>>) target(%dma_start3A_209 : memref<88x128xf32, #tpu.memory_space<vmem_shared>>) target_semaphore(%run_scoped3A_205 : memref<!tpu.dma_semaphore, #tpu.memory_space<semaphore_mem>>)
      %dma_wait3A_210 = arith.constant 0 : i32
      %dma_wait3A_211 = tpu.memref_slice %arg5[%add3A_6, %dma_wait3A_210] : memref<10240x128xf32, #tpu.memory_space<vmem_shared>> -> memref<88x128xf32, #tpu.memory_space<vmem_shared>>
      %dma_wait3A_212 = arith.constant 0 : i32
      %dma_wait3A_213 = tpu.memref_slice %arg5[%add3A_6, %dma_wait3A_212] : memref<10240x128xf32, #tpu.memory_space<vmem_shared>> -> memref<88x128xf32, #tpu.memory_space<vmem_shared>>
      tpu.wait_dma2 semaphore(%run_scoped3A_205 : memref<!tpu.dma_semaphore, #tpu.memory_space<semaphore_mem>>) src(%arg11 : memref<88x128xf32, #tpu.memory_space<vmem>>) dst(%dma_wait3A_213 : memref<88x128xf32, #tpu.memory_space<vmem_shared>>)
      tpu.yield
    }) : () -> ()
    %mul3A_7 = arith.constant 640 : i32
    %mul3A_8 = arith.muli %arg1, %mul3A_7 : i32
    %add3A_9 = arith.constant 88 : i32
    %add3A_10 = arith.addi %mul3A_8, %add3A_9 : i32
    "tpu.region"() ({
      %run_scoped3A_205 = tpu.sem_alloc : memref<!tpu.dma_semaphore, #tpu.memory_space<semaphore_mem>>
      %dma_start3A_206 = arith.constant 0 : i32
      %dma_start3A_207 = tpu.memref_slice %arg5[%add3A_10, %dma_start3A_206] : memref<10240x128xf32, #tpu.memory_space<vmem_shared>> -> memref<88x128xf32, #tpu.memory_space<vmem_shared>>
      %dma_start3A_208 = arith.constant 0 : i32
      %dma_start3A_209 = tpu.memref_slice %arg5[%add3A_10, %dma_start3A_208] : memref<10240x128xf32, #tpu.memory_space<vmem_shared>> -> memref<88x128xf32, #tpu.memory_space<vmem_shared>>
      tpu.enqueue_dma source(%arg11 : memref<88x128xf32, #tpu.memory_space<vmem>>) target(%dma_start3A_209 : memref<88x128xf32, #tpu.memory_space<vmem_shared>>) target_semaphore(%run_scoped3A_205 : memref<!tpu.dma_semaphore, #tpu.memory_space<semaphore_mem>>)
      %dma_wait3A_210 = arith.constant 0 : i32
      %dma_wait3A_211 = tpu.memref_slice %arg5[%add3A_10, %dma_wait3A_210] : memref<10240x128xf32, #tpu.memory_space<vmem_shared>> -> memref<88x128xf32, #tpu.memory_space<vmem_shared>>
      %dma_wait3A_212 = arith.constant 0 : i32
      %dma_wait3A_213 = tpu.memref_slice %arg5[%add3A_10, %dma_wait3A_212] : memref<10240x128xf32, #tpu.memory_space<vmem_shared>> -> memref<88x128xf32, #tpu.memory_space<vmem_shared>>
      tpu.wait_dma2 semaphore(%run_scoped3A_205 : memref<!tpu.dma_semaphore, #tpu.memory_space<semaphore_mem>>) src(%arg11 : memref<88x128xf32, #tpu.memory_space<vmem>>) dst(%dma_wait3A_213 : memref<88x128xf32, #tpu.memory_space<vmem_shared>>)
      tpu.yield
    }) : () -> ()
    %mul3A_11 = arith.constant 640 : i32
    %mul3A_12 = arith.muli %arg1, %mul3A_11 : i32
    %add3A_13 = arith.constant 176 : i32
    %add3A_14 = arith.addi %mul3A_12, %add3A_13 : i32
    "tpu.region"() ({
      %run_scoped3A_205 = tpu.sem_alloc : memref<!tpu.dma_semaphore, #tpu.memory_space<semaphore_mem>>
      %dma_start3A_206 = arith.constant 0 : i32
      %dma_start3A_207 = tpu.memref_slice %arg5[%add3A_14, %dma_start3A_206] : memref<10240x128xf32, #tpu.memory_space<vmem_shared>> -> memref<88x128xf32, #tpu.memory_space<vmem_shared>>
      %dma_start3A_208 = arith.constant 0 : i32
      %dma_start3A_209 = tpu.memref_slice %arg5[%add3A_14, %dma_start3A_208] : memref<10240x128xf32, #tpu.memory_space<vmem_shared>> -> memref<88x128xf32, #tpu.memory_space<vmem_shared>>
      tpu.enqueue_dma source(%arg11 : memref<88x128xf32, #tpu.memory_space<vmem>>) target(%dma_start3A_209 : memref<88x128xf32, #tpu.memory_space<vmem_shared>>) target_semaphore(%run_scoped3A_205 : memref<!tpu.dma_semaphore, #tpu.memory_space<semaphore_mem>>)
      %dma_wait3A_210 = arith.constant 0 : i32
      %dma_wait3A_211 = tpu.memref_slice %arg5[%add3A_14, %dma_wait3A_210] : memref<10240x128xf32, #tpu.memory_space<vmem_shared>> -> memref<88x128xf32, #tpu.memory_space<vmem_shared>>
      %dma_wait3A_212 = arith.constant 0 : i32
      %dma_wait3A_213 = tpu.memref_slice %arg5[%add3A_14, %dma_wait3A_212] : memref<10240x128xf32, #tpu.memory_space<vmem_shared>> -> memref<88x128xf32, #tpu.memory_space<vmem_shared>>
      tpu.wait_dma2 semaphore(%run_scoped3A_205 : memref<!tpu.dma_semaphore, #tpu.memory_space<semaphore_mem>>) src(%arg11 : memref<88x128xf32, #tpu.memory_space<vmem>>) dst(%dma_wait3A_213 : memref<88x128xf32, #tpu.memory_space<vmem_shared>>)
      tpu.yield
    }) : () -> ()
    %mul3A_15 = arith.constant 640 : i32
    %mul3A_16 = arith.muli %arg1, %mul3A_15 : i32
    %add3A_17 = arith.constant 264 : i32
    %add3A_18 = arith.addi %mul3A_16, %add3A_17 : i32
    "tpu.region"() ({
      %run_scoped3A_205 = tpu.sem_alloc : memref<!tpu.dma_semaphore, #tpu.memory_space<semaphore_mem>>
      %dma_start3A_206 = arith.constant 0 : i32
      %dma_start3A_207 = tpu.memref_slice %arg5[%add3A_18, %dma_start3A_206] : memref<10240x128xf32, #tpu.memory_space<vmem_shared>> -> memref<88x128xf32, #tpu.memory_space<vmem_shared>>
      %dma_start3A_208 = arith.constant 0 : i32
      %dma_start3A_209 = tpu.memref_slice %arg5[%add3A_18, %dma_start3A_208] : memref<10240x128xf32, #tpu.memory_space<vmem_shared>> -> memref<88x128xf32, #tpu.memory_space<vmem_shared>>
      tpu.enqueue_dma source(%arg11 : memref<88x128xf32, #tpu.memory_space<vmem>>) target(%dma_start3A_209 : memref<88x128xf32, #tpu.memory_space<vmem_shared>>) target_semaphore(%run_scoped3A_205 : memref<!tpu.dma_semaphore, #tpu.memory_space<semaphore_mem>>)
      %dma_wait3A_210 = arith.constant 0 : i32
      %dma_wait3A_211 = tpu.memref_slice %arg5[%add3A_18, %dma_wait3A_210] : memref<10240x128xf32, #tpu.memory_space<vmem_shared>> -> memref<88x128xf32, #tpu.memory_space<vmem_shared>>
      %dma_wait3A_212 = arith.constant 0 : i32
      %dma_wait3A_213 = tpu.memref_slice %arg5[%add3A_18, %dma_wait3A_212] : memref<10240x128xf32, #tpu.memory_space<vmem_shared>> -> memref<88x128xf32, #tpu.memory_space<vmem_shared>>
      tpu.wait_dma2 semaphore(%run_scoped3A_205 : memref<!tpu.dma_semaphore, #tpu.memory_space<semaphore_mem>>) src(%arg11 : memref<88x128xf32, #tpu.memory_space<vmem>>) dst(%dma_wait3A_213 : memref<88x128xf32, #tpu.memory_space<vmem_shared>>)
      tpu.yield
    }) : () -> ()
    %mul3A_19 = arith.constant 640 : i32
    %mul3A_20 = arith.muli %arg1, %mul3A_19 : i32
    %add3A_21 = arith.constant 352 : i32
    %add3A_22 = arith.addi %mul3A_20, %add3A_21 : i32
    "tpu.region"() ({
      %run_scoped3A_205 = tpu.sem_alloc : memref<!tpu.dma_semaphore, #tpu.memory_space<semaphore_mem>>
      %dma_start3A_206 = arith.constant 0 : i32
      %dma_start3A_207 = tpu.memref_slice %arg5[%add3A_22, %dma_start3A_206] : memref<10240x128xf32, #tpu.memory_space<vmem_shared>> -> memref<88x128xf32, #tpu.memory_space<vmem_shared>>
      %dma_start3A_208 = arith.constant 0 : i32
      %dma_start3A_209 = tpu.memref_slice %arg5[%add3A_22, %dma_start3A_208] : memref<10240x128xf32, #tpu.memory_space<vmem_shared>> -> memref<88x128xf32, #tpu.memory_space<vmem_shared>>
      tpu.enqueue_dma source(%arg11 : memref<88x128xf32, #tpu.memory_space<vmem>>) target(%dma_start3A_209 : memref<88x128xf32, #tpu.memory_space<vmem_shared>>) target_semaphore(%run_scoped3A_205 : memref<!tpu.dma_semaphore, #tpu.memory_space<semaphore_mem>>)
      %dma_wait3A_210 = arith.constant 0 : i32
      %dma_wait3A_211 = tpu.memref_slice %arg5[%add3A_22, %dma_wait3A_210] : memref<10240x128xf32, #tpu.memory_space<vmem_shared>> -> memref<88x128xf32, #tpu.memory_space<vmem_shared>>
      %dma_wait3A_212 = arith.constant 0 : i32
      %dma_wait3A_213 = tpu.memref_slice %arg5[%add3A_22, %dma_wait3A_212] : memref<10240x128xf32, #tpu.memory_space<vmem_shared>> -> memref<88x128xf32, #tpu.memory_space<vmem_shared>>
      tpu.wait_dma2 semaphore(%run_scoped3A_205 : memref<!tpu.dma_semaphore, #tpu.memory_space<semaphore_mem>>) src(%arg11 : memref<88x128xf32, #tpu.memory_space<vmem>>) dst(%dma_wait3A_213 : memref<88x128xf32, #tpu.memory_space<vmem_shared>>)
      tpu.yield
    }) : () -> ()
    %mul3A_23 = arith.constant 640 : i32
    %mul3A_24 = arith.muli %arg1, %mul3A_23 : i32
    %add3A_25 = arith.constant 440 : i32
    %add3A_26 = arith.addi %mul3A_24, %add3A_25 : i32
    "tpu.region"() ({
      %run_scoped3A_205 = tpu.sem_alloc : memref<!tpu.dma_semaphore, #tpu.memory_space<semaphore_mem>>
      %dma_start3A_206 = arith.constant 0 : i32
      %dma_start3A_207 = tpu.memref_slice %arg5[%add3A_26, %dma_start3A_206] : memref<10240x128xf32, #tpu.memory_space<vmem_shared>> -> memref<88x128xf32, #tpu.memory_space<vmem_shared>>
      %dma_start3A_208 = arith.constant 0 : i32
      %dma_start3A_209 = tpu.memref_slice %arg5[%add3A_26, %dma_start3A_208] : memref<10240x128xf32, #tpu.memory_space<vmem_shared>> -> memref<88x128xf32, #tpu.memory_space<vmem_shared>>
      tpu.enqueue_dma source(%arg11 : memref<88x128xf32, #tpu.memory_space<vmem>>) target(%dma_start3A_209 : memref<88x128xf32, #tpu.memory_space<vmem_shared>>) target_semaphore(%run_scoped3A_205 : memref<!tpu.dma_semaphore, #tpu.memory_space<semaphore_mem>>)
      %dma_wait3A_210 = arith.constant 0 : i32
      %dma_wait3A_211 = tpu.memref_slice %arg5[%add3A_26, %dma_wait3A_210] : memref<10240x128xf32, #tpu.memory_space<vmem_shared>> -> memref<88x128xf32, #tpu.memory_space<vmem_shared>>
      %dma_wait3A_212 = arith.constant 0 : i32
      %dma_wait3A_213 = tpu.memref_slice %arg5[%add3A_26, %dma_wait3A_212] : memref<10240x128xf32, #tpu.memory_space<vmem_shared>> -> memref<88x128xf32, #tpu.memory_space<vmem_shared>>
      tpu.wait_dma2 semaphore(%run_scoped3A_205 : memref<!tpu.dma_semaphore, #tpu.memory_space<semaphore_mem>>) src(%arg11 : memref<88x128xf32, #tpu.memory_space<vmem>>) dst(%dma_wait3A_213 : memref<88x128xf32, #tpu.memory_space<vmem_shared>>)
      tpu.yield
    }) : () -> ()
    %mul3A_27 = arith.constant 640 : i32
    %mul3A_28 = arith.muli %arg1, %mul3A_27 : i32
    %add3A_29 = arith.constant 528 : i32
    %add3A_30 = arith.addi %mul3A_28, %add3A_29 : i32
    "tpu.region"() ({
      %run_scoped3A_205 = tpu.sem_alloc : memref<!tpu.dma_semaphore, #tpu.memory_space<semaphore_mem>>
      %dma_start3A_206 = arith.constant 0 : i32
      %dma_start3A_207 = tpu.memref_slice %arg5[%add3A_30, %dma_start3A_206] : memref<10240x128xf32, #tpu.memory_space<vmem_shared>> -> memref<88x128xf32, #tpu.memory_space<vmem_shared>>
      %dma_start3A_208 = arith.constant 0 : i32
      %dma_start3A_209 = tpu.memref_slice %arg5[%add3A_30, %dma_start3A_208] : memref<10240x128xf32, #tpu.memory_space<vmem_shared>> -> memref<88x128xf32, #tpu.memory_space<vmem_shared>>
      tpu.enqueue_dma source(%arg11 : memref<88x128xf32, #tpu.memory_space<vmem>>) target(%dma_start3A_209 : memref<88x128xf32, #tpu.memory_space<vmem_shared>>) target_semaphore(%run_scoped3A_205 : memref<!tpu.dma_semaphore, #tpu.memory_space<semaphore_mem>>)
      %dma_wait3A_210 = arith.constant 0 : i32
      %dma_wait3A_211 = tpu.memref_slice %arg5[%add3A_30, %dma_wait3A_210] : memref<10240x128xf32, #tpu.memory_space<vmem_shared>> -> memref<88x128xf32, #tpu.memory_space<vmem_shared>>
      %dma_wait3A_212 = arith.constant 0 : i32
      %dma_wait3A_213 = tpu.memref_slice %arg5[%add3A_30, %dma_wait3A_212] : memref<10240x128xf32, #tpu.memory_space<vmem_shared>> -> memref<88x128xf32, #tpu.memory_space<vmem_shared>>
      tpu.wait_dma2 semaphore(%run_scoped3A_205 : memref<!tpu.dma_semaphore, #tpu.memory_space<semaphore_mem>>) src(%arg11 : memref<88x128xf32, #tpu.memory_space<vmem>>) dst(%dma_wait3A_213 : memref<88x128xf32, #tpu.memory_space<vmem_shared>>)
      tpu.yield
    }) : () -> ()
    %mul3A_31 = arith.constant 640 : i32
    %mul3A_32 = arith.muli %arg1, %mul3A_31 : i32
    %add3A_33 = arith.constant 552 : i32
    %add3A_34 = arith.addi %mul3A_32, %add3A_33 : i32
    "tpu.region"() ({
      %run_scoped3A_205 = tpu.sem_alloc : memref<!tpu.dma_semaphore, #tpu.memory_space<semaphore_mem>>
      %dma_start3A_206 = arith.constant 0 : i32
      %dma_start3A_207 = tpu.memref_slice %arg5[%add3A_34, %dma_start3A_206] : memref<10240x128xf32, #tpu.memory_space<vmem_shared>> -> memref<88x128xf32, #tpu.memory_space<vmem_shared>>
      %dma_start3A_208 = arith.constant 0 : i32
      %dma_start3A_209 = tpu.memref_slice %arg5[%add3A_34, %dma_start3A_208] : memref<10240x128xf32, #tpu.memory_space<vmem_shared>> -> memref<88x128xf32, #tpu.memory_space<vmem_shared>>
      tpu.enqueue_dma source(%arg11 : memref<88x128xf32, #tpu.memory_space<vmem>>) target(%dma_start3A_209 : memref<88x128xf32, #tpu.memory_space<vmem_shared>>) target_semaphore(%run_scoped3A_205 : memref<!tpu.dma_semaphore, #tpu.memory_space<semaphore_mem>>)
      %dma_wait3A_210 = arith.constant 0 : i32
      %dma_wait3A_211 = tpu.memref_slice %arg5[%add3A_34, %dma_wait3A_210] : memref<10240x128xf32, #tpu.memory_space<vmem_shared>> -> memref<88x128xf32, #tpu.memory_space<vmem_shared>>
      %dma_wait3A_212 = arith.constant 0 : i32
      %dma_wait3A_213 = tpu.memref_slice %arg5[%add3A_34, %dma_wait3A_212] : memref<10240x128xf32, #tpu.memory_space<vmem_shared>> -> memref<88x128xf32, #tpu.memory_space<vmem_shared>>
      tpu.wait_dma2 semaphore(%run_scoped3A_205 : memref<!tpu.dma_semaphore, #tpu.memory_space<semaphore_mem>>) src(%arg11 : memref<88x128xf32, #tpu.memory_space<vmem>>) dst(%dma_wait3A_213 : memref<88x128xf32, #tpu.memory_space<vmem_shared>>)
      tpu.yield
    }) : () -> ()
    %barrier3A = arith.constant 0 : index
    tpu.barrier barrier_id(%barrier3A)
    %mul3A_35 = arith.constant 160000 : i32
    %mul3A_36 = arith.muli %arg0, %mul3A_35 : i32
    %mul3A_37 = arith.constant 10000 : i32
    %mul3A_38 = arith.muli %arg1, %mul3A_37 : i32
    %add3A_39 = arith.addi %mul3A_36, %mul3A_38 : i32
    %add3A_40 = arith.constant 0 : i32
    %add3A_41 = arith.addi %add3A_39, %add3A_40 : i32
    "tpu.region"() ({
      %run_scoped3A_205 = tpu.sem_alloc : memref<!tpu.dma_semaphore, #tpu.memory_space<semaphore_mem>>
      %dma_start3A_206 = arith.constant 0 : i32
      %dma_start3A_207 = tpu.memref_slice %arg3[%dma_start3A_206, %add3A_41] : memref<2x320000xi32, #tpu.memory_space<hbm>> -> memref<2x88xi32, #tpu.memory_space<hbm>>
      %dma_start3A_208 = arith.constant 0 : i32
      %dma_start3A_209 = tpu.memref_slice %arg3[%dma_start3A_208, %add3A_41] : memref<2x320000xi32, #tpu.memory_space<hbm>> -> memref<2x88xi32, #tpu.memory_space<hbm>>
      tpu.enqueue_dma source(%dma_start3A_209 : memref<2x88xi32, #tpu.memory_space<hbm>>) target(%arg6 : memref<2x88xi32, #tpu.memory_space<vmem>>) target_semaphore(%run_scoped3A_205 : memref<!tpu.dma_semaphore, #tpu.memory_space<semaphore_mem>>)
      %dma_wait3A_210 = arith.constant 0 : i32
      %dma_wait3A_211 = tpu.memref_slice %arg3[%dma_wait3A_210, %add3A_41] : memref<2x320000xi32, #tpu.memory_space<hbm>> -> memref<2x88xi32, #tpu.memory_space<hbm>>
      %dma_wait3A_212 = arith.constant 0 : i32
      %dma_wait3A_213 = tpu.memref_slice %arg3[%dma_wait3A_212, %add3A_41] : memref<2x320000xi32, #tpu.memory_space<hbm>> -> memref<2x88xi32, #tpu.memory_space<hbm>>
      tpu.wait_dma2 semaphore(%run_scoped3A_205 : memref<!tpu.dma_semaphore, #tpu.memory_space<semaphore_mem>>) src(%dma_wait3A_213 : memref<2x88xi32, #tpu.memory_space<hbm>>) dst(%arg6 : memref<2x88xi32, #tpu.memory_space<vmem>>)
      tpu.yield
    }) : () -> ()
    %dma_start3A = arith.constant 0 : i32
    %dma_start3A_42 = arith.constant 0 : i32
    %dma_start3A_43 = tpu.memref_slice %arg6[%dma_start3A, %dma_start3A_42] : memref<2x88xi32, #tpu.memory_space<vmem>> -> memref<1x88xi32, #tpu.memory_space<vmem>>
    %dma_start3A_44 = tpu.memref_squeeze %dma_start3A_43 : memref<1x88xi32, #tpu.memory_space<vmem>> -> memref<88xi32, #tpu.memory_space<vmem>>
    %dma_start3A_45 = arith.constant 0 : i32
    %dma_start3A_46 = arith.constant 0 : i32
    %dma_start3A_47 = tpu.memref_slice %arg2[%dma_start3A_45, %dma_start3A_46] : memref<10240x128xf32, #tpu.memory_space<hbm>> -> memref<10240x128xf32, #tpu.memory_space<hbm>>
    tpu.enqueue_indirect_dma source(%dma_start3A_47 : memref<10240x128xf32, #tpu.memory_space<hbm>>) target(%arg11 : memref<88x128xf32, #tpu.memory_space<vmem>>) offsets(%dma_start3A_44 : memref<88xi32, #tpu.memory_space<vmem>>) semaphore(%arg15 : memref<!tpu.dma_semaphore, #tpu.memory_space<semaphore_mem>>)
    %add3A_48 = arith.constant 88 : i32
    %add3A_49 = arith.addi %add3A_39, %add3A_48 : i32
    "tpu.region"() ({
      %run_scoped3A_205 = tpu.sem_alloc : memref<!tpu.dma_semaphore, #tpu.memory_space<semaphore_mem>>
      %dma_start3A_206 = arith.constant 0 : i32
      %dma_start3A_207 = tpu.memref_slice %arg3[%dma_start3A_206, %add3A_49] : memref<2x320000xi32, #tpu.memory_space<hbm>> -> memref<2x88xi32, #tpu.memory_space<hbm>>
      %dma_start3A_208 = arith.constant 0 : i32
      %dma_start3A_209 = tpu.memref_slice %arg3[%dma_start3A_208, %add3A_49] : memref<2x320000xi32, #tpu.memory_space<hbm>> -> memref<2x88xi32, #tpu.memory_space<hbm>>
      tpu.enqueue_dma source(%dma_start3A_209 : memref<2x88xi32, #tpu.memory_space<hbm>>) target(%arg7 : memref<2x88xi32, #tpu.memory_space<vmem>>) target_semaphore(%run_scoped3A_205 : memref<!tpu.dma_semaphore, #tpu.memory_space<semaphore_mem>>)
      %dma_wait3A_210 = arith.constant 0 : i32
      %dma_wait3A_211 = tpu.memref_slice %arg3[%dma_wait3A_210, %add3A_49] : memref<2x320000xi32, #tpu.memory_space<hbm>> -> memref<2x88xi32, #tpu.memory_space<hbm>>
      %dma_wait3A_212 = arith.constant 0 : i32
      %dma_wait3A_213 = tpu.memref_slice %arg3[%dma_wait3A_212, %add3A_49] : memref<2x320000xi32, #tpu.memory_space<hbm>> -> memref<2x88xi32, #tpu.memory_space<hbm>>
      tpu.wait_dma2 semaphore(%run_scoped3A_205 : memref<!tpu.dma_semaphore, #tpu.memory_space<semaphore_mem>>) src(%dma_wait3A_213 : memref<2x88xi32, #tpu.memory_space<hbm>>) dst(%arg7 : memref<2x88xi32, #tpu.memory_space<vmem>>)
      tpu.yield
    }) : () -> ()
    %dma_start3A_50 = arith.constant 0 : i32
    %dma_start3A_51 = arith.constant 0 : i32
    %dma_start3A_52 = tpu.memref_slice %arg7[%dma_start3A_50, %dma_start3A_51] : memref<2x88xi32, #tpu.memory_space<vmem>> -> memref<1x88xi32, #tpu.memory_space<vmem>>
    %dma_start3A_53 = tpu.memref_squeeze %dma_start3A_52 : memref<1x88xi32, #tpu.memory_space<vmem>> -> memref<88xi32, #tpu.memory_space<vmem>>
    %dma_start3A_54 = arith.constant 0 : i32
    %dma_start3A_55 = arith.constant 0 : i32
    %dma_start3A_56 = tpu.memref_slice %arg2[%dma_start3A_54, %dma_start3A_55] : memref<10240x128xf32, #tpu.memory_space<hbm>> -> memref<10240x128xf32, #tpu.memory_space<hbm>>
    tpu.enqueue_indirect_dma source(%dma_start3A_56 : memref<10240x128xf32, #tpu.memory_space<hbm>>) target(%arg12 : memref<88x128xf32, #tpu.memory_space<vmem>>) offsets(%dma_start3A_53 : memref<88xi32, #tpu.memory_space<vmem>>) semaphore(%arg16 : memref<!tpu.dma_semaphore, #tpu.memory_space<semaphore_mem>>)
    %add3A_57 = arith.constant 176 : i32
    %add3A_58 = arith.addi %add3A_39, %add3A_57 : i32
    "tpu.region"() ({
      %run_scoped3A_205 = tpu.sem_alloc : memref<!tpu.dma_semaphore, #tpu.memory_space<semaphore_mem>>
      %dma_start3A_206 = arith.constant 0 : i32
      %dma_start3A_207 = tpu.memref_slice %arg3[%dma_start3A_206, %add3A_58] : memref<2x320000xi32, #tpu.memory_space<hbm>> -> memref<2x88xi32, #tpu.memory_space<hbm>>
      %dma_start3A_208 = arith.constant 0 : i32
      %dma_start3A_209 = tpu.memref_slice %arg3[%dma_start3A_208, %add3A_58] : memref<2x320000xi32, #tpu.memory_space<hbm>> -> memref<2x88xi32, #tpu.memory_space<hbm>>
      tpu.enqueue_dma source(%dma_start3A_209 : memref<2x88xi32, #tpu.memory_space<hbm>>) target(%arg8 : memref<2x88xi32, #tpu.memory_space<vmem>>) target_semaphore(%run_scoped3A_205 : memref<!tpu.dma_semaphore, #tpu.memory_space<semaphore_mem>>)
      %dma_wait3A_210 = arith.constant 0 : i32
      %dma_wait3A_211 = tpu.memref_slice %arg3[%dma_wait3A_210, %add3A_58] : memref<2x320000xi32, #tpu.memory_space<hbm>> -> memref<2x88xi32, #tpu.memory_space<hbm>>
      %dma_wait3A_212 = arith.constant 0 : i32
      %dma_wait3A_213 = tpu.memref_slice %arg3[%dma_wait3A_212, %add3A_58] : memref<2x320000xi32, #tpu.memory_space<hbm>> -> memref<2x88xi32, #tpu.memory_space<hbm>>
      tpu.wait_dma2 semaphore(%run_scoped3A_205 : memref<!tpu.dma_semaphore, #tpu.memory_space<semaphore_mem>>) src(%dma_wait3A_213 : memref<2x88xi32, #tpu.memory_space<hbm>>) dst(%arg8 : memref<2x88xi32, #tpu.memory_space<vmem>>)
      tpu.yield
    }) : () -> ()
    %dma_start3A_59 = arith.constant 0 : i32
    %dma_start3A_60 = arith.constant 0 : i32
    %dma_start3A_61 = tpu.memref_slice %arg8[%dma_start3A_59, %dma_start3A_60] : memref<2x88xi32, #tpu.memory_space<vmem>> -> memref<1x88xi32, #tpu.memory_space<vmem>>
    %dma_start3A_62 = tpu.memref_squeeze %dma_start3A_61 : memref<1x88xi32, #tpu.memory_space<vmem>> -> memref<88xi32, #tpu.memory_space<vmem>>
    %dma_start3A_63 = arith.constant 0 : i32
    %dma_start3A_64 = arith.constant 0 : i32
    %dma_start3A_65 = tpu.memref_slice %arg2[%dma_start3A_63, %dma_start3A_64] : memref<10240x128xf32, #tpu.memory_space<hbm>> -> memref<10240x128xf32, #tpu.memory_space<hbm>>
    tpu.enqueue_indirect_dma source(%dma_start3A_65 : memref<10240x128xf32, #tpu.memory_space<hbm>>) target(%arg13 : memref<88x128xf32, #tpu.memory_space<vmem>>) offsets(%dma_start3A_62 : memref<88xi32, #tpu.memory_space<vmem>>) semaphore(%arg17 : memref<!tpu.dma_semaphore, #tpu.memory_space<semaphore_mem>>)
    %add3A_66 = arith.constant 264 : i32
    %add3A_67 = arith.addi %add3A_39, %add3A_66 : i32
    "tpu.region"() ({
      %run_scoped3A_205 = tpu.sem_alloc : memref<!tpu.dma_semaphore, #tpu.memory_space<semaphore_mem>>
      %dma_start3A_206 = arith.constant 0 : i32
      %dma_start3A_207 = tpu.memref_slice %arg3[%dma_start3A_206, %add3A_67] : memref<2x320000xi32, #tpu.memory_space<hbm>> -> memref<2x88xi32, #tpu.memory_space<hbm>>
      %dma_start3A_208 = arith.constant 0 : i32
      %dma_start3A_209 = tpu.memref_slice %arg3[%dma_start3A_208, %add3A_67] : memref<2x320000xi32, #tpu.memory_space<hbm>> -> memref<2x88xi32, #tpu.memory_space<hbm>>
      tpu.enqueue_dma source(%dma_start3A_209 : memref<2x88xi32, #tpu.memory_space<hbm>>) target(%arg9 : memref<2x88xi32, #tpu.memory_space<vmem>>) target_semaphore(%run_scoped3A_205 : memref<!tpu.dma_semaphore, #tpu.memory_space<semaphore_mem>>)
      %dma_wait3A_210 = arith.constant 0 : i32
      %dma_wait3A_211 = tpu.memref_slice %arg3[%dma_wait3A_210, %add3A_67] : memref<2x320000xi32, #tpu.memory_space<hbm>> -> memref<2x88xi32, #tpu.memory_space<hbm>>
      %dma_wait3A_212 = arith.constant 0 : i32
      %dma_wait3A_213 = tpu.memref_slice %arg3[%dma_wait3A_212, %add3A_67] : memref<2x320000xi32, #tpu.memory_space<hbm>> -> memref<2x88xi32, #tpu.memory_space<hbm>>
      tpu.wait_dma2 semaphore(%run_scoped3A_205 : memref<!tpu.dma_semaphore, #tpu.memory_space<semaphore_mem>>) src(%dma_wait3A_213 : memref<2x88xi32, #tpu.memory_space<hbm>>) dst(%arg9 : memref<2x88xi32, #tpu.memory_space<vmem>>)
      tpu.yield
    }) : () -> ()
    %dma_start3A_68 = arith.constant 0 : i32
    %dma_start3A_69 = arith.constant 0 : i32
    %dma_start3A_70 = tpu.memref_slice %arg9[%dma_start3A_68, %dma_start3A_69] : memref<2x88xi32, #tpu.memory_space<vmem>> -> memref<1x88xi32, #tpu.memory_space<vmem>>
    %dma_start3A_71 = tpu.memref_squeeze %dma_start3A_70 : memref<1x88xi32, #tpu.memory_space<vmem>> -> memref<88xi32, #tpu.memory_space<vmem>>
    %dma_start3A_72 = arith.constant 0 : i32
    %dma_start3A_73 = arith.constant 0 : i32
    %dma_start3A_74 = tpu.memref_slice %arg2[%dma_start3A_72, %dma_start3A_73] : memref<10240x128xf32, #tpu.memory_space<hbm>> -> memref<10240x128xf32, #tpu.memory_space<hbm>>
    tpu.enqueue_indirect_dma source(%dma_start3A_74 : memref<10240x128xf32, #tpu.memory_space<hbm>>) target(%arg14 : memref<88x128xf32, #tpu.memory_space<vmem>>) offsets(%dma_start3A_71 : memref<88xi32, #tpu.memory_space<vmem>>) semaphore(%arg18 : memref<!tpu.dma_semaphore, #tpu.memory_space<semaphore_mem>>)
    %scan3A_75 = arith.constant 0 : i32
    %scan3A_76 = arith.constant 28 : i32
    %scan3A_77 = arith.addi %scan3A_75, %scan3A_76 : i32
    %scan3A_78 = arith.constant 1 : i32
    scf.for %scan3A_205 = %scan3A_75 to %scan3A_77 step %scan3A_78  : i32 {
      %mul3A_206 = arith.constant 1 : i32
      %mul3A_207 = arith.muli %scan3A_205, %mul3A_206 : i32
      %add3A_208 = arith.constant 0 : i32
      %add3A_209 = arith.addi %add3A_208, %mul3A_207 : i32
      %dma_wait3A_210 = arith.constant 0 : i32
      %dma_wait3A_211 = arith.constant 0 : i32
      %dma_wait3A_212 = tpu.memref_slice %arg6[%dma_wait3A_210, %dma_wait3A_211] : memref<2x88xi32, #tpu.memory_space<vmem>> -> memref<1x88xi32, #tpu.memory_space<vmem>>
      %dma_wait3A_213 = tpu.memref_squeeze %dma_wait3A_212 : memref<1x88xi32, #tpu.memory_space<vmem>> -> memref<88xi32, #tpu.memory_space<vmem>>
      %dma_wait3A_214 = arith.constant 0 : i32
      %dma_wait3A_215 = arith.constant 0 : i32
      %dma_wait3A_216 = tpu.memref_slice %arg2[%dma_wait3A_214, %dma_wait3A_215] : memref<10240x128xf32, #tpu.memory_space<hbm>> -> memref<10240x128xf32, #tpu.memory_space<hbm>>
      tpu.wait_indirect_dma semaphore(%arg15 : memref<!tpu.dma_semaphore, #tpu.memory_space<semaphore_mem>>) src(%dma_wait3A_216 : memref<10240x128xf32, #tpu.memory_space<hbm>>) dst(%arg11 : memref<88x128xf32, #tpu.memory_space<vmem>>)
      %dma_start3A_217 = arith.constant 1 : i32
      %dma_start3A_218 = arith.constant 0 : i32
      %dma_start3A_219 = tpu.memref_slice %arg6[%dma_start3A_217, %dma_start3A_218] : memref<2x88xi32, #tpu.memory_space<vmem>> -> memref<1x88xi32, #tpu.memory_space<vmem>>
      %dma_start3A_220 = tpu.memref_squeeze %dma_start3A_219 : memref<1x88xi32, #tpu.memory_space<vmem>> -> memref<88xi32, #tpu.memory_space<vmem>>
      %dma_start3A_221 = arith.constant 0 : i32
      %dma_start3A_222 = arith.constant 0 : i32
      %dma_start3A_223 = tpu.memref_slice %arg5[%dma_start3A_221, %dma_start3A_222] : memref<10240x128xf32, #tpu.memory_space<vmem_shared>> -> memref<10240x128xf32, #tpu.memory_space<vmem_shared>>
      tpu.enqueue_indirect_dma source(%arg11 : memref<88x128xf32, #tpu.memory_space<vmem>>) target(%dma_start3A_223 : memref<10240x128xf32, #tpu.memory_space<vmem_shared>>) offsets(%dma_start3A_220 : memref<88xi32, #tpu.memory_space<vmem>>) semaphore(%arg19 : memref<!tpu.dma_semaphore, #tpu.memory_space<semaphore_mem>>) {add = true}
      %dma_wait3A_224 = arith.constant 0 : i32
      %dma_wait3A_225 = arith.constant 0 : i32
      %dma_wait3A_226 = tpu.memref_slice %arg7[%dma_wait3A_224, %dma_wait3A_225] : memref<2x88xi32, #tpu.memory_space<vmem>> -> memref<1x88xi32, #tpu.memory_space<vmem>>
      %dma_wait3A_227 = tpu.memref_squeeze %dma_wait3A_226 : memref<1x88xi32, #tpu.memory_space<vmem>> -> memref<88xi32, #tpu.memory_space<vmem>>
      %dma_wait3A_228 = arith.constant 0 : i32
      %dma_wait3A_229 = arith.constant 0 : i32
      %dma_wait3A_230 = tpu.memref_slice %arg2[%dma_wait3A_228, %dma_wait3A_229] : memref<10240x128xf32, #tpu.memory_space<hbm>> -> memref<10240x128xf32, #tpu.memory_space<hbm>>
      tpu.wait_indirect_dma semaphore(%arg16 : memref<!tpu.dma_semaphore, #tpu.memory_space<semaphore_mem>>) src(%dma_wait3A_230 : memref<10240x128xf32, #tpu.memory_space<hbm>>) dst(%arg12 : memref<88x128xf32, #tpu.memory_space<vmem>>)
      %dma_start3A_231 = arith.constant 1 : i32
      %dma_start3A_232 = arith.constant 0 : i32
      %dma_start3A_233 = tpu.memref_slice %arg7[%dma_start3A_231, %dma_start3A_232] : memref<2x88xi32, #tpu.memory_space<vmem>> -> memref<1x88xi32, #tpu.memory_space<vmem>>
      %dma_start3A_234 = tpu.memref_squeeze %dma_start3A_233 : memref<1x88xi32, #tpu.memory_space<vmem>> -> memref<88xi32, #tpu.memory_space<vmem>>
      %dma_start3A_235 = arith.constant 0 : i32
      %dma_start3A_236 = arith.constant 0 : i32
      %dma_start3A_237 = tpu.memref_slice %arg5[%dma_start3A_235, %dma_start3A_236] : memref<10240x128xf32, #tpu.memory_space<vmem_shared>> -> memref<10240x128xf32, #tpu.memory_space<vmem_shared>>
      tpu.enqueue_indirect_dma source(%arg12 : memref<88x128xf32, #tpu.memory_space<vmem>>) target(%dma_start3A_237 : memref<10240x128xf32, #tpu.memory_space<vmem_shared>>) offsets(%dma_start3A_234 : memref<88xi32, #tpu.memory_space<vmem>>) semaphore(%arg20 : memref<!tpu.dma_semaphore, #tpu.memory_space<semaphore_mem>>) {add = true}
      %dma_wait3A_238 = arith.constant 0 : i32
      %dma_wait3A_239 = arith.constant 0 : i32
      %dma_wait3A_240 = tpu.memref_slice %arg8[%dma_wait3A_238, %dma_wait3A_239] : memref<2x88xi32, #tpu.memory_space<vmem>> -> memref<1x88xi32, #tpu.memory_space<vmem>>
      %dma_wait3A_241 = tpu.memref_squeeze %dma_wait3A_240 : memref<1x88xi32, #tpu.memory_space<vmem>> -> memref<88xi32, #tpu.memory_space<vmem>>
      %dma_wait3A_242 = arith.constant 0 : i32
      %dma_wait3A_243 = arith.constant 0 : i32
      %dma_wait3A_244 = tpu.memref_slice %arg2[%dma_wait3A_242, %dma_wait3A_243] : memref<10240x128xf32, #tpu.memory_space<hbm>> -> memref<10240x128xf32, #tpu.memory_space<hbm>>
      tpu.wait_indirect_dma semaphore(%arg17 : memref<!tpu.dma_semaphore, #tpu.memory_space<semaphore_mem>>) src(%dma_wait3A_244 : memref<10240x128xf32, #tpu.memory_space<hbm>>) dst(%arg13 : memref<88x128xf32, #tpu.memory_space<vmem>>)
      %dma_start3A_245 = arith.constant 1 : i32
      %dma_start3A_246 = arith.constant 0 : i32
      %dma_start3A_247 = tpu.memref_slice %arg8[%dma_start3A_245, %dma_start3A_246] : memref<2x88xi32, #tpu.memory_space<vmem>> -> memref<1x88xi32, #tpu.memory_space<vmem>>
      %dma_start3A_248 = tpu.memref_squeeze %dma_start3A_247 : memref<1x88xi32, #tpu.memory_space<vmem>> -> memref<88xi32, #tpu.memory_space<vmem>>
      %dma_start3A_249 = arith.constant 0 : i32
      %dma_start3A_250 = arith.constant 0 : i32
      %dma_start3A_251 = tpu.memref_slice %arg5[%dma_start3A_249, %dma_start3A_250] : memref<10240x128xf32, #tpu.memory_space<vmem_shared>> -> memref<10240x128xf32, #tpu.memory_space<vmem_shared>>
      tpu.enqueue_indirect_dma source(%arg13 : memref<88x128xf32, #tpu.memory_space<vmem>>) target(%dma_start3A_251 : memref<10240x128xf32, #tpu.memory_space<vmem_shared>>) offsets(%dma_start3A_248 : memref<88xi32, #tpu.memory_space<vmem>>) semaphore(%arg21 : memref<!tpu.dma_semaphore, #tpu.memory_space<semaphore_mem>>) {add = true}
      %dma_wait3A_252 = arith.constant 0 : i32
      %dma_wait3A_253 = arith.constant 0 : i32
      %dma_wait3A_254 = tpu.memref_slice %arg9[%dma_wait3A_252, %dma_wait3A_253] : memref<2x88xi32, #tpu.memory_space<vmem>> -> memref<1x88xi32, #tpu.memory_space<vmem>>
      %dma_wait3A_255 = tpu.memref_squeeze %dma_wait3A_254 : memref<1x88xi32, #tpu.memory_space<vmem>> -> memref<88xi32, #tpu.memory_space<vmem>>
      %dma_wait3A_256 = arith.constant 0 : i32
      %dma_wait3A_257 = arith.constant 0 : i32
      %dma_wait3A_258 = tpu.memref_slice %arg2[%dma_wait3A_256, %dma_wait3A_257] : memref<10240x128xf32, #tpu.memory_space<hbm>> -> memref<10240x128xf32, #tpu.memory_space<hbm>>
      tpu.wait_indirect_dma semaphore(%arg18 : memref<!tpu.dma_semaphore, #tpu.memory_space<semaphore_mem>>) src(%dma_wait3A_258 : memref<10240x128xf32, #tpu.memory_space<hbm>>) dst(%arg14 : memref<88x128xf32, #tpu.memory_space<vmem>>)
      %dma_start3A_259 = arith.constant 1 : i32
      %dma_start3A_260 = arith.constant 0 : i32
      %dma_start3A_261 = tpu.memref_slice %arg9[%dma_start3A_259, %dma_start3A_260] : memref<2x88xi32, #tpu.memory_space<vmem>> -> memref<1x88xi32, #tpu.memory_space<vmem>>
      %dma_start3A_262 = tpu.memref_squeeze %dma_start3A_261 : memref<1x88xi32, #tpu.memory_space<vmem>> -> memref<88xi32, #tpu.memory_space<vmem>>
      %dma_start3A_263 = arith.constant 0 : i32
      %dma_start3A_264 = arith.constant 0 : i32
      %dma_start3A_265 = tpu.memref_slice %arg5[%dma_start3A_263, %dma_start3A_264] : memref<10240x128xf32, #tpu.memory_space<vmem_shared>> -> memref<10240x128xf32, #tpu.memory_space<vmem_shared>>
      tpu.enqueue_indirect_dma source(%arg14 : memref<88x128xf32, #tpu.memory_space<vmem>>) target(%dma_start3A_265 : memref<10240x128xf32, #tpu.memory_space<vmem_shared>>) offsets(%dma_start3A_262 : memref<88xi32, #tpu.memory_space<vmem>>) semaphore(%arg22 : memref<!tpu.dma_semaphore, #tpu.memory_space<semaphore_mem>>) {add = true}
      %lt3A = arith.constant 27 : i32
      %lt3A_266 = arith.cmpi slt, %add3A_209, %lt3A : i32
      %convert_element_type3A = arith.extui %lt3A_266 : i1 to i32
      %cond3A = arith.constant 0 : i32
      %cond3A_267 = arith.cmpi ne, %convert_element_type3A, %cond3A : i32
      scf.if %cond3A_267 {
        %dma_wait3A_283 = arith.constant 1 : i32
        %dma_wait3A_284 = arith.constant 0 : i32
        %dma_wait3A_285 = tpu.memref_slice %arg6[%dma_wait3A_283, %dma_wait3A_284] : memref<2x88xi32, #tpu.memory_space<vmem>> -> memref<1x88xi32, #tpu.memory_space<vmem>>
        %dma_wait3A_286 = tpu.memref_squeeze %dma_wait3A_285 : memref<1x88xi32, #tpu.memory_space<vmem>> -> memref<88xi32, #tpu.memory_space<vmem>>
        %dma_wait3A_287 = arith.constant 0 : i32
        %dma_wait3A_288 = arith.constant 0 : i32
        %dma_wait3A_289 = tpu.memref_slice %arg5[%dma_wait3A_287, %dma_wait3A_288] : memref<10240x128xf32, #tpu.memory_space<vmem_shared>> -> memref<10240x128xf32, #tpu.memory_space<vmem_shared>>
        tpu.wait_indirect_dma semaphore(%arg19 : memref<!tpu.dma_semaphore, #tpu.memory_space<semaphore_mem>>) src(%arg11 : memref<88x128xf32, #tpu.memory_space<vmem>>) dst(%dma_wait3A_289 : memref<10240x128xf32, #tpu.memory_space<vmem_shared>>)
        %mul3A_290 = arith.constant 4 : i32
        %mul3A_291 = arith.muli %mul3A_290, %add3A_209 : i32
        %add3A_292 = arith.constant 4 : i32
        %add3A_293 = arith.addi %mul3A_291, %add3A_292 : i32
        %add3A_294 = arith.constant 0 : i32
        %add3A_295 = arith.addi %add3A_293, %add3A_294 : i32
        %mul3A_296 = arith.constant 88 : i32
        %mul3A_297 = arith.muli %add3A_295, %mul3A_296 : i32
        %add3A_298 = arith.addi %add3A_39, %mul3A_297 : i32
        "tpu.region"() ({
          %run_scoped3A_306 = tpu.sem_alloc : memref<!tpu.dma_semaphore, #tpu.memory_space<semaphore_mem>>
          %dma_start3A_307 = arith.constant 0 : i32
          %dma_start3A_308 = tpu.memref_slice %arg3[%dma_start3A_307, %add3A_298] : memref<2x320000xi32, #tpu.memory_space<hbm>> -> memref<2x88xi32, #tpu.memory_space<hbm>>
          %dma_start3A_309 = arith.constant 0 : i32
          %dma_start3A_310 = tpu.memref_slice %arg3[%dma_start3A_309, %add3A_298] : memref<2x320000xi32, #tpu.memory_space<hbm>> -> memref<2x88xi32, #tpu.memory_space<hbm>>
          tpu.enqueue_dma source(%dma_start3A_310 : memref<2x88xi32, #tpu.memory_space<hbm>>) target(%arg6 : memref<2x88xi32, #tpu.memory_space<vmem>>) target_semaphore(%run_scoped3A_306 : memref<!tpu.dma_semaphore, #tpu.memory_space<semaphore_mem>>)
          %dma_wait3A_311 = arith.constant 0 : i32
          %dma_wait3A_312 = tpu.memref_slice %arg3[%dma_wait3A_311, %add3A_298] : memref<2x320000xi32, #tpu.memory_space<hbm>> -> memref<2x88xi32, #tpu.memory_space<hbm>>
          %dma_wait3A_313 = arith.constant 0 : i32
          %dma_wait3A_314 = tpu.memref_slice %arg3[%dma_wait3A_313, %add3A_298] : memref<2x320000xi32, #tpu.memory_space<hbm>> -> memref<2x88xi32, #tpu.memory_space<hbm>>
          tpu.wait_dma2 semaphore(%run_scoped3A_306 : memref<!tpu.dma_semaphore, #tpu.memory_space<semaphore_mem>>) src(%dma_wait3A_314 : memref<2x88xi32, #tpu.memory_space<hbm>>) dst(%arg6 : memref<2x88xi32, #tpu.memory_space<vmem>>)
          tpu.yield
        }) : () -> ()
        %dma_start3A_299 = arith.constant 0 : i32
        %dma_start3A_300 = arith.constant 0 : i32
        %dma_start3A_301 = tpu.memref_slice %arg6[%dma_start3A_299, %dma_start3A_300] : memref<2x88xi32, #tpu.memory_space<vmem>> -> memref<1x88xi32, #tpu.memory_space<vmem>>
        %dma_start3A_302 = tpu.memref_squeeze %dma_start3A_301 : memref<1x88xi32, #tpu.memory_space<vmem>> -> memref<88xi32, #tpu.memory_space<vmem>>
        %dma_start3A_303 = arith.constant 0 : i32
        %dma_start3A_304 = arith.constant 0 : i32
        %dma_start3A_305 = tpu.memref_slice %arg2[%dma_start3A_303, %dma_start3A_304] : memref<10240x128xf32, #tpu.memory_space<hbm>> -> memref<10240x128xf32, #tpu.memory_space<hbm>>
        tpu.enqueue_indirect_dma source(%dma_start3A_305 : memref<10240x128xf32, #tpu.memory_space<hbm>>) target(%arg11 : memref<88x128xf32, #tpu.memory_space<vmem>>) offsets(%dma_start3A_302 : memref<88xi32, #tpu.memory_space<vmem>>) semaphore(%arg15 : memref<!tpu.dma_semaphore, #tpu.memory_space<semaphore_mem>>)
      } else {
      }
      %lt3A_268 = arith.constant 27 : i32
      %lt3A_269 = arith.cmpi slt, %add3A_209, %lt3A_268 : i32
      %convert_element_type3A_270 = arith.extui %lt3A_269 : i1 to i32
      %cond3A_271 = arith.constant 0 : i32
      %cond3A_272 = arith.cmpi ne, %convert_element_type3A_270, %cond3A_271 : i32
      scf.if %cond3A_272 {
        %dma_wait3A_283 = arith.constant 1 : i32
        %dma_wait3A_284 = arith.constant 0 : i32
        %dma_wait3A_285 = tpu.memref_slice %arg7[%dma_wait3A_283, %dma_wait3A_284] : memref<2x88xi32, #tpu.memory_space<vmem>> -> memref<1x88xi32, #tpu.memory_space<vmem>>
        %dma_wait3A_286 = tpu.memref_squeeze %dma_wait3A_285 : memref<1x88xi32, #tpu.memory_space<vmem>> -> memref<88xi32, #tpu.memory_space<vmem>>
        %dma_wait3A_287 = arith.constant 0 : i32
        %dma_wait3A_288 = arith.constant 0 : i32
        %dma_wait3A_289 = tpu.memref_slice %arg5[%dma_wait3A_287, %dma_wait3A_288] : memref<10240x128xf32, #tpu.memory_space<vmem_shared>> -> memref<10240x128xf32, #tpu.memory_space<vmem_shared>>
        tpu.wait_indirect_dma semaphore(%arg20 : memref<!tpu.dma_semaphore, #tpu.memory_space<semaphore_mem>>) src(%arg12 : memref<88x128xf32, #tpu.memory_space<vmem>>) dst(%dma_wait3A_289 : memref<10240x128xf32, #tpu.memory_space<vmem_shared>>)
        %mul3A_290 = arith.constant 4 : i32
        %mul3A_291 = arith.muli %mul3A_290, %add3A_209 : i32
        %add3A_292 = arith.constant 4 : i32
        %add3A_293 = arith.addi %mul3A_291, %add3A_292 : i32
        %add3A_294 = arith.constant 1 : i32
        %add3A_295 = arith.addi %add3A_293, %add3A_294 : i32
        %mul3A_296 = arith.constant 88 : i32
        %mul3A_297 = arith.muli %add3A_295, %mul3A_296 : i32
        %add3A_298 = arith.addi %add3A_39, %mul3A_297 : i32
        "tpu.region"() ({
          %run_scoped3A_306 = tpu.sem_alloc : memref<!tpu.dma_semaphore, #tpu.memory_space<semaphore_mem>>
          %dma_start3A_307 = arith.constant 0 : i32
          %dma_start3A_308 = tpu.memref_slice %arg3[%dma_start3A_307, %add3A_298] : memref<2x320000xi32, #tpu.memory_space<hbm>> -> memref<2x88xi32, #tpu.memory_space<hbm>>
          %dma_start3A_309 = arith.constant 0 : i32
          %dma_start3A_310 = tpu.memref_slice %arg3[%dma_start3A_309, %add3A_298] : memref<2x320000xi32, #tpu.memory_space<hbm>> -> memref<2x88xi32, #tpu.memory_space<hbm>>
          tpu.enqueue_dma source(%dma_start3A_310 : memref<2x88xi32, #tpu.memory_space<hbm>>) target(%arg7 : memref<2x88xi32, #tpu.memory_space<vmem>>) target_semaphore(%run_scoped3A_306 : memref<!tpu.dma_semaphore, #tpu.memory_space<semaphore_mem>>)
          %dma_wait3A_311 = arith.constant 0 : i32
          %dma_wait3A_312 = tpu.memref_slice %arg3[%dma_wait3A_311, %add3A_298] : memref<2x320000xi32, #tpu.memory_space<hbm>> -> memref<2x88xi32, #tpu.memory_space<hbm>>
          %dma_wait3A_313 = arith.constant 0 : i32
          %dma_wait3A_314 = tpu.memref_slice %arg3[%dma_wait3A_313, %add3A_298] : memref<2x320000xi32, #tpu.memory_space<hbm>> -> memref<2x88xi32, #tpu.memory_space<hbm>>
          tpu.wait_dma2 semaphore(%run_scoped3A_306 : memref<!tpu.dma_semaphore, #tpu.memory_space<semaphore_mem>>) src(%dma_wait3A_314 : memref<2x88xi32, #tpu.memory_space<hbm>>) dst(%arg7 : memref<2x88xi32, #tpu.memory_space<vmem>>)
          tpu.yield
        }) : () -> ()
        %dma_start3A_299 = arith.constant 0 : i32
        %dma_start3A_300 = arith.constant 0 : i32
        %dma_start3A_301 = tpu.memref_slice %arg7[%dma_start3A_299, %dma_start3A_300] : memref<2x88xi32, #tpu.memory_space<vmem>> -> memref<1x88xi32, #tpu.memory_space<vmem>>
        %dma_start3A_302 = tpu.memref_squeeze %dma_start3A_301 : memref<1x88xi32, #tpu.memory_space<vmem>> -> memref<88xi32, #tpu.memory_space<vmem>>
        %dma_start3A_303 = arith.constant 0 : i32
        %dma_start3A_304 = arith.constant 0 : i32
        %dma_start3A_305 = tpu.memref_slice %arg2[%dma_start3A_303, %dma_start3A_304] : memref<10240x128xf32, #tpu.memory_space<hbm>> -> memref<10240x128xf32, #tpu.memory_space<hbm>>
        tpu.enqueue_indirect_dma source(%dma_start3A_305 : memref<10240x128xf32, #tpu.memory_space<hbm>>) target(%arg12 : memref<88x128xf32, #tpu.memory_space<vmem>>) offsets(%dma_start3A_302 : memref<88xi32, #tpu.memory_space<vmem>>) semaphore(%arg16 : memref<!tpu.dma_semaphore, #tpu.memory_space<semaphore_mem>>)
      } else {
      }
      %lt3A_273 = arith.constant 27 : i32
      %lt3A_274 = arith.cmpi slt, %add3A_209, %lt3A_273 : i32
      %convert_element_type3A_275 = arith.extui %lt3A_274 : i1 to i32
      %cond3A_276 = arith.constant 0 : i32
      %cond3A_277 = arith.cmpi ne, %convert_element_type3A_275, %cond3A_276 : i32
      scf.if %cond3A_277 {
        %dma_wait3A_283 = arith.constant 1 : i32
        %dma_wait3A_284 = arith.constant 0 : i32
        %dma_wait3A_285 = tpu.memref_slice %arg8[%dma_wait3A_283, %dma_wait3A_284] : memref<2x88xi32, #tpu.memory_space<vmem>> -> memref<1x88xi32, #tpu.memory_space<vmem>>
        %dma_wait3A_286 = tpu.memref_squeeze %dma_wait3A_285 : memref<1x88xi32, #tpu.memory_space<vmem>> -> memref<88xi32, #tpu.memory_space<vmem>>
        %dma_wait3A_287 = arith.constant 0 : i32
        %dma_wait3A_288 = arith.constant 0 : i32
        %dma_wait3A_289 = tpu.memref_slice %arg5[%dma_wait3A_287, %dma_wait3A_288] : memref<10240x128xf32, #tpu.memory_space<vmem_shared>> -> memref<10240x128xf32, #tpu.memory_space<vmem_shared>>
        tpu.wait_indirect_dma semaphore(%arg21 : memref<!tpu.dma_semaphore, #tpu.memory_space<semaphore_mem>>) src(%arg13 : memref<88x128xf32, #tpu.memory_space<vmem>>) dst(%dma_wait3A_289 : memref<10240x128xf32, #tpu.memory_space<vmem_shared>>)
        %mul3A_290 = arith.constant 4 : i32
        %mul3A_291 = arith.muli %mul3A_290, %add3A_209 : i32
        %add3A_292 = arith.constant 4 : i32
        %add3A_293 = arith.addi %mul3A_291, %add3A_292 : i32
        %add3A_294 = arith.constant 2 : i32
        %add3A_295 = arith.addi %add3A_293, %add3A_294 : i32
        %mul3A_296 = arith.constant 88 : i32
        %mul3A_297 = arith.muli %add3A_295, %mul3A_296 : i32
        %add3A_298 = arith.addi %add3A_39, %mul3A_297 : i32
        "tpu.region"() ({
          %run_scoped3A_306 = tpu.sem_alloc : memref<!tpu.dma_semaphore, #tpu.memory_space<semaphore_mem>>
          %dma_start3A_307 = arith.constant 0 : i32
          %dma_start3A_308 = tpu.memref_slice %arg3[%dma_start3A_307, %add3A_298] : memref<2x320000xi32, #tpu.memory_space<hbm>> -> memref<2x88xi32, #tpu.memory_space<hbm>>
          %dma_start3A_309 = arith.constant 0 : i32
          %dma_start3A_310 = tpu.memref_slice %arg3[%dma_start3A_309, %add3A_298] : memref<2x320000xi32, #tpu.memory_space<hbm>> -> memref<2x88xi32, #tpu.memory_space<hbm>>
          tpu.enqueue_dma source(%dma_start3A_310 : memref<2x88xi32, #tpu.memory_space<hbm>>) target(%arg8 : memref<2x88xi32, #tpu.memory_space<vmem>>) target_semaphore(%run_scoped3A_306 : memref<!tpu.dma_semaphore, #tpu.memory_space<semaphore_mem>>)
          %dma_wait3A_311 = arith.constant 0 : i32
          %dma_wait3A_312 = tpu.memref_slice %arg3[%dma_wait3A_311, %add3A_298] : memref<2x320000xi32, #tpu.memory_space<hbm>> -> memref<2x88xi32, #tpu.memory_space<hbm>>
          %dma_wait3A_313 = arith.constant 0 : i32
          %dma_wait3A_314 = tpu.memref_slice %arg3[%dma_wait3A_313, %add3A_298] : memref<2x320000xi32, #tpu.memory_space<hbm>> -> memref<2x88xi32, #tpu.memory_space<hbm>>
          tpu.wait_dma2 semaphore(%run_scoped3A_306 : memref<!tpu.dma_semaphore, #tpu.memory_space<semaphore_mem>>) src(%dma_wait3A_314 : memref<2x88xi32, #tpu.memory_space<hbm>>) dst(%arg8 : memref<2x88xi32, #tpu.memory_space<vmem>>)
          tpu.yield
        }) : () -> ()
        %dma_start3A_299 = arith.constant 0 : i32
        %dma_start3A_300 = arith.constant 0 : i32
        %dma_start3A_301 = tpu.memref_slice %arg8[%dma_start3A_299, %dma_start3A_300] : memref<2x88xi32, #tpu.memory_space<vmem>> -> memref<1x88xi32, #tpu.memory_space<vmem>>
        %dma_start3A_302 = tpu.memref_squeeze %dma_start3A_301 : memref<1x88xi32, #tpu.memory_space<vmem>> -> memref<88xi32, #tpu.memory_space<vmem>>
        %dma_start3A_303 = arith.constant 0 : i32
        %dma_start3A_304 = arith.constant 0 : i32
        %dma_start3A_305 = tpu.memref_slice %arg2[%dma_start3A_303, %dma_start3A_304] : memref<10240x128xf32, #tpu.memory_space<hbm>> -> memref<10240x128xf32, #tpu.memory_space<hbm>>
        tpu.enqueue_indirect_dma source(%dma_start3A_305 : memref<10240x128xf32, #tpu.memory_space<hbm>>) target(%arg13 : memref<88x128xf32, #tpu.memory_space<vmem>>) offsets(%dma_start3A_302 : memref<88xi32, #tpu.memory_space<vmem>>) semaphore(%arg17 : memref<!tpu.dma_semaphore, #tpu.memory_space<semaphore_mem>>)
      } else {
      }
      %lt3A_278 = arith.constant 27 : i32
      %lt3A_279 = arith.cmpi slt, %add3A_209, %lt3A_278 : i32
      %convert_element_type3A_280 = arith.extui %lt3A_279 : i1 to i32
      %cond3A_281 = arith.constant 0 : i32
      %cond3A_282 = arith.cmpi ne, %convert_element_type3A_280, %cond3A_281 : i32
      scf.if %cond3A_282 {
        %dma_wait3A_283 = arith.constant 1 : i32
        %dma_wait3A_284 = arith.constant 0 : i32
        %dma_wait3A_285 = tpu.memref_slice %arg9[%dma_wait3A_283, %dma_wait3A_284] : memref<2x88xi32, #tpu.memory_space<vmem>> -> memref<1x88xi32, #tpu.memory_space<vmem>>
        %dma_wait3A_286 = tpu.memref_squeeze %dma_wait3A_285 : memref<1x88xi32, #tpu.memory_space<vmem>> -> memref<88xi32, #tpu.memory_space<vmem>>
        %dma_wait3A_287 = arith.constant 0 : i32
        %dma_wait3A_288 = arith.constant 0 : i32
        %dma_wait3A_289 = tpu.memref_slice %arg5[%dma_wait3A_287, %dma_wait3A_288] : memref<10240x128xf32, #tpu.memory_space<vmem_shared>> -> memref<10240x128xf32, #tpu.memory_space<vmem_shared>>
        tpu.wait_indirect_dma semaphore(%arg22 : memref<!tpu.dma_semaphore, #tpu.memory_space<semaphore_mem>>) src(%arg14 : memref<88x128xf32, #tpu.memory_space<vmem>>) dst(%dma_wait3A_289 : memref<10240x128xf32, #tpu.memory_space<vmem_shared>>)
        %mul3A_290 = arith.constant 4 : i32
        %mul3A_291 = arith.muli %mul3A_290, %add3A_209 : i32
        %add3A_292 = arith.constant 4 : i32
        %add3A_293 = arith.addi %mul3A_291, %add3A_292 : i32
        %add3A_294 = arith.constant 3 : i32
        %add3A_295 = arith.addi %add3A_293, %add3A_294 : i32
        %mul3A_296 = arith.constant 88 : i32
        %mul3A_297 = arith.muli %add3A_295, %mul3A_296 : i32
        %add3A_298 = arith.addi %add3A_39, %mul3A_297 : i32
        "tpu.region"() ({
          %run_scoped3A_306 = tpu.sem_alloc : memref<!tpu.dma_semaphore, #tpu.memory_space<semaphore_mem>>
          %dma_start3A_307 = arith.constant 0 : i32
          %dma_start3A_308 = tpu.memref_slice %arg3[%dma_start3A_307, %add3A_298] : memref<2x320000xi32, #tpu.memory_space<hbm>> -> memref<2x88xi32, #tpu.memory_space<hbm>>
          %dma_start3A_309 = arith.constant 0 : i32
          %dma_start3A_310 = tpu.memref_slice %arg3[%dma_start3A_309, %add3A_298] : memref<2x320000xi32, #tpu.memory_space<hbm>> -> memref<2x88xi32, #tpu.memory_space<hbm>>
          tpu.enqueue_dma source(%dma_start3A_310 : memref<2x88xi32, #tpu.memory_space<hbm>>) target(%arg9 : memref<2x88xi32, #tpu.memory_space<vmem>>) target_semaphore(%run_scoped3A_306 : memref<!tpu.dma_semaphore, #tpu.memory_space<semaphore_mem>>)
          %dma_wait3A_311 = arith.constant 0 : i32
          %dma_wait3A_312 = tpu.memref_slice %arg3[%dma_wait3A_311, %add3A_298] : memref<2x320000xi32, #tpu.memory_space<hbm>> -> memref<2x88xi32, #tpu.memory_space<hbm>>
          %dma_wait3A_313 = arith.constant 0 : i32
          %dma_wait3A_314 = tpu.memref_slice %arg3[%dma_wait3A_313, %add3A_298] : memref<2x320000xi32, #tpu.memory_space<hbm>> -> memref<2x88xi32, #tpu.memory_space<hbm>>
          tpu.wait_dma2 semaphore(%run_scoped3A_306 : memref<!tpu.dma_semaphore, #tpu.memory_space<semaphore_mem>>) src(%dma_wait3A_314 : memref<2x88xi32, #tpu.memory_space<hbm>>) dst(%arg9 : memref<2x88xi32, #tpu.memory_space<vmem>>)
          tpu.yield
        }) : () -> ()
        %dma_start3A_299 = arith.constant 0 : i32
        %dma_start3A_300 = arith.constant 0 : i32
        %dma_start3A_301 = tpu.memref_slice %arg9[%dma_start3A_299, %dma_start3A_300] : memref<2x88xi32, #tpu.memory_space<vmem>> -> memref<1x88xi32, #tpu.memory_space<vmem>>
        %dma_start3A_302 = tpu.memref_squeeze %dma_start3A_301 : memref<1x88xi32, #tpu.memory_space<vmem>> -> memref<88xi32, #tpu.memory_space<vmem>>
        %dma_start3A_303 = arith.constant 0 : i32
        %dma_start3A_304 = arith.constant 0 : i32
        %dma_start3A_305 = tpu.memref_slice %arg2[%dma_start3A_303, %dma_start3A_304] : memref<10240x128xf32, #tpu.memory_space<hbm>> -> memref<10240x128xf32, #tpu.memory_space<hbm>>
        tpu.enqueue_indirect_dma source(%dma_start3A_305 : memref<10240x128xf32, #tpu.memory_space<hbm>>) target(%arg14 : memref<88x128xf32, #tpu.memory_space<vmem>>) offsets(%dma_start3A_302 : memref<88xi32, #tpu.memory_space<vmem>>) semaphore(%arg18 : memref<!tpu.dma_semaphore, #tpu.memory_space<semaphore_mem>>)
      } else {
      }
    }
    %scan3A_79 = arith.constant 28 : i32
    %dma_wait3A = arith.constant 1 : i32
    %dma_wait3A_80 = arith.constant 0 : i32
    %dma_wait3A_81 = tpu.memref_slice %arg6[%dma_wait3A, %dma_wait3A_80] : memref<2x88xi32, #tpu.memory_space<vmem>> -> memref<1x88xi32, #tpu.memory_space<vmem>>
    %dma_wait3A_82 = tpu.memref_squeeze %dma_wait3A_81 : memref<1x88xi32, #tpu.memory_space<vmem>> -> memref<88xi32, #tpu.memory_space<vmem>>
    %dma_wait3A_83 = arith.constant 0 : i32
    %dma_wait3A_84 = arith.constant 0 : i32
    %dma_wait3A_85 = tpu.memref_slice %arg5[%dma_wait3A_83, %dma_wait3A_84] : memref<10240x128xf32, #tpu.memory_space<vmem_shared>> -> memref<10240x128xf32, #tpu.memory_space<vmem_shared>>
    tpu.wait_indirect_dma semaphore(%arg19 : memref<!tpu.dma_semaphore, #tpu.memory_space<semaphore_mem>>) src(%arg11 : memref<88x128xf32, #tpu.memory_space<vmem>>) dst(%dma_wait3A_85 : memref<10240x128xf32, #tpu.memory_space<vmem_shared>>)
    %dma_wait3A_86 = arith.constant 1 : i32
    %dma_wait3A_87 = arith.constant 0 : i32
    %dma_wait3A_88 = tpu.memref_slice %arg7[%dma_wait3A_86, %dma_wait3A_87] : memref<2x88xi32, #tpu.memory_space<vmem>> -> memref<1x88xi32, #tpu.memory_space<vmem>>
    %dma_wait3A_89 = tpu.memref_squeeze %dma_wait3A_88 : memref<1x88xi32, #tpu.memory_space<vmem>> -> memref<88xi32, #tpu.memory_space<vmem>>
    %dma_wait3A_90 = arith.constant 0 : i32
    %dma_wait3A_91 = arith.constant 0 : i32
    %dma_wait3A_92 = tpu.memref_slice %arg5[%dma_wait3A_90, %dma_wait3A_91] : memref<10240x128xf32, #tpu.memory_space<vmem_shared>> -> memref<10240x128xf32, #tpu.memory_space<vmem_shared>>
    tpu.wait_indirect_dma semaphore(%arg20 : memref<!tpu.dma_semaphore, #tpu.memory_space<semaphore_mem>>) src(%arg12 : memref<88x128xf32, #tpu.memory_space<vmem>>) dst(%dma_wait3A_92 : memref<10240x128xf32, #tpu.memory_space<vmem_shared>>)
    %dma_wait3A_93 = arith.constant 1 : i32
    %dma_wait3A_94 = arith.constant 0 : i32
    %dma_wait3A_95 = tpu.memref_slice %arg8[%dma_wait3A_93, %dma_wait3A_94] : memref<2x88xi32, #tpu.memory_space<vmem>> -> memref<1x88xi32, #tpu.memory_space<vmem>>
    %dma_wait3A_96 = tpu.memref_squeeze %dma_wait3A_95 : memref<1x88xi32, #tpu.memory_space<vmem>> -> memref<88xi32, #tpu.memory_space<vmem>>
    %dma_wait3A_97 = arith.constant 0 : i32
    %dma_wait3A_98 = arith.constant 0 : i32
    %dma_wait3A_99 = tpu.memref_slice %arg5[%dma_wait3A_97, %dma_wait3A_98] : memref<10240x128xf32, #tpu.memory_space<vmem_shared>> -> memref<10240x128xf32, #tpu.memory_space<vmem_shared>>
    tpu.wait_indirect_dma semaphore(%arg21 : memref<!tpu.dma_semaphore, #tpu.memory_space<semaphore_mem>>) src(%arg13 : memref<88x128xf32, #tpu.memory_space<vmem>>) dst(%dma_wait3A_99 : memref<10240x128xf32, #tpu.memory_space<vmem_shared>>)
    %dma_wait3A_100 = arith.constant 1 : i32
    %dma_wait3A_101 = arith.constant 0 : i32
    %dma_wait3A_102 = tpu.memref_slice %arg9[%dma_wait3A_100, %dma_wait3A_101] : memref<2x88xi32, #tpu.memory_space<vmem>> -> memref<1x88xi32, #tpu.memory_space<vmem>>
    %dma_wait3A_103 = tpu.memref_squeeze %dma_wait3A_102 : memref<1x88xi32, #tpu.memory_space<vmem>> -> memref<88xi32, #tpu.memory_space<vmem>>
    %dma_wait3A_104 = arith.constant 0 : i32
    %dma_wait3A_105 = arith.constant 0 : i32
    %dma_wait3A_106 = tpu.memref_slice %arg5[%dma_wait3A_104, %dma_wait3A_105] : memref<10240x128xf32, #tpu.memory_space<vmem_shared>> -> memref<10240x128xf32, #tpu.memory_space<vmem_shared>>
    tpu.wait_indirect_dma semaphore(%arg22 : memref<!tpu.dma_semaphore, #tpu.memory_space<semaphore_mem>>) src(%arg14 : memref<88x128xf32, #tpu.memory_space<vmem>>) dst(%dma_wait3A_106 : memref<10240x128xf32, #tpu.memory_space<vmem_shared>>)
    %add3A_107 = arith.constant 9856 : i32
    %add3A_108 = arith.addi %add3A_39, %add3A_107 : i32
    "tpu.region"() ({
      %run_scoped3A_205 = tpu.sem_alloc : memref<!tpu.dma_semaphore, #tpu.memory_space<semaphore_mem>>
      %dma_start3A_206 = arith.constant 0 : i32
      %dma_start3A_207 = tpu.memref_slice %arg3[%dma_start3A_206, %add3A_108] : memref<2x320000xi32, #tpu.memory_space<hbm>> -> memref<2x88xi32, #tpu.memory_space<hbm>>
      %dma_start3A_208 = arith.constant 0 : i32
      %dma_start3A_209 = tpu.memref_slice %arg3[%dma_start3A_208, %add3A_108] : memref<2x320000xi32, #tpu.memory_space<hbm>> -> memref<2x88xi32, #tpu.memory_space<hbm>>
      tpu.enqueue_dma source(%dma_start3A_209 : memref<2x88xi32, #tpu.memory_space<hbm>>) target(%arg6 : memref<2x88xi32, #tpu.memory_space<vmem>>) target_semaphore(%run_scoped3A_205 : memref<!tpu.dma_semaphore, #tpu.memory_space<semaphore_mem>>)
      %dma_wait3A_210 = arith.constant 0 : i32
      %dma_wait3A_211 = tpu.memref_slice %arg3[%dma_wait3A_210, %add3A_108] : memref<2x320000xi32, #tpu.memory_space<hbm>> -> memref<2x88xi32, #tpu.memory_space<hbm>>
      %dma_wait3A_212 = arith.constant 0 : i32
      %dma_wait3A_213 = tpu.memref_slice %arg3[%dma_wait3A_212, %add3A_108] : memref<2x320000xi32, #tpu.memory_space<hbm>> -> memref<2x88xi32, #tpu.memory_space<hbm>>
      tpu.wait_dma2 semaphore(%run_scoped3A_205 : memref<!tpu.dma_semaphore, #tpu.memory_space<semaphore_mem>>) src(%dma_wait3A_213 : memref<2x88xi32, #tpu.memory_space<hbm>>) dst(%arg6 : memref<2x88xi32, #tpu.memory_space<vmem>>)
      tpu.yield
    }) : () -> ()
    %dma_start3A_109 = arith.constant 0 : i32
    %dma_start3A_110 = arith.constant 0 : i32
    %dma_start3A_111 = tpu.memref_slice %arg6[%dma_start3A_109, %dma_start3A_110] : memref<2x88xi32, #tpu.memory_space<vmem>> -> memref<1x88xi32, #tpu.memory_space<vmem>>
    %dma_start3A_112 = tpu.memref_squeeze %dma_start3A_111 : memref<1x88xi32, #tpu.memory_space<vmem>> -> memref<88xi32, #tpu.memory_space<vmem>>
    %dma_start3A_113 = arith.constant 0 : i32
    %dma_start3A_114 = arith.constant 0 : i32
    %dma_start3A_115 = tpu.memref_slice %arg2[%dma_start3A_113, %dma_start3A_114] : memref<10240x128xf32, #tpu.memory_space<hbm>> -> memref<10240x128xf32, #tpu.memory_space<hbm>>
    tpu.enqueue_indirect_dma source(%dma_start3A_115 : memref<10240x128xf32, #tpu.memory_space<hbm>>) target(%arg11 : memref<88x128xf32, #tpu.memory_space<vmem>>) offsets(%dma_start3A_112 : memref<88xi32, #tpu.memory_space<vmem>>) semaphore(%arg15 : memref<!tpu.dma_semaphore, #tpu.memory_space<semaphore_mem>>)
    %dma_wait3A_116 = arith.constant 0 : i32
    %dma_wait3A_117 = arith.constant 0 : i32
    %dma_wait3A_118 = tpu.memref_slice %arg6[%dma_wait3A_116, %dma_wait3A_117] : memref<2x88xi32, #tpu.memory_space<vmem>> -> memref<1x88xi32, #tpu.memory_space<vmem>>
    %dma_wait3A_119 = tpu.memref_squeeze %dma_wait3A_118 : memref<1x88xi32, #tpu.memory_space<vmem>> -> memref<88xi32, #tpu.memory_space<vmem>>
    %dma_wait3A_120 = arith.constant 0 : i32
    %dma_wait3A_121 = arith.constant 0 : i32
    %dma_wait3A_122 = tpu.memref_slice %arg2[%dma_wait3A_120, %dma_wait3A_121] : memref<10240x128xf32, #tpu.memory_space<hbm>> -> memref<10240x128xf32, #tpu.memory_space<hbm>>
    tpu.wait_indirect_dma semaphore(%arg15 : memref<!tpu.dma_semaphore, #tpu.memory_space<semaphore_mem>>) src(%dma_wait3A_122 : memref<10240x128xf32, #tpu.memory_space<hbm>>) dst(%arg11 : memref<88x128xf32, #tpu.memory_space<vmem>>)
    %run_scoped3A = arith.constant 1 : i32
    "tpu.region"() ({
      %run_scoped3A_205 = tpu.sem_alloc : memref<!tpu.dma_semaphore, #tpu.memory_space<semaphore_mem>>
      %dma_start3A_206 = arith.constant 0 : i32
      %dma_start3A_207 = tpu.memref_slice %arg6[%run_scoped3A, %dma_start3A_206] : memref<2x88xi32, #tpu.memory_space<vmem>> -> memref<1x88xi32, #tpu.memory_space<vmem>>
      %dma_start3A_208 = tpu.memref_squeeze %dma_start3A_207 : memref<1x88xi32, #tpu.memory_space<vmem>> -> memref<88xi32, #tpu.memory_space<vmem>>
      %dma_start3A_209 = arith.constant 0 : i32
      %dma_start3A_210 = arith.constant 0 : i32
      %dma_start3A_211 = tpu.memref_slice %arg5[%dma_start3A_209, %dma_start3A_210] : memref<10240x128xf32, #tpu.memory_space<vmem_shared>> -> memref<10240x128xf32, #tpu.memory_space<vmem_shared>>
      tpu.enqueue_indirect_dma source(%arg11 : memref<88x128xf32, #tpu.memory_space<vmem>>) target(%dma_start3A_211 : memref<10240x128xf32, #tpu.memory_space<vmem_shared>>) offsets(%dma_start3A_208 : memref<88xi32, #tpu.memory_space<vmem>>) semaphore(%run_scoped3A_205 : memref<!tpu.dma_semaphore, #tpu.memory_space<semaphore_mem>>) {add = true}
      %dma_wait3A_212 = arith.constant 0 : i32
      %dma_wait3A_213 = tpu.memref_slice %arg6[%run_scoped3A, %dma_wait3A_212] : memref<2x88xi32, #tpu.memory_space<vmem>> -> memref<1x88xi32, #tpu.memory_space<vmem>>
      %dma_wait3A_214 = tpu.memref_squeeze %dma_wait3A_213 : memref<1x88xi32, #tpu.memory_space<vmem>> -> memref<88xi32, #tpu.memory_space<vmem>>
      %dma_wait3A_215 = arith.constant 0 : i32
      %dma_wait3A_216 = arith.constant 0 : i32
      %dma_wait3A_217 = tpu.memref_slice %arg5[%dma_wait3A_215, %dma_wait3A_216] : memref<10240x128xf32, #tpu.memory_space<vmem_shared>> -> memref<10240x128xf32, #tpu.memory_space<vmem_shared>>
      tpu.wait_indirect_dma semaphore(%run_scoped3A_205 : memref<!tpu.dma_semaphore, #tpu.memory_space<semaphore_mem>>) src(%arg11 : memref<88x128xf32, #tpu.memory_space<vmem>>) dst(%dma_wait3A_217 : memref<10240x128xf32, #tpu.memory_space<vmem_shared>>)
      tpu.yield
    }) : () -> ()
    %add3A_123 = arith.constant 9944 : i32
    %add3A_124 = arith.addi %add3A_39, %add3A_123 : i32
    "tpu.region"() ({
      %run_scoped3A_205 = tpu.sem_alloc : memref<!tpu.dma_semaphore, #tpu.memory_space<semaphore_mem>>
      %dma_start3A_206 = arith.constant 0 : i32
      %dma_start3A_207 = tpu.memref_slice %arg3[%dma_start3A_206, %add3A_124] : memref<2x320000xi32, #tpu.memory_space<hbm>> -> memref<2x56xi32, #tpu.memory_space<hbm>>
      %dma_start3A_208 = arith.constant 0 : i32
      %dma_start3A_209 = tpu.memref_slice %arg3[%dma_start3A_208, %add3A_124] : memref<2x320000xi32, #tpu.memory_space<hbm>> -> memref<2x56xi32, #tpu.memory_space<hbm>>
      tpu.enqueue_dma source(%dma_start3A_209 : memref<2x56xi32, #tpu.memory_space<hbm>>) target(%arg10 : memref<2x56xi32, #tpu.memory_space<vmem>>) target_semaphore(%run_scoped3A_205 : memref<!tpu.dma_semaphore, #tpu.memory_space<semaphore_mem>>)
      %dma_wait3A_210 = arith.constant 0 : i32
      %dma_wait3A_211 = tpu.memref_slice %arg3[%dma_wait3A_210, %add3A_124] : memref<2x320000xi32, #tpu.memory_space<hbm>> -> memref<2x56xi32, #tpu.memory_space<hbm>>
      %dma_wait3A_212 = arith.constant 0 : i32
      %dma_wait3A_213 = tpu.memref_slice %arg3[%dma_wait3A_212, %add3A_124] : memref<2x320000xi32, #tpu.memory_space<hbm>> -> memref<2x56xi32, #tpu.memory_space<hbm>>
      tpu.wait_dma2 semaphore(%run_scoped3A_205 : memref<!tpu.dma_semaphore, #tpu.memory_space<semaphore_mem>>) src(%dma_wait3A_213 : memref<2x56xi32, #tpu.memory_space<hbm>>) dst(%arg10 : memref<2x56xi32, #tpu.memory_space<vmem>>)
      tpu.yield
    }) : () -> ()
    %dma_start3A_125 = arith.constant 0 : i32
    %dma_start3A_126 = arith.constant 0 : i32
    %dma_start3A_127 = arith.constant 0 : i32
    %dma_start3A_128 = tpu.memref_slice %arg11[%dma_start3A_126, %dma_start3A_127] : memref<88x128xf32, #tpu.memory_space<vmem>> -> memref<56x128xf32, #tpu.memory_space<vmem>>
    %dma_start3A_129 = arith.constant 0 : i32
    %dma_start3A_130 = tpu.memref_slice %arg10[%dma_start3A_125, %dma_start3A_129] : memref<2x56xi32, #tpu.memory_space<vmem>> -> memref<1x56xi32, #tpu.memory_space<vmem>>
    %dma_start3A_131 = tpu.memref_squeeze %dma_start3A_130 : memref<1x56xi32, #tpu.memory_space<vmem>> -> memref<56xi32, #tpu.memory_space<vmem>>
    %dma_start3A_132 = arith.constant 0 : i32
    %dma_start3A_133 = arith.constant 0 : i32
    %dma_start3A_134 = tpu.memref_slice %arg2[%dma_start3A_132, %dma_start3A_133] : memref<10240x128xf32, #tpu.memory_space<hbm>> -> memref<10240x128xf32, #tpu.memory_space<hbm>>
    tpu.enqueue_indirect_dma source(%dma_start3A_134 : memref<10240x128xf32, #tpu.memory_space<hbm>>) target(%dma_start3A_128 : memref<56x128xf32, #tpu.memory_space<vmem>>) offsets(%dma_start3A_131 : memref<56xi32, #tpu.memory_space<vmem>>) semaphore(%arg15 : memref<!tpu.dma_semaphore, #tpu.memory_space<semaphore_mem>>)
    %dma_wait3A_135 = arith.constant 0 : i32
    %dma_wait3A_136 = arith.constant 0 : i32
    %dma_wait3A_137 = arith.constant 0 : i32
    %dma_wait3A_138 = tpu.memref_slice %arg11[%dma_wait3A_136, %dma_wait3A_137] : memref<88x128xf32, #tpu.memory_space<vmem>> -> memref<56x128xf32, #tpu.memory_space<vmem>>
    %dma_wait3A_139 = arith.constant 0 : i32
    %dma_wait3A_140 = tpu.memref_slice %arg10[%dma_wait3A_135, %dma_wait3A_139] : memref<2x56xi32, #tpu.memory_space<vmem>> -> memref<1x56xi32, #tpu.memory_space<vmem>>
    %dma_wait3A_141 = tpu.memref_squeeze %dma_wait3A_140 : memref<1x56xi32, #tpu.memory_space<vmem>> -> memref<56xi32, #tpu.memory_space<vmem>>
    %dma_wait3A_142 = arith.constant 0 : i32
    %dma_wait3A_143 = arith.constant 0 : i32
    %dma_wait3A_144 = tpu.memref_slice %arg2[%dma_wait3A_142, %dma_wait3A_143] : memref<10240x128xf32, #tpu.memory_space<hbm>> -> memref<10240x128xf32, #tpu.memory_space<hbm>>
    tpu.wait_indirect_dma semaphore(%arg15 : memref<!tpu.dma_semaphore, #tpu.memory_space<semaphore_mem>>) src(%dma_wait3A_144 : memref<10240x128xf32, #tpu.memory_space<hbm>>) dst(%dma_wait3A_138 : memref<56x128xf32, #tpu.memory_space<vmem>>)
    %run_scoped3A_145 = arith.constant 1 : i32
    "tpu.region"() ({
      %run_scoped3A_205 = tpu.sem_alloc : memref<!tpu.dma_semaphore, #tpu.memory_space<semaphore_mem>>
      %dma_start3A_206 = arith.constant 0 : i32
      %dma_start3A_207 = arith.constant 0 : i32
      %dma_start3A_208 = tpu.memref_slice %arg11[%dma_start3A_206, %dma_start3A_207] : memref<88x128xf32, #tpu.memory_space<vmem>> -> memref<56x128xf32, #tpu.memory_space<vmem>>
      %dma_start3A_209 = arith.constant 0 : i32
      %dma_start3A_210 = tpu.memref_slice %arg10[%run_scoped3A_145, %dma_start3A_209] : memref<2x56xi32, #tpu.memory_space<vmem>> -> memref<1x56xi32, #tpu.memory_space<vmem>>
      %dma_start3A_211 = tpu.memref_squeeze %dma_start3A_210 : memref<1x56xi32, #tpu.memory_space<vmem>> -> memref<56xi32, #tpu.memory_space<vmem>>
      %dma_start3A_212 = arith.constant 0 : i32
      %dma_start3A_213 = arith.constant 0 : i32
      %dma_start3A_214 = tpu.memref_slice %arg5[%dma_start3A_212, %dma_start3A_213] : memref<10240x128xf32, #tpu.memory_space<vmem_shared>> -> memref<10240x128xf32, #tpu.memory_space<vmem_shared>>
      tpu.enqueue_indirect_dma source(%dma_start3A_208 : memref<56x128xf32, #tpu.memory_space<vmem>>) target(%dma_start3A_214 : memref<10240x128xf32, #tpu.memory_space<vmem_shared>>) offsets(%dma_start3A_211 : memref<56xi32, #tpu.memory_space<vmem>>) semaphore(%run_scoped3A_205 : memref<!tpu.dma_semaphore, #tpu.memory_space<semaphore_mem>>) {add = true}
      %dma_wait3A_215 = arith.constant 0 : i32
      %dma_wait3A_216 = arith.constant 0 : i32
      %dma_wait3A_217 = tpu.memref_slice %arg11[%dma_wait3A_215, %dma_wait3A_216] : memref<88x128xf32, #tpu.memory_space<vmem>> -> memref<56x128xf32, #tpu.memory_space<vmem>>
      %dma_wait3A_218 = arith.constant 0 : i32
      %dma_wait3A_219 = tpu.memref_slice %arg10[%run_scoped3A_145, %dma_wait3A_218] : memref<2x56xi32, #tpu.memory_space<vmem>> -> memref<1x56xi32, #tpu.memory_space<vmem>>
      %dma_wait3A_220 = tpu.memref_squeeze %dma_wait3A_219 : memref<1x56xi32, #tpu.memory_space<vmem>> -> memref<56xi32, #tpu.memory_space<vmem>>
      %dma_wait3A_221 = arith.constant 0 : i32
      %dma_wait3A_222 = arith.constant 0 : i32
      %dma_wait3A_223 = tpu.memref_slice %arg5[%dma_wait3A_221, %dma_wait3A_222] : memref<10240x128xf32, #tpu.memory_space<vmem_shared>> -> memref<10240x128xf32, #tpu.memory_space<vmem_shared>>
      tpu.wait_indirect_dma semaphore(%run_scoped3A_205 : memref<!tpu.dma_semaphore, #tpu.memory_space<semaphore_mem>>) src(%dma_wait3A_217 : memref<56x128xf32, #tpu.memory_space<vmem>>) dst(%dma_wait3A_223 : memref<10240x128xf32, #tpu.memory_space<vmem_shared>>)
      tpu.yield
    }) : () -> ()
    %barrier3A_146 = arith.constant 0 : index
    tpu.barrier barrier_id(%barrier3A_146)
    %mul3A_147 = arith.constant 640 : i32
    %mul3A_148 = arith.muli %arg1, %mul3A_147 : i32
    %add3A_149 = arith.constant 0 : i32
    %add3A_150 = arith.addi %mul3A_148, %add3A_149 : i32
    "tpu.region"() ({
      %run_scoped3A_205 = tpu.sem_alloc : memref<!tpu.dma_semaphore, #tpu.memory_space<semaphore_mem>>
      %dma_start3A_206 = arith.constant 0 : i32
      %dma_start3A_207 = tpu.memref_slice %arg5[%add3A_150, %dma_start3A_206] : memref<10240x128xf32, #tpu.memory_space<vmem_shared>> -> memref<88x128xf32, #tpu.memory_space<vmem_shared>>
      %dma_start3A_208 = arith.constant 0 : i32
      %dma_start3A_209 = tpu.memref_slice %arg5[%add3A_150, %dma_start3A_208] : memref<10240x128xf32, #tpu.memory_space<vmem_shared>> -> memref<88x128xf32, #tpu.memory_space<vmem_shared>>
      tpu.enqueue_dma source(%dma_start3A_209 : memref<88x128xf32, #tpu.memory_space<vmem_shared>>) target(%arg11 : memref<88x128xf32, #tpu.memory_space<vmem>>) target_semaphore(%run_scoped3A_205 : memref<!tpu.dma_semaphore, #tpu.memory_space<semaphore_mem>>)
      %dma_wait3A_210 = arith.constant 0 : i32
      %dma_wait3A_211 = tpu.memref_slice %arg5[%add3A_150, %dma_wait3A_210] : memref<10240x128xf32, #tpu.memory_space<vmem_shared>> -> memref<88x128xf32, #tpu.memory_space<vmem_shared>>
      %dma_wait3A_212 = arith.constant 0 : i32
      %dma_wait3A_213 = tpu.memref_slice %arg5[%add3A_150, %dma_wait3A_212] : memref<10240x128xf32, #tpu.memory_space<vmem_shared>> -> memref<88x128xf32, #tpu.memory_space<vmem_shared>>
      tpu.wait_dma2 semaphore(%run_scoped3A_205 : memref<!tpu.dma_semaphore, #tpu.memory_space<semaphore_mem>>) src(%dma_wait3A_213 : memref<88x128xf32, #tpu.memory_space<vmem_shared>>) dst(%arg11 : memref<88x128xf32, #tpu.memory_space<vmem>>)
      tpu.yield
    }) : () -> ()
    %mul3A_151 = arith.constant 10240 : i32
    %mul3A_152 = arith.muli %arg0, %mul3A_151 : i32
    %add3A_153 = arith.addi %mul3A_152, %mul3A_148 : i32
    %add3A_154 = arith.constant 0 : i32
    %add3A_155 = arith.addi %add3A_153, %add3A_154 : i32
    "tpu.region"() ({
      %run_scoped3A_205 = tpu.sem_alloc : memref<!tpu.dma_semaphore, #tpu.memory_space<semaphore_mem>>
      %dma_start3A_206 = arith.constant 0 : i32
      %dma_start3A_207 = tpu.memref_slice %arg4[%add3A_155, %dma_start3A_206] : memref<20480x128xf32, #tpu.memory_space<hbm>> -> memref<88x128xf32, #tpu.memory_space<hbm>>
      %dma_start3A_208 = arith.constant 0 : i32
      %dma_start3A_209 = tpu.memref_slice %arg4[%add3A_155, %dma_start3A_208] : memref<20480x128xf32, #tpu.memory_space<hbm>> -> memref<88x128xf32, #tpu.memory_space<hbm>>
      tpu.enqueue_dma source(%arg11 : memref<88x128xf32, #tpu.memory_space<vmem>>) target(%dma_start3A_209 : memref<88x128xf32, #tpu.memory_space<hbm>>) target_semaphore(%run_scoped3A_205 : memref<!tpu.dma_semaphore, #tpu.memory_space<semaphore_mem>>)
      %dma_wait3A_210 = arith.constant 0 : i32
      %dma_wait3A_211 = tpu.memref_slice %arg4[%add3A_155, %dma_wait3A_210] : memref<20480x128xf32, #tpu.memory_space<hbm>> -> memref<88x128xf32, #tpu.memory_space<hbm>>
      %dma_wait3A_212 = arith.constant 0 : i32
      %dma_wait3A_213 = tpu.memref_slice %arg4[%add3A_155, %dma_wait3A_212] : memref<20480x128xf32, #tpu.memory_space<hbm>> -> memref<88x128xf32, #tpu.memory_space<hbm>>
      tpu.wait_dma2 semaphore(%run_scoped3A_205 : memref<!tpu.dma_semaphore, #tpu.memory_space<semaphore_mem>>) src(%arg11 : memref<88x128xf32, #tpu.memory_space<vmem>>) dst(%dma_wait3A_213 : memref<88x128xf32, #tpu.memory_space<hbm>>)
      tpu.yield
    }) : () -> ()
    %add3A_156 = arith.constant 88 : i32
    %add3A_157 = arith.addi %mul3A_148, %add3A_156 : i32
    "tpu.region"() ({
      %run_scoped3A_205 = tpu.sem_alloc : memref<!tpu.dma_semaphore, #tpu.memory_space<semaphore_mem>>
      %dma_start3A_206 = arith.constant 0 : i32
      %dma_start3A_207 = tpu.memref_slice %arg5[%add3A_157, %dma_start3A_206] : memref<10240x128xf32, #tpu.memory_space<vmem_shared>> -> memref<88x128xf32, #tpu.memory_space<vmem_shared>>
      %dma_start3A_208 = arith.constant 0 : i32
      %dma_start3A_209 = tpu.memref_slice %arg5[%add3A_157, %dma_start3A_208] : memref<10240x128xf32, #tpu.memory_space<vmem_shared>> -> memref<88x128xf32, #tpu.memory_space<vmem_shared>>
      tpu.enqueue_dma source(%dma_start3A_209 : memref<88x128xf32, #tpu.memory_space<vmem_shared>>) target(%arg11 : memref<88x128xf32, #tpu.memory_space<vmem>>) target_semaphore(%run_scoped3A_205 : memref<!tpu.dma_semaphore, #tpu.memory_space<semaphore_mem>>)
      %dma_wait3A_210 = arith.constant 0 : i32
      %dma_wait3A_211 = tpu.memref_slice %arg5[%add3A_157, %dma_wait3A_210] : memref<10240x128xf32, #tpu.memory_space<vmem_shared>> -> memref<88x128xf32, #tpu.memory_space<vmem_shared>>
      %dma_wait3A_212 = arith.constant 0 : i32
      %dma_wait3A_213 = tpu.memref_slice %arg5[%add3A_157, %dma_wait3A_212] : memref<10240x128xf32, #tpu.memory_space<vmem_shared>> -> memref<88x128xf32, #tpu.memory_space<vmem_shared>>
      tpu.wait_dma2 semaphore(%run_scoped3A_205 : memref<!tpu.dma_semaphore, #tpu.memory_space<semaphore_mem>>) src(%dma_wait3A_213 : memref<88x128xf32, #tpu.memory_space<vmem_shared>>) dst(%arg11 : memref<88x128xf32, #tpu.memory_space<vmem>>)
      tpu.yield
    }) : () -> ()
    %mul3A_158 = arith.constant 10240 : i32
    %mul3A_159 = arith.muli %arg0, %mul3A_158 : i32
    %add3A_160 = arith.addi %mul3A_159, %mul3A_148 : i32
    %add3A_161 = arith.constant 88 : i32
    %add3A_162 = arith.addi %add3A_160, %add3A_161 : i32
    "tpu.region"() ({
      %run_scoped3A_205 = tpu.sem_alloc : memref<!tpu.dma_semaphore, #tpu.memory_space<semaphore_mem>>
      %dma_start3A_206 = arith.constant 0 : i32
      %dma_start3A_207 = tpu.memref_slice %arg4[%add3A_162, %dma_start3A_206] : memref<20480x128xf32, #tpu.memory_space<hbm>> -> memref<88x128xf32, #tpu.memory_space<hbm>>
      %dma_start3A_208 = arith.constant 0 : i32
      %dma_start3A_209 = tpu.memref_slice %arg4[%add3A_162, %dma_start3A_208] : memref<20480x128xf32, #tpu.memory_space<hbm>> -> memref<88x128xf32, #tpu.memory_space<hbm>>
      tpu.enqueue_dma source(%arg11 : memref<88x128xf32, #tpu.memory_space<vmem>>) target(%dma_start3A_209 : memref<88x128xf32, #tpu.memory_space<hbm>>) target_semaphore(%run_scoped3A_205 : memref<!tpu.dma_semaphore, #tpu.memory_space<semaphore_mem>>)
      %dma_wait3A_210 = arith.constant 0 : i32
      %dma_wait3A_211 = tpu.memref_slice %arg4[%add3A_162, %dma_wait3A_210] : memref<20480x128xf32, #tpu.memory_space<hbm>> -> memref<88x128xf32, #tpu.memory_space<hbm>>
      %dma_wait3A_212 = arith.constant 0 : i32
      %dma_wait3A_213 = tpu.memref_slice %arg4[%add3A_162, %dma_wait3A_212] : memref<20480x128xf32, #tpu.memory_space<hbm>> -> memref<88x128xf32, #tpu.memory_space<hbm>>
      tpu.wait_dma2 semaphore(%run_scoped3A_205 : memref<!tpu.dma_semaphore, #tpu.memory_space<semaphore_mem>>) src(%arg11 : memref<88x128xf32, #tpu.memory_space<vmem>>) dst(%dma_wait3A_213 : memref<88x128xf32, #tpu.memory_space<hbm>>)
      tpu.yield
    }) : () -> ()
    %add3A_163 = arith.constant 176 : i32
    %add3A_164 = arith.addi %mul3A_148, %add3A_163 : i32
    "tpu.region"() ({
      %run_scoped3A_205 = tpu.sem_alloc : memref<!tpu.dma_semaphore, #tpu.memory_space<semaphore_mem>>
      %dma_start3A_206 = arith.constant 0 : i32
      %dma_start3A_207 = tpu.memref_slice %arg5[%add3A_164, %dma_start3A_206] : memref<10240x128xf32, #tpu.memory_space<vmem_shared>> -> memref<88x128xf32, #tpu.memory_space<vmem_shared>>
      %dma_start3A_208 = arith.constant 0 : i32
      %dma_start3A_209 = tpu.memref_slice %arg5[%add3A_164, %dma_start3A_208] : memref<10240x128xf32, #tpu.memory_space<vmem_shared>> -> memref<88x128xf32, #tpu.memory_space<vmem_shared>>
      tpu.enqueue_dma source(%dma_start3A_209 : memref<88x128xf32, #tpu.memory_space<vmem_shared>>) target(%arg11 : memref<88x128xf32, #tpu.memory_space<vmem>>) target_semaphore(%run_scoped3A_205 : memref<!tpu.dma_semaphore, #tpu.memory_space<semaphore_mem>>)
      %dma_wait3A_210 = arith.constant 0 : i32
      %dma_wait3A_211 = tpu.memref_slice %arg5[%add3A_164, %dma_wait3A_210] : memref<10240x128xf32, #tpu.memory_space<vmem_shared>> -> memref<88x128xf32, #tpu.memory_space<vmem_shared>>
      %dma_wait3A_212 = arith.constant 0 : i32
      %dma_wait3A_213 = tpu.memref_slice %arg5[%add3A_164, %dma_wait3A_212] : memref<10240x128xf32, #tpu.memory_space<vmem_shared>> -> memref<88x128xf32, #tpu.memory_space<vmem_shared>>
      tpu.wait_dma2 semaphore(%run_scoped3A_205 : memref<!tpu.dma_semaphore, #tpu.memory_space<semaphore_mem>>) src(%dma_wait3A_213 : memref<88x128xf32, #tpu.memory_space<vmem_shared>>) dst(%arg11 : memref<88x128xf32, #tpu.memory_space<vmem>>)
      tpu.yield
    }) : () -> ()
    %mul3A_165 = arith.constant 10240 : i32
    %mul3A_166 = arith.muli %arg0, %mul3A_165 : i32
    %add3A_167 = arith.addi %mul3A_166, %mul3A_148 : i32
    %add3A_168 = arith.constant 176 : i32
    %add3A_169 = arith.addi %add3A_167, %add3A_168 : i32
    "tpu.region"() ({
      %run_scoped3A_205 = tpu.sem_alloc : memref<!tpu.dma_semaphore, #tpu.memory_space<semaphore_mem>>
      %dma_start3A_206 = arith.constant 0 : i32
      %dma_start3A_207 = tpu.memref_slice %arg4[%add3A_169, %dma_start3A_206] : memref<20480x128xf32, #tpu.memory_space<hbm>> -> memref<88x128xf32, #tpu.memory_space<hbm>>
      %dma_start3A_208 = arith.constant 0 : i32
      %dma_start3A_209 = tpu.memref_slice %arg4[%add3A_169, %dma_start3A_208] : memref<20480x128xf32, #tpu.memory_space<hbm>> -> memref<88x128xf32, #tpu.memory_space<hbm>>
      tpu.enqueue_dma source(%arg11 : memref<88x128xf32, #tpu.memory_space<vmem>>) target(%dma_start3A_209 : memref<88x128xf32, #tpu.memory_space<hbm>>) target_semaphore(%run_scoped3A_205 : memref<!tpu.dma_semaphore, #tpu.memory_space<semaphore_mem>>)
      %dma_wait3A_210 = arith.constant 0 : i32
      %dma_wait3A_211 = tpu.memref_slice %arg4[%add3A_169, %dma_wait3A_210] : memref<20480x128xf32, #tpu.memory_space<hbm>> -> memref<88x128xf32, #tpu.memory_space<hbm>>
      %dma_wait3A_212 = arith.constant 0 : i32
      %dma_wait3A_213 = tpu.memref_slice %arg4[%add3A_169, %dma_wait3A_212] : memref<20480x128xf32, #tpu.memory_space<hbm>> -> memref<88x128xf32, #tpu.memory_space<hbm>>
      tpu.wait_dma2 semaphore(%run_scoped3A_205 : memref<!tpu.dma_semaphore, #tpu.memory_space<semaphore_mem>>) src(%arg11 : memref<88x128xf32, #tpu.memory_space<vmem>>) dst(%dma_wait3A_213 : memref<88x128xf32, #tpu.memory_space<hbm>>)
      tpu.yield
    }) : () -> ()
    %add3A_170 = arith.constant 264 : i32
    %add3A_171 = arith.addi %mul3A_148, %add3A_170 : i32
    "tpu.region"() ({
      %run_scoped3A_205 = tpu.sem_alloc : memref<!tpu.dma_semaphore, #tpu.memory_space<semaphore_mem>>
      %dma_start3A_206 = arith.constant 0 : i32
      %dma_start3A_207 = tpu.memref_slice %arg5[%add3A_171, %dma_start3A_206] : memref<10240x128xf32, #tpu.memory_space<vmem_shared>> -> memref<88x128xf32, #tpu.memory_space<vmem_shared>>
      %dma_start3A_208 = arith.constant 0 : i32
      %dma_start3A_209 = tpu.memref_slice %arg5[%add3A_171, %dma_start3A_208] : memref<10240x128xf32, #tpu.memory_space<vmem_shared>> -> memref<88x128xf32, #tpu.memory_space<vmem_shared>>
      tpu.enqueue_dma source(%dma_start3A_209 : memref<88x128xf32, #tpu.memory_space<vmem_shared>>) target(%arg11 : memref<88x128xf32, #tpu.memory_space<vmem>>) target_semaphore(%run_scoped3A_205 : memref<!tpu.dma_semaphore, #tpu.memory_space<semaphore_mem>>)
      %dma_wait3A_210 = arith.constant 0 : i32
      %dma_wait3A_211 = tpu.memref_slice %arg5[%add3A_171, %dma_wait3A_210] : memref<10240x128xf32, #tpu.memory_space<vmem_shared>> -> memref<88x128xf32, #tpu.memory_space<vmem_shared>>
      %dma_wait3A_212 = arith.constant 0 : i32
      %dma_wait3A_213 = tpu.memref_slice %arg5[%add3A_171, %dma_wait3A_212] : memref<10240x128xf32, #tpu.memory_space<vmem_shared>> -> memref<88x128xf32, #tpu.memory_space<vmem_shared>>
      tpu.wait_dma2 semaphore(%run_scoped3A_205 : memref<!tpu.dma_semaphore, #tpu.memory_space<semaphore_mem>>) src(%dma_wait3A_213 : memref<88x128xf32, #tpu.memory_space<vmem_shared>>) dst(%arg11 : memref<88x128xf32, #tpu.memory_space<vmem>>)
      tpu.yield
    }) : () -> ()
    %mul3A_172 = arith.constant 10240 : i32
    %mul3A_173 = arith.muli %arg0, %mul3A_172 : i32
    %add3A_174 = arith.addi %mul3A_173, %mul3A_148 : i32
    %add3A_175 = arith.constant 264 : i32
    %add3A_176 = arith.addi %add3A_174, %add3A_175 : i32
    "tpu.region"() ({
      %run_scoped3A_205 = tpu.sem_alloc : memref<!tpu.dma_semaphore, #tpu.memory_space<semaphore_mem>>
      %dma_start3A_206 = arith.constant 0 : i32
      %dma_start3A_207 = tpu.memref_slice %arg4[%add3A_176, %dma_start3A_206] : memref<20480x128xf32, #tpu.memory_space<hbm>> -> memref<88x128xf32, #tpu.memory_space<hbm>>
      %dma_start3A_208 = arith.constant 0 : i32
      %dma_start3A_209 = tpu.memref_slice %arg4[%add3A_176, %dma_start3A_208] : memref<20480x128xf32, #tpu.memory_space<hbm>> -> memref<88x128xf32, #tpu.memory_space<hbm>>
      tpu.enqueue_dma source(%arg11 : memref<88x128xf32, #tpu.memory_space<vmem>>) target(%dma_start3A_209 : memref<88x128xf32, #tpu.memory_space<hbm>>) target_semaphore(%run_scoped3A_205 : memref<!tpu.dma_semaphore, #tpu.memory_space<semaphore_mem>>)
      %dma_wait3A_210 = arith.constant 0 : i32
      %dma_wait3A_211 = tpu.memref_slice %arg4[%add3A_176, %dma_wait3A_210] : memref<20480x128xf32, #tpu.memory_space<hbm>> -> memref<88x128xf32, #tpu.memory_space<hbm>>
      %dma_wait3A_212 = arith.constant 0 : i32
      %dma_wait3A_213 = tpu.memref_slice %arg4[%add3A_176, %dma_wait3A_212] : memref<20480x128xf32, #tpu.memory_space<hbm>> -> memref<88x128xf32, #tpu.memory_space<hbm>>
      tpu.wait_dma2 semaphore(%run_scoped3A_205 : memref<!tpu.dma_semaphore, #tpu.memory_space<semaphore_mem>>) src(%arg11 : memref<88x128xf32, #tpu.memory_space<vmem>>) dst(%dma_wait3A_213 : memref<88x128xf32, #tpu.memory_space<hbm>>)
      tpu.yield
    }) : () -> ()
    %add3A_177 = arith.constant 352 : i32
    %add3A_178 = arith.addi %mul3A_148, %add3A_177 : i32
    "tpu.region"() ({
      %run_scoped3A_205 = tpu.sem_alloc : memref<!tpu.dma_semaphore, #tpu.memory_space<semaphore_mem>>
      %dma_start3A_206 = arith.constant 0 : i32
      %dma_start3A_207 = tpu.memref_slice %arg5[%add3A_178, %dma_start3A_206] : memref<10240x128xf32, #tpu.memory_space<vmem_shared>> -> memref<88x128xf32, #tpu.memory_space<vmem_shared>>
      %dma_start3A_208 = arith.constant 0 : i32
      %dma_start3A_209 = tpu.memref_slice %arg5[%add3A_178, %dma_start3A_208] : memref<10240x128xf32, #tpu.memory_space<vmem_shared>> -> memref<88x128xf32, #tpu.memory_space<vmem_shared>>
      tpu.enqueue_dma source(%dma_start3A_209 : memref<88x128xf32, #tpu.memory_space<vmem_shared>>) target(%arg11 : memref<88x128xf32, #tpu.memory_space<vmem>>) target_semaphore(%run_scoped3A_205 : memref<!tpu.dma_semaphore, #tpu.memory_space<semaphore_mem>>)
      %dma_wait3A_210 = arith.constant 0 : i32
      %dma_wait3A_211 = tpu.memref_slice %arg5[%add3A_178, %dma_wait3A_210] : memref<10240x128xf32, #tpu.memory_space<vmem_shared>> -> memref<88x128xf32, #tpu.memory_space<vmem_shared>>
      %dma_wait3A_212 = arith.constant 0 : i32
      %dma_wait3A_213 = tpu.memref_slice %arg5[%add3A_178, %dma_wait3A_212] : memref<10240x128xf32, #tpu.memory_space<vmem_shared>> -> memref<88x128xf32, #tpu.memory_space<vmem_shared>>
      tpu.wait_dma2 semaphore(%run_scoped3A_205 : memref<!tpu.dma_semaphore, #tpu.memory_space<semaphore_mem>>) src(%dma_wait3A_213 : memref<88x128xf32, #tpu.memory_space<vmem_shared>>) dst(%arg11 : memref<88x128xf32, #tpu.memory_space<vmem>>)
      tpu.yield
    }) : () -> ()
    %mul3A_179 = arith.constant 10240 : i32
    %mul3A_180 = arith.muli %arg0, %mul3A_179 : i32
    %add3A_181 = arith.addi %mul3A_180, %mul3A_148 : i32
    %add3A_182 = arith.constant 352 : i32
    %add3A_183 = arith.addi %add3A_181, %add3A_182 : i32
    "tpu.region"() ({
      %run_scoped3A_205 = tpu.sem_alloc : memref<!tpu.dma_semaphore, #tpu.memory_space<semaphore_mem>>
      %dma_start3A_206 = arith.constant 0 : i32
      %dma_start3A_207 = tpu.memref_slice %arg4[%add3A_183, %dma_start3A_206] : memref<20480x128xf32, #tpu.memory_space<hbm>> -> memref<88x128xf32, #tpu.memory_space<hbm>>
      %dma_start3A_208 = arith.constant 0 : i32
      %dma_start3A_209 = tpu.memref_slice %arg4[%add3A_183, %dma_start3A_208] : memref<20480x128xf32, #tpu.memory_space<hbm>> -> memref<88x128xf32, #tpu.memory_space<hbm>>
      tpu.enqueue_dma source(%arg11 : memref<88x128xf32, #tpu.memory_space<vmem>>) target(%dma_start3A_209 : memref<88x128xf32, #tpu.memory_space<hbm>>) target_semaphore(%run_scoped3A_205 : memref<!tpu.dma_semaphore, #tpu.memory_space<semaphore_mem>>)
      %dma_wait3A_210 = arith.constant 0 : i32
      %dma_wait3A_211 = tpu.memref_slice %arg4[%add3A_183, %dma_wait3A_210] : memref<20480x128xf32, #tpu.memory_space<hbm>> -> memref<88x128xf32, #tpu.memory_space<hbm>>
      %dma_wait3A_212 = arith.constant 0 : i32
      %dma_wait3A_213 = tpu.memref_slice %arg4[%add3A_183, %dma_wait3A_212] : memref<20480x128xf32, #tpu.memory_space<hbm>> -> memref<88x128xf32, #tpu.memory_space<hbm>>
      tpu.wait_dma2 semaphore(%run_scoped3A_205 : memref<!tpu.dma_semaphore, #tpu.memory_space<semaphore_mem>>) src(%arg11 : memref<88x128xf32, #tpu.memory_space<vmem>>) dst(%dma_wait3A_213 : memref<88x128xf32, #tpu.memory_space<hbm>>)
      tpu.yield
    }) : () -> ()
    %add3A_184 = arith.constant 440 : i32
    %add3A_185 = arith.addi %mul3A_148, %add3A_184 : i32
    "tpu.region"() ({
      %run_scoped3A_205 = tpu.sem_alloc : memref<!tpu.dma_semaphore, #tpu.memory_space<semaphore_mem>>
      %dma_start3A_206 = arith.constant 0 : i32
      %dma_start3A_207 = tpu.memref_slice %arg5[%add3A_185, %dma_start3A_206] : memref<10240x128xf32, #tpu.memory_space<vmem_shared>> -> memref<88x128xf32, #tpu.memory_space<vmem_shared>>
      %dma_start3A_208 = arith.constant 0 : i32
      %dma_start3A_209 = tpu.memref_slice %arg5[%add3A_185, %dma_start3A_208] : memref<10240x128xf32, #tpu.memory_space<vmem_shared>> -> memref<88x128xf32, #tpu.memory_space<vmem_shared>>
      tpu.enqueue_dma source(%dma_start3A_209 : memref<88x128xf32, #tpu.memory_space<vmem_shared>>) target(%arg11 : memref<88x128xf32, #tpu.memory_space<vmem>>) target_semaphore(%run_scoped3A_205 : memref<!tpu.dma_semaphore, #tpu.memory_space<semaphore_mem>>)
      %dma_wait3A_210 = arith.constant 0 : i32
      %dma_wait3A_211 = tpu.memref_slice %arg5[%add3A_185, %dma_wait3A_210] : memref<10240x128xf32, #tpu.memory_space<vmem_shared>> -> memref<88x128xf32, #tpu.memory_space<vmem_shared>>
      %dma_wait3A_212 = arith.constant 0 : i32
      %dma_wait3A_213 = tpu.memref_slice %arg5[%add3A_185, %dma_wait3A_212] : memref<10240x128xf32, #tpu.memory_space<vmem_shared>> -> memref<88x128xf32, #tpu.memory_space<vmem_shared>>
      tpu.wait_dma2 semaphore(%run_scoped3A_205 : memref<!tpu.dma_semaphore, #tpu.memory_space<semaphore_mem>>) src(%dma_wait3A_213 : memref<88x128xf32, #tpu.memory_space<vmem_shared>>) dst(%arg11 : memref<88x128xf32, #tpu.memory_space<vmem>>)
      tpu.yield
    }) : () -> ()
    %mul3A_186 = arith.constant 10240 : i32
    %mul3A_187 = arith.muli %arg0, %mul3A_186 : i32
    %add3A_188 = arith.addi %mul3A_187, %mul3A_148 : i32
    %add3A_189 = arith.constant 440 : i32
    %add3A_190 = arith.addi %add3A_188, %add3A_189 : i32
    "tpu.region"() ({
      %run_scoped3A_205 = tpu.sem_alloc : memref<!tpu.dma_semaphore, #tpu.memory_space<semaphore_mem>>
      %dma_start3A_206 = arith.constant 0 : i32
      %dma_start3A_207 = tpu.memref_slice %arg4[%add3A_190, %dma_start3A_206] : memref<20480x128xf32, #tpu.memory_space<hbm>> -> memref<88x128xf32, #tpu.memory_space<hbm>>
      %dma_start3A_208 = arith.constant 0 : i32
      %dma_start3A_209 = tpu.memref_slice %arg4[%add3A_190, %dma_start3A_208] : memref<20480x128xf32, #tpu.memory_space<hbm>> -> memref<88x128xf32, #tpu.memory_space<hbm>>
      tpu.enqueue_dma source(%arg11 : memref<88x128xf32, #tpu.memory_space<vmem>>) target(%dma_start3A_209 : memref<88x128xf32, #tpu.memory_space<hbm>>) target_semaphore(%run_scoped3A_205 : memref<!tpu.dma_semaphore, #tpu.memory_space<semaphore_mem>>)
      %dma_wait3A_210 = arith.constant 0 : i32
      %dma_wait3A_211 = tpu.memref_slice %arg4[%add3A_190, %dma_wait3A_210] : memref<20480x128xf32, #tpu.memory_space<hbm>> -> memref<88x128xf32, #tpu.memory_space<hbm>>
      %dma_wait3A_212 = arith.constant 0 : i32
      %dma_wait3A_213 = tpu.memref_slice %arg4[%add3A_190, %dma_wait3A_212] : memref<20480x128xf32, #tpu.memory_space<hbm>> -> memref<88x128xf32, #tpu.memory_space<hbm>>
      tpu.wait_dma2 semaphore(%run_scoped3A_205 : memref<!tpu.dma_semaphore, #tpu.memory_space<semaphore_mem>>) src(%arg11 : memref<88x128xf32, #tpu.memory_space<vmem>>) dst(%dma_wait3A_213 : memref<88x128xf32, #tpu.memory_space<hbm>>)
      tpu.yield
    }) : () -> ()
    %add3A_191 = arith.constant 528 : i32
    %add3A_192 = arith.addi %mul3A_148, %add3A_191 : i32
    "tpu.region"() ({
      %run_scoped3A_205 = tpu.sem_alloc : memref<!tpu.dma_semaphore, #tpu.memory_space<semaphore_mem>>
      %dma_start3A_206 = arith.constant 0 : i32
      %dma_start3A_207 = tpu.memref_slice %arg5[%add3A_192, %dma_start3A_206] : memref<10240x128xf32, #tpu.memory_space<vmem_shared>> -> memref<88x128xf32, #tpu.memory_space<vmem_shared>>
      %dma_start3A_208 = arith.constant 0 : i32
      %dma_start3A_209 = tpu.memref_slice %arg5[%add3A_192, %dma_start3A_208] : memref<10240x128xf32, #tpu.memory_space<vmem_shared>> -> memref<88x128xf32, #tpu.memory_space<vmem_shared>>
      tpu.enqueue_dma source(%dma_start3A_209 : memref<88x128xf32, #tpu.memory_space<vmem_shared>>) target(%arg11 : memref<88x128xf32, #tpu.memory_space<vmem>>) target_semaphore(%run_scoped3A_205 : memref<!tpu.dma_semaphore, #tpu.memory_space<semaphore_mem>>)
      %dma_wait3A_210 = arith.constant 0 : i32
      %dma_wait3A_211 = tpu.memref_slice %arg5[%add3A_192, %dma_wait3A_210] : memref<10240x128xf32, #tpu.memory_space<vmem_shared>> -> memref<88x128xf32, #tpu.memory_space<vmem_shared>>
      %dma_wait3A_212 = arith.constant 0 : i32
      %dma_wait3A_213 = tpu.memref_slice %arg5[%add3A_192, %dma_wait3A_212] : memref<10240x128xf32, #tpu.memory_space<vmem_shared>> -> memref<88x128xf32, #tpu.memory_space<vmem_shared>>
      tpu.wait_dma2 semaphore(%run_scoped3A_205 : memref<!tpu.dma_semaphore, #tpu.memory_space<semaphore_mem>>) src(%dma_wait3A_213 : memref<88x128xf32, #tpu.memory_space<vmem_shared>>) dst(%arg11 : memref<88x128xf32, #tpu.memory_space<vmem>>)
      tpu.yield
    }) : () -> ()
    %mul3A_193 = arith.constant 10240 : i32
    %mul3A_194 = arith.muli %arg0, %mul3A_193 : i32
    %add3A_195 = arith.addi %mul3A_194, %mul3A_148 : i32
    %add3A_196 = arith.constant 528 : i32
    %add3A_197 = arith.addi %add3A_195, %add3A_196 : i32
    "tpu.region"() ({
      %run_scoped3A_205 = tpu.sem_alloc : memref<!tpu.dma_semaphore, #tpu.memory_space<semaphore_mem>>
      %dma_start3A_206 = arith.constant 0 : i32
      %dma_start3A_207 = tpu.memref_slice %arg4[%add3A_197, %dma_start3A_206] : memref<20480x128xf32, #tpu.memory_space<hbm>> -> memref<88x128xf32, #tpu.memory_space<hbm>>
      %dma_start3A_208 = arith.constant 0 : i32
      %dma_start3A_209 = tpu.memref_slice %arg4[%add3A_197, %dma_start3A_208] : memref<20480x128xf32, #tpu.memory_space<hbm>> -> memref<88x128xf32, #tpu.memory_space<hbm>>
      tpu.enqueue_dma source(%arg11 : memref<88x128xf32, #tpu.memory_space<vmem>>) target(%dma_start3A_209 : memref<88x128xf32, #tpu.memory_space<hbm>>) target_semaphore(%run_scoped3A_205 : memref<!tpu.dma_semaphore, #tpu.memory_space<semaphore_mem>>)
      %dma_wait3A_210 = arith.constant 0 : i32
      %dma_wait3A_211 = tpu.memref_slice %arg4[%add3A_197, %dma_wait3A_210] : memref<20480x128xf32, #tpu.memory_space<hbm>> -> memref<88x128xf32, #tpu.memory_space<hbm>>
      %dma_wait3A_212 = arith.constant 0 : i32
      %dma_wait3A_213 = tpu.memref_slice %arg4[%add3A_197, %dma_wait3A_212] : memref<20480x128xf32, #tpu.memory_space<hbm>> -> memref<88x128xf32, #tpu.memory_space<hbm>>
      tpu.wait_dma2 semaphore(%run_scoped3A_205 : memref<!tpu.dma_semaphore, #tpu.memory_space<semaphore_mem>>) src(%arg11 : memref<88x128xf32, #tpu.memory_space<vmem>>) dst(%dma_wait3A_213 : memref<88x128xf32, #tpu.memory_space<hbm>>)
      tpu.yield
    }) : () -> ()
    %add3A_198 = arith.constant 552 : i32
    %add3A_199 = arith.addi %mul3A_148, %add3A_198 : i32
    "tpu.region"() ({
      %run_scoped3A_205 = tpu.sem_alloc : memref<!tpu.dma_semaphore, #tpu.memory_space<semaphore_mem>>
      %dma_start3A_206 = arith.constant 0 : i32
      %dma_start3A_207 = tpu.memref_slice %arg5[%add3A_199, %dma_start3A_206] : memref<10240x128xf32, #tpu.memory_space<vmem_shared>> -> memref<88x128xf32, #tpu.memory_space<vmem_shared>>
      %dma_start3A_208 = arith.constant 0 : i32
      %dma_start3A_209 = tpu.memref_slice %arg5[%add3A_199, %dma_start3A_208] : memref<10240x128xf32, #tpu.memory_space<vmem_shared>> -> memref<88x128xf32, #tpu.memory_space<vmem_shared>>
      tpu.enqueue_dma source(%dma_start3A_209 : memref<88x128xf32, #tpu.memory_space<vmem_shared>>) target(%arg11 : memref<88x128xf32, #tpu.memory_space<vmem>>) target_semaphore(%run_scoped3A_205 : memref<!tpu.dma_semaphore, #tpu.memory_space<semaphore_mem>>)
      %dma_wait3A_210 = arith.constant 0 : i32
      %dma_wait3A_211 = tpu.memref_slice %arg5[%add3A_199, %dma_wait3A_210] : memref<10240x128xf32, #tpu.memory_space<vmem_shared>> -> memref<88x128xf32, #tpu.memory_space<vmem_shared>>
      %dma_wait3A_212 = arith.constant 0 : i32
      %dma_wait3A_213 = tpu.memref_slice %arg5[%add3A_199, %dma_wait3A_212] : memref<10240x128xf32, #tpu.memory_space<vmem_shared>> -> memref<88x128xf32, #tpu.memory_space<vmem_shared>>
      tpu.wait_dma2 semaphore(%run_scoped3A_205 : memref<!tpu.dma_semaphore, #tpu.memory_space<semaphore_mem>>) src(%dma_wait3A_213 : memref<88x128xf32, #tpu.memory_space<vmem_shared>>) dst(%arg11 : memref<88x128xf32, #tpu.memory_space<vmem>>)
      tpu.yield
    }) : () -> ()
    %mul3A_200 = arith.constant 10240 : i32
    %mul3A_201 = arith.muli %arg0, %mul3A_200 : i32
    %add3A_202 = arith.addi %mul3A_201, %mul3A_148 : i32
    %add3A_203 = arith.constant 552 : i32
    %add3A_204 = arith.addi %add3A_202, %add3A_203 : i32
    "tpu.region"() ({
      %run_scoped3A_205 = tpu.sem_alloc : memref<!tpu.dma_semaphore, #tpu.memory_space<semaphore_mem>>
      %dma_start3A_206 = arith.constant 0 : i32
      %dma_start3A_207 = tpu.memref_slice %arg4[%add3A_204, %dma_start3A_206] : memref<20480x128xf32, #tpu.memory_space<hbm>> -> memref<88x128xf32, #tpu.memory_space<hbm>>
      %dma_start3A_208 = arith.constant 0 : i32
      %dma_start3A_209 = tpu.memref_slice %arg4[%add3A_204, %dma_start3A_208] : memref<20480x128xf32, #tpu.memory_space<hbm>> -> memref<88x128xf32, #tpu.memory_space<hbm>>
      tpu.enqueue_dma source(%arg11 : memref<88x128xf32, #tpu.memory_space<vmem>>) target(%dma_start3A_209 : memref<88x128xf32, #tpu.memory_space<hbm>>) target_semaphore(%run_scoped3A_205 : memref<!tpu.dma_semaphore, #tpu.memory_space<semaphore_mem>>)
      %dma_wait3A_210 = arith.constant 0 : i32
      %dma_wait3A_211 = tpu.memref_slice %arg4[%add3A_204, %dma_wait3A_210] : memref<20480x128xf32, #tpu.memory_space<hbm>> -> memref<88x128xf32, #tpu.memory_space<hbm>>
      %dma_wait3A_212 = arith.constant 0 : i32
      %dma_wait3A_213 = tpu.memref_slice %arg4[%add3A_204, %dma_wait3A_212] : memref<20480x128xf32, #tpu.memory_space<hbm>> -> memref<88x128xf32, #tpu.memory_space<hbm>>
      tpu.wait_dma2 semaphore(%run_scoped3A_205 : memref<!tpu.dma_semaphore, #tpu.memory_space<semaphore_mem>>) src(%arg11 : memref<88x128xf32, #tpu.memory_space<vmem>>) dst(%dma_wait3A_213 : memref<88x128xf32, #tpu.memory_space<hbm>>)
      tpu.yield
    }) : () -> ()
    return
  }
}

module attributes {stable_mosaic.version = 14 : i64} {
  func.func @_tc_body(%arg0: memref<10240x128xf32, #tpu.memory_space<vmem>>, %arg1: memref<10240x16xf32, #tpu.memory_space<vmem>>, %arg2: memref<2x10240x128xf32, #tpu.memory_space<vmem>>, %arg3: memref<1x10000xi32, #tpu.memory_space<vmem>>, %arg4: memref<128x128xf32, #tpu.memory_space<vmem>>, %arg5: memref<1x128xf32, #tpu.memory_space<vmem>>, %arg6: memref<1x128xf32, #tpu.memory_space<vmem>>, %arg7: memref<1x128xf32, #tpu.memory_space<vmem>>, %arg8: memref<128x128xf32, #tpu.memory_space<vmem>>, %arg9: memref<1x128xf32, #tpu.memory_space<vmem>>, %arg10: memref<64x128xf32, #tpu.memory_space<vmem>>) attributes {dimension_semantics = [], scalar_prefetch = 0 : i64, scratch_operands = 0 : i64, tpu.core_type = #tpu.core_type<tc>} {
    %get3A = arith.constant 0 : index
    %get3A_0 = arith.constant 0 : index
    %get3A_1 = vector.load %arg0[%get3A, %get3A_0] : memref<10240x128xf32, #tpu.memory_space<vmem>>, vector<10240x128xf32>
    %slice3A = vector.extract_strided_slice %get3A_1 {offsets = [0, 0], sizes = [10000, 128], strides = [1, 1]} : vector<10240x128xf32> to vector<10000x128xf32>
    %get3A_2 = arith.constant 0 : index
    %get3A_3 = arith.constant 0 : index
    %get3A_4 = vector.load %arg1[%get3A_2, %get3A_3] : memref<10240x16xf32, #tpu.memory_space<vmem>>, vector<10240x16xf32>
    %slice3A_5 = vector.extract_strided_slice %get3A_4 {offsets = [0, 0], sizes = [10000, 1], strides = [1, 1]} : vector<10240x16xf32> to vector<10000x1xf32>
    %get3A_6 = arith.constant 0 : index
    %get3A_7 = arith.constant 0 : index
    %get3A_8 = arith.constant 0 : index
    %get3A_9 = vector.load %arg2[%get3A_6, %get3A_7, %get3A_8] : memref<2x10240x128xf32, #tpu.memory_space<vmem>>, vector<1x10000x128xf32>
    %get3A_10 = vector.shape_cast %get3A_9 : vector<1x10000x128xf32> to vector<10000x128xf32>
    %get3A_11 = arith.constant 1 : index
    %get3A_12 = arith.constant 0 : index
    %get3A_13 = arith.constant 0 : index
    %get3A_14 = vector.load %arg2[%get3A_11, %get3A_12, %get3A_13] : memref<2x10240x128xf32, #tpu.memory_space<vmem>>, vector<1x10000x128xf32>
    %get3A_15 = vector.shape_cast %get3A_14 : vector<1x10000x128xf32> to vector<10000x128xf32>
    %add3A = arith.addf %get3A_10, %get3A_15 : vector<10000x128xf32>
    %add3A_16 = arith.addf %add3A, %slice3A : vector<10000x128xf32>
    %mul3A = vector.broadcast %slice3A_5 : vector<10000x1xf32> to vector<10000x128xf32>
    %mul3A_17 = arith.mulf %mul3A, %add3A_16 : vector<10000x128xf32>
    %get3A_18 = arith.constant 0 : index
    %get3A_19 = arith.constant 0 : index
    %get3A_20 = vector.load %arg4[%get3A_18, %get3A_19] : memref<128x128xf32, #tpu.memory_space<vmem>>, vector<128x128xf32>
    %dot_general3A = arith.constant dense<0.000000e+00> : vector<10000x128xf32>
    %dot_general3A_21 = tpu.matmul %mul3A_17, %get3A_20, %dot_general3A {dimension_numbers = #tpu.dot_dimension_numbers<[1], [0], [0], [1], [0, 0, 1, 1], [], []>, transpose_lhs_hint = false} : vector<10000x128xf32>, vector<128x128xf32>, vector<10000x128xf32> -> vector<10000x128xf32>
    %get3A_22 = arith.constant 0 : index
    %get3A_23 = arith.constant 0 : index
    %get3A_24 = vector.load %arg5[%get3A_22, %get3A_23] : memref<1x128xf32, #tpu.memory_space<vmem>>, vector<1x128xf32>
    %add3A_25 = vector.broadcast %get3A_24 : vector<1x128xf32> to vector<10000x128xf32>
    %add3A_26 = arith.addf %dot_general3A_21, %add3A_25 : vector<10000x128xf32>
    %reduce_sum3A = arith.constant dense<0.000000e+00> : vector<128xf32>
    %reduce_sum3A_27 = vector.multi_reduction <add>, %add3A_26, %reduce_sum3A [0] : vector<10000x128xf32> to vector<128xf32>
    %broadcast_in_dim3A = vector.shape_cast %reduce_sum3A_27 : vector<128xf32> to vector<1x128xf32>
    %div3A = arith.constant 1.000000e+04 : f32
    %div3A_28 = vector.broadcast %div3A : f32 to vector<1x128xf32>
    %div3A_29 = arith.divf %broadcast_in_dim3A, %div3A_28 : vector<1x128xf32>
    %mul3A_30 = arith.mulf %add3A_26, %add3A_26 : vector<10000x128xf32>
    %reduce_sum3A_31 = arith.constant dense<0.000000e+00> : vector<128xf32>
    %reduce_sum3A_32 = vector.multi_reduction <add>, %mul3A_30, %reduce_sum3A_31 [0] : vector<10000x128xf32> to vector<128xf32>
    %broadcast_in_dim3A_33 = vector.shape_cast %reduce_sum3A_32 : vector<128xf32> to vector<1x128xf32>
    %div3A_34 = arith.constant 1.000000e+04 : f32
    %div3A_35 = vector.broadcast %div3A_34 : f32 to vector<1x128xf32>
    %div3A_36 = arith.divf %broadcast_in_dim3A_33, %div3A_35 : vector<1x128xf32>
    %mul3A_37 = arith.mulf %div3A_29, %div3A_29 : vector<1x128xf32>
    %sub3A = arith.subf %div3A_36, %mul3A_37 : vector<1x128xf32>
    %sub3A_38 = vector.broadcast %div3A_29 : vector<1x128xf32> to vector<10000x128xf32>
    %sub3A_39 = arith.subf %add3A_26, %sub3A_38 : vector<10000x128xf32>
    %add3A_40 = arith.constant 9.99999974E-6 : f32
    %add3A_41 = vector.broadcast %add3A_40 : f32 to vector<1x128xf32>
    %add3A_42 = arith.addf %sub3A, %add3A_41 : vector<1x128xf32>
    %rsqrt3A = math.rsqrt %add3A_42 : vector<1x128xf32>
    %mul3A_43 = vector.broadcast %rsqrt3A : vector<1x128xf32> to vector<10000x128xf32>
    %mul3A_44 = arith.mulf %sub3A_39, %mul3A_43 : vector<10000x128xf32>
    %get3A_45 = arith.constant 0 : index
    %get3A_46 = arith.constant 0 : index
    %get3A_47 = vector.load %arg6[%get3A_45, %get3A_46] : memref<1x128xf32, #tpu.memory_space<vmem>>, vector<1x128xf32>
    %mul3A_48 = vector.broadcast %get3A_47 : vector<1x128xf32> to vector<10000x128xf32>
    %mul3A_49 = arith.mulf %mul3A_44, %mul3A_48 : vector<10000x128xf32>
    %get3A_50 = arith.constant 0 : index
    %get3A_51 = arith.constant 0 : index
    %get3A_52 = vector.load %arg7[%get3A_50, %get3A_51] : memref<1x128xf32, #tpu.memory_space<vmem>>, vector<1x128xf32>
    %add3A_53 = vector.broadcast %get3A_52 : vector<1x128xf32> to vector<10000x128xf32>
    %add3A_54 = arith.addf %mul3A_49, %add3A_53 : vector<10000x128xf32>
    %gt3A = arith.constant 0.000000e+00 : f32
    %gt3A_55 = vector.broadcast %gt3A : f32 to vector<10000x128xf32>
    %gt3A_56 = arith.cmpf ogt, %add3A_54, %gt3A_55 : vector<10000x128xf32>
    %min3A = arith.constant 0.000000e+00 : f32
    %min3A_57 = vector.broadcast %min3A : f32 to vector<10000x128xf32>
    %min3A_58 = arith.minimumf %add3A_54, %min3A_57 : vector<10000x128xf32>
    %exp3A = math.exp %min3A_58 : vector<10000x128xf32>
    %sub3A_59 = arith.constant 1.000000e+00 : f32
    %sub3A_60 = vector.broadcast %sub3A_59 : f32 to vector<10000x128xf32>
    %sub3A_61 = arith.subf %exp3A, %sub3A_60 : vector<10000x128xf32>
    %select_n3A = arith.select %gt3A_56, %add3A_54, %sub3A_61 : vector<10000x128xi1>, vector<10000x128xf32>
    %iota3A = tpu.iota {dimensions = array<i32: 0>} : vector<64x10000xi32>
    %get3A_62 = arith.constant 0 : index
    %get3A_63 = arith.constant 0 : index
    %get3A_64 = vector.load %arg3[%get3A_62, %get3A_63] : memref<1x10000xi32, #tpu.memory_space<vmem>>, vector<1x10000xi32>
    %eq3A = vector.broadcast %get3A_64 : vector<1x10000xi32> to vector<64x10000xi32>
    %eq3A_65 = arith.cmpi eq, %iota3A, %eq3A : vector<64x10000xi32>
    %convert_element_type3A = arith.extui %eq3A_65 : vector<64x10000xi1> to vector<64x10000xi32>
    %convert_element_type3A_66 = arith.sitofp %convert_element_type3A : vector<64x10000xi32> to vector<64x10000xf32>
    %dot_general3A_67 = arith.constant dense<0.000000e+00> : vector<64x128xf32>
    %dot_general3A_68 = tpu.matmul %convert_element_type3A_66, %select_n3A, %dot_general3A_67 {dimension_numbers = #tpu.dot_dimension_numbers<[1], [0], [0], [1], [0, 0, 1, 1], [], []>, transpose_lhs_hint = false} : vector<64x10000xf32>, vector<10000x128xf32>, vector<64x128xf32> -> vector<64x128xf32>
    %reduce_sum3A_69 = arith.constant dense<0.000000e+00> : vector<64xf32>
    %reduce_sum3A_70 = vector.multi_reduction <add>, %convert_element_type3A_66, %reduce_sum3A_69 [1] : vector<64x10000xf32> to vector<64xf32>
    %broadcast_in_dim3A_71 = vector.shape_cast %reduce_sum3A_70 : vector<64xf32> to vector<64x1xf32>
    %max3A = arith.constant 1.000000e+00 : f32
    %max3A_72 = vector.broadcast %max3A : f32 to vector<64x1xf32>
    %max3A_73 = arith.maximumf %broadcast_in_dim3A_71, %max3A_72 : vector<64x1xf32>
    %div3A_74 = vector.broadcast %max3A_73 : vector<64x1xf32> to vector<64x128xf32>
    %div3A_75 = arith.divf %dot_general3A_68, %div3A_74 : vector<64x128xf32>
    %get3A_76 = arith.constant 0 : index
    %get3A_77 = arith.constant 0 : index
    %get3A_78 = vector.load %arg8[%get3A_76, %get3A_77] : memref<128x128xf32, #tpu.memory_space<vmem>>, vector<128x128xf32>
    %dot_general3A_79 = arith.constant dense<0.000000e+00> : vector<64x128xf32>
    %dot_general3A_80 = tpu.matmul %div3A_75, %get3A_78, %dot_general3A_79 {dimension_numbers = #tpu.dot_dimension_numbers<[1], [0], [0], [1], [0, 0, 1, 1], [], []>, transpose_lhs_hint = false} : vector<64x128xf32>, vector<128x128xf32>, vector<64x128xf32> -> vector<64x128xf32>
    %get3A_81 = arith.constant 0 : index
    %get3A_82 = arith.constant 0 : index
    %get3A_83 = vector.load %arg9[%get3A_81, %get3A_82] : memref<1x128xf32, #tpu.memory_space<vmem>>, vector<1x128xf32>
    %add3A_84 = vector.broadcast %get3A_83 : vector<1x128xf32> to vector<64x128xf32>
    %add3A_85 = arith.addf %dot_general3A_80, %add3A_84 : vector<64x128xf32>
    %swap3A = arith.constant 0 : index
    %swap3A_86 = arith.constant 0 : index
    %swap3A_87 = vector.load %arg10[%swap3A, %swap3A_86] : memref<64x128xf32, #tpu.memory_space<vmem>>, vector<64x128xf32>
    tpu.vector_store %arg10[%swap3A, %swap3A_86], %add3A_85 {strides = array<i32>} : memref<64x128xf32, #tpu.memory_space<vmem>>, vector<64x128xf32>,
    return
  }
}

</mosaic_0001>

<sc_bundles>
// kernel: kernel.12.cloned.1.call-start
scs
__scs_entry_jumppad:
0x0: {  	(pc) =	sbr.rel $0x88, $3  }
0x1: {  	(tag) =	ssettag $0x0;
	lr =	simm.s32 $0x1  }
0x2: {  	[smem:$0x3F98] =	sst lr;
	_ =	strace $0xD0000000  }
0x3: {  	_ = 	snop  }
0x4: {  	_ = 	snop  }
0x5: {  	_ = 	snop  }
0x6: {  	_ = 	snop  }
0x7: {  	_ = 	snop  }
__scs_overlays_trampoline_lowered:
0x8: {  	[smem:$0x3FA7] =	sst s0  }
0x9: {  	[smem:$0x3FA8] =	sst s1  }
0xa: {  	[smem:$0x3FA9] =	sst s2  }
0xb: {  	[smem:$0x3FAA] =	sst s3  }
0xc: {  	[smem:$0x3FAB] =	sst s4  }
0xd: {  	[smem:$0x3FAC] =	sst s5  }
0xe: {  	[smem:$0x3FAD] =	sst s6  }
0xf: {  	[smem:$0x3FAE] =	sst s7  }
0x10: {  	[smem:$0x3FAF] =	sst s8  }
0x11: {  	[smem:$0x3FB0] =	sst s9;
	s0 =	simm.s32 @!p0 $0x0  }
0x12: {  	s1 =	sld [smem:$0x3F96];
	s0 =	simm.s32 @p0 $0x1  }
0x13: {  	[smem:$0x3FB1] =	sst s0;
	s0 =	simm.s32 @!p1 $0x0  }
0x14: {  	s2 =	sld [smem:$0x3F95];
	s0 =	simm.s32 @p1 $0x1  }
0x15: {  	[smem:$0x3FB2] =	sst s0;
	s0 =	simm.s32 @!p2 $0x0  }
0x16: {  	s3 =	sld [smem:$0x3FDB];
	s0 =	simm.s32 @p2 $0x1  }
0x17: {  	s4 =	simm.s32 $0x1BF5;
	[smem:$0x3FB4] =	sst s0  }
0x18: {  	s0 =	sld [smem:$0x3F97];
	_ =	swait.ge [sflag:s4], $0x0  }
0x19: {  	s7 =	sld [smem:$0x3F98]  }
0x1a: {  	s8 =	sadd.s32 $0xFFFFE003, lr  }
0x1b: {  	s9 =	sadd.s32 $0xFFFFFEF7, lr;
	s5 =	simm.s32 $0xFFFFFFFF;
	p2 =	slt.u32 s8, $0xFFFFF086  }
0x1c: {  	p1 =	slt.u32 s9, $0xF7A;
	s5 =	simm.s32 @!p2 $0x0  }
0x1d: {  	s5 =	simm.s32 @p1 $0x1;
	p0 =	seq.s32 s7, s2  }
0x1e: {  	s7 =	smul.u32 @!p0 $0xF7A, s2;
	p2 =	seq.s32 @!p0 s5, $0x0  }
0x1f: {  	s9 =	smul.u32 $0xF7A, s1;
	s8 =	simm.s32 @!p0 $0x1BF5;
	p2 =	por !p2, p0  }
0x20: {  	[sflag:s8] =	ssyncset.s32 @!p0 $0xFFFFF086;
	s6 =	sadd.s32 @!p0 s3, s7;
	s7 =	simm.s32 @!p0 $0x108  }
0x21: {  	s3 =	sadd.s32 s3, s9;
	s6 =	sadd.s32 @!p0 $0x88, s6;
	s7 =	simm.s32 @p2 $0x1082  }
0x22: {  	[simem:s7], [sflag:s8] =	dma.local @!p0 [hbm:s6], $0xF7A  }
0x23: {  	s9 =	sor.u32 $0xD0000000, s2;
	s6 =	simm.s32 $0x108;
	_ =	swait.ge @!p0 [sflag:s8], $0x0  }
0x24: {  	s3 =	sadd.s32 $0x88, s3;
	s6 =	simm.s32 @!p1 $0x1082;
	[sflag:s4] =	ssyncset.s32 $0xFFFFF086  }
0x25: {  	[simem:s6], [sflag:s4] =	dma.local [hbm:s3], $0xF7A  }
0x26: {  	[smem:$0x3F98] =	sst s1;
	(tag) =	ssettag s2;
	_ =	strace s9  }
0x27: {  	s1 =	sld [smem:$0x3FA8]  }
0x28: {  	s2 =	sld [smem:$0x3FA9]  }
0x29: {  	s4 =	sld [smem:$0x3FAB]  }
0x2a: {  	p0 =	seq.s32 s5, $0x0;
	s5 =	sld [smem:$0x3FAC]  }
0x2b: {  	s6 =	sld [smem:$0x3FAD]  }
0x2c: {  	s7 =	sld [smem:$0x3FAE]  }
0x2d: {  	s3 =	simm.s32 $0x108;
	s8 =	sld [smem:$0x3FAF]  }
0x2e: {  	s3 =	simm.s32 @!p0 $0x1082;
	s9 =	sld [smem:$0x3FB0]  }
0x2f: {  	lr =	sadd.s32 s0, s3;
	s0 =	sld [smem:$0x3FA7]  }
0x30: {  	s3 =	sld [smem:$0x3FAA]  }
0x31: {  	[smem:$0x3FB3] =	sst s10  }
0x32: {  	s10 =	sld [smem:$0x3FB1];
	_ =	sdelay $0x3  }
0x33: {  	p0 =	seq.s32 s10, $0x1;
	s10 =	sld [smem:$0x3FB3];
	_ =	sdelay $0x3  }
0x34: {  	[smem:$0x3FB3] =	sst s10  }
0x35: {  	s10 =	sld [smem:$0x3FB2];
	_ =	sdelay $0x3  }
0x36: {  	p1 =	seq.s32 s10, $0x1;
	s10 =	sld [smem:$0x3FB3];
	_ =	sdelay $0x3  }
0x37: {  	[smem:$0x3FB3] =	sst s10  }
0x38: {  	s10 =	sld [smem:$0x3FB4]  }
0x39: {  	_ = 	snop;
	(pc) =	sbr.ind lr, $3  }
0x3a: {  	_ = 	snop  }
0x3b: {  	_ = 	snop  }
0x3c: {  	p2 =	seq.s32 s10, $0x1;
	s10 =	sld [smem:$0x3FB3]  }
0x3d: {  	_ =	shalt  }
0x3e: {  	_ =	shalt  }
0x3f: {  	_ =	shalt  }
0x40: {  	_ =	shalt  }
0x41: {  	_ =	shalt  }
0x42: {  	_ =	shalt  }
0x43: {  	_ =	shalt  }
0x44: {  	_ =	shalt  }
0x45: {  	_ =	shalt  }
0x46: {  	_ =	shalt  }
0x47: {  	_ =	shalt  }
0x48: {  	_ =	shalt  }
0x49: {  	_ =	shalt  }
0x4a: {  	_ =	shalt  }
0x4b: {  	_ =	shalt  }
0x4c: {  	_ =	shalt  }
0x4d: {  	_ =	shalt  }
0x4e: {  	_ =	shalt  }
0x4f: {  	_ =	shalt  }
0x50: {  	_ =	shalt  }
0x51: {  	_ =	shalt  }
0x52: {  	_ =	shalt  }
0x53: {  	_ =	shalt  }
0x54: {  	_ =	shalt  }
0x55: {  	_ =	shalt  }
0x56: {  	_ =	shalt  }
0x57: {  	_ =	shalt  }
0x58: {  	_ =	shalt  }
0x59: {  	_ =	shalt  }
0x5a: {  	_ =	shalt  }
0x5b: {  	_ =	shalt  }
0x5c: {  	_ =	shalt  }
0x5d: {  	_ =	shalt  }
0x5e: {  	_ =	shalt  }
0x5f: {  	_ =	shalt  }
0x60: {  	_ =	shalt  }
0x61: {  	_ =	shalt  }
0x62: {  	_ =	shalt  }
0x63: {  	_ =	shalt  }
0x64: {  	_ =	shalt  }
0x65: {  	_ =	shalt  }
0x66: {  	_ =	shalt  }
0x67: {  	_ =	shalt  }
0x68: {  	_ =	shalt  }
0x69: {  	_ =	shalt  }
0x6a: {  	_ =	shalt  }
0x6b: {  	_ =	shalt  }
0x6c: {  	_ =	shalt  }
0x6d: {  	_ =	shalt  }
0x6e: {  	_ =	shalt  }
0x6f: {  	_ =	shalt  }
0x70: {  	_ =	shalt  }
0x71: {  	_ =	shalt  }
0x72: {  	_ =	shalt  }
0x73: {  	_ =	shalt  }
0x74: {  	_ =	shalt  }
0x75: {  	_ =	shalt  }
0x76: {  	_ =	shalt  }
0x77: {  	_ =	shalt  }
0x78: {  	_ =	shalt  }
0x79: {  	_ =	shalt  }
0x7a: {  	_ =	shalt  }
0x7b: {  	_ =	shalt  }
0x7c: {  	_ =	shalt  }
0x7d: {  	_ =	shalt  }
0x7e: {  	_ =	shalt  }
0x7f: {  	_ =	shalt  }
0x80: {  	_ =	shalt  }
0x81: {  	_ =	shalt  }
0x82: {  	_ =	shalt  }
0x83: {  	_ =	shalt  }
0x84: {  	_ =	shalt  }
0x85: {  	_ =	shalt  }
0x86: {  	_ =	shalt  }
0x87: {  	_ =	shalt  }
.Lfunc_end0:
.L_simem_size_0:
called_computation.2_lowered:
.L_overlay_start_0:
0x88: {  	s2 =	sld [smem:$0x3FD9]  }
0x89: {  	s3 =	sld [smem:$0x3FFE];
	_ =	sdelay $0x1  }
0x8a: {  	s1 =	srdreg.scid  }
0x8b: {  	s0 =	sand.u32 $0x1, s1  }
0x8c: {  	s16 =	sshll.u32 s0, $0xA;
	s2 =	sadd.s32 s3, s2  }
0x8d: {  	s2 =	sadd.s32 s2, s16  }
0x8e: {  	[smem:$0x3FBF] =	sst s2  }
0x8f: {  	_ = 	snop  }
0x90: {  	(tm) =	ssettm $0x1  }
0x91: {  	s17 =	sld [smem:$0x3FFB];
	_ =	sdelay $0x3  }
0x92: {  	_ =	strace s17  }
0x93: {  	s2 =	sld [smem:$0x3FFC];
	_ =	sdelay $0x3  }
0x94: {  	_ =	strace s2  }
0x95: {  	s2 =	sld [smem:$0x3FFD];
	_ =	sdelay $0x3  }
0x96: {  	_ =	strace s2  }
0x97: {  	_ =	strace $0x8FFFFFFF  }
0x98: {  	s18 =	sld [smem:$0x3FDB];
	_ =	sdelay $0x1  }
0x99: {  	s19 =	simm.s32 $_scs_section_size  }
0x9a: {  	s4 =	simm.s32 $_size__tile_overlayer_lowered;
	s5 =	simm.s32 $_tile_overlayer_lowered  }
0x9b: {  	s22 =	simm.s32 $0x1BFF;
	s21 =	sshll.u32 s5, $0x1;
	s2 =	sadd.s32 s19, s18  }
0x9c: {  	s6 =	simm.s32 $0x0;
	s20 =	sshll.u32 s4, $0x1;
	s4 =	sadd.s32 s21, s2  }
0x9d: {  	[timem:s6], [sflag:s22] =	dma.local [hbm:s4], s20  }
0x9e: {  	_ =	swait.ge [sflag:s22], s20  }
0x9f: {  	s3 =	ssub.s32 $0x0, s20;
	[sflag:s22] =	ssyncset.done $0x0  }
0xa0: {  	[sflag:s22] =	ssyncadd.s32 s3;
	_ =	sdelay $0x1  }
0xa1: {  	s23 =	simm.s32 $0x1B8B  }
0xa2: {  	_ =	swait.ge [sflag:s23], $0x1  }
0xa3: {  	[sflag:s23] =	ssyncset.done $0x0  }
0xa4: {  	s25 =	simm.s32 $0x1B8E;
	s24 =	sld [smem:$0x3FFE];
	[sflag:s23] =	ssyncadd.s32 $0xFFFFFFFF  }
0xa5: {  	s26 =	simm.s32 $execute0_lowered;
	[smem:$0x3FD2] =	sst s25  }
0xa6: {  	s4 =	sshll.u32 s26, $0x1;
	_ =	strace $0x8000004C;
	[dreg:$0x1] =	wrdreg $0xFFFFFFFF  }
0xa7: {  	s28 =	simm.s32 $_size_execute0_lowered;
	s2 =	sadd.s32 s2, s4;
	[dreg:$0x0] =	wrdreg $0x0  }
0xa8: {  	s4 =	sshll.u32 s28, $0x1;
	[dreg:$0x2] =	wrdreg s2  }
0xa9: {  	[dreg:$0x3] =	wrdreg s4  }
0xaa: {  	[dreg:$0x4] =	wrdreg $0xC0  }
0xab: {  	_ =	task [dreg:s6], $0x5FFFF  }
0xac: {  	[dreg:$0x1] =	wrdreg $0xFFFFFFFF  }
0xad: {  	[dreg:$0x0] =	wrdreg $0x60  }
0xae: {  	[dreg:$0x2] =	wrdreg s24  }
0xaf: {  	[dreg:$0x3] =	wrdreg $0x0  }
0xb0: {  	[dreg:$0x4] =	wrdreg $0x9  }
0xb1: {  	_ =	task.clear_ibuf [dreg:s6], $0x5FFFF;
	_ =	strace $0x9000004C  }
0xb2: {  	s29 =	simm.s32 $0x9;
	_ =	strace $0x8000004E  }
0xb3: {  	_ =	swait.ge [sflag:s29], $0x1  }
0xb4: {  	[sflag:s29] =	ssyncadd.s32 $0xFFFFFFFF  }
0xb5: {  	_ =	strace $0x9000004E  }
0xb6: {  	_ =	sfence  }
0xb7: {  	s30 =	sld [smem:$0x0];
	_ =	sdelay $0x2  }
0xb8: {  	s31 =	sshll.u32 s1, $0xD;
	s1 =	sshrl.u32 s1, $0x2  }
0xb9: {  	s3 =	sand.u32 $0x4000, s31;
	s1 =	sadd.s32 s1, s30  }
0xba: {  	s0 =	sor.u32 s3, s0;
	s1 =	sshll.u32 s1, $0x11  }
0xbb: {  	s0 =	sor.u32 s1, s0  }
0xbc: {  	s0 =	sadd.s32 $0x8F2B, s0  }
0xbd: {  	[sflag:s0] =	ssyncadd.remote.s32 $0x1  }
0xbe: {  	_ =	sfence.sel $0xFFFF  }
0xbf: {  	[dreg:$0x0] =	wrdreg $0xFFFFFFFF;
	(pc) =	sbr.abs _section_cstart, $3  }
0xc0: {  	[dreg:$0x1] =	wrdreg $0xFFFFFFFF  }
0xc1: {  	_ =	task.clear_ibuf [dreg:s6], $0x2FFFF;
	_ =	strace $0x9FFFFFFF  }
0xc2: {  	(tm) =	ssettm $0x7FFFFFFF  }
0xc3: {  	_ =	shalt  }
tec
execute0_lowered:
.L_overlay_start_1:
0x0: {  	(tag) =	ssettag $0x1  }
0x1: {  	s0 =	rddreg [dreg:$0x0]  }
0x2: {  	s2 =	rddreg [dreg:$0x1];
	s8 =	stileid.u32  }
0x3: {  	s1 =	srdreg.scid;
	s4 =	simm.s32 $0x0;
	s3 =	smul.u32 $0x280, s8  }
0x4: {  	s28 =	simm.s32 $0x6;
	s29 =	simm.s32 $0x7;
	s7 =	smul.u32 $0x50000, s8  }
0x5: {  	s30 =	simm.s32 $0x8;
	s1 =	sand.u32 $0x1, s1;
	s8 =	smul.u32 $0x2710, s8  }
0x6: {  	[smem:$0x7FF] =	sst s4;
	s4 =	sadd.s32 $0x16000, s0;
	s6 =	smul.u32 $0x2800, s1  }
0x7: {  	s5 =	sadd.s32 $0x3E000, s0;
	s15 =	smul.u32 $0x27100, s1;
	s1 =	ssub.s32 $0x2, s1  }
0x8: {  	_ =	strace $0x8000004D;
	s16 =	sshrl.u32 s1, $0x1;
	s7 =	sshrl.u32 s7, $0x2  }
0x9: {  	s3 =	sadd.s32 s3, s6;
	s1 =	ssub.s32 s1, s16;
	s9 =	sadd.s32 s7, s2  }
0xa: {  	s3 =	sshll.u32 s3, $0x4;
	s17 =	sadd.s32 $0x2C00, s9;
	[dreg:$0x3] =	wrdreg s9  }
0xb: {  	s18 =	sadd.s32 $0x5800, s9;
	s12 =	smax.u32 s1, $0x1;
	[dreg:$0x4] =	wrdreg s17  }
0xc: {  	s0 =	sadd.s32 s3, s0;
	s3 =	sadd.s32 s8, s15;
	[dreg:$0x5] =	wrdreg s18  }
0xd: {  	[dreg:$0x12] =	wrdreg s12;
	s18 =	sadd.s32 $0x8400, s9;
	s12 =	simm.s32 $0x58  }
0xe: {  	s19 =	sshrl.u32 s3, $0x3;
	s20 =	sadd.s32 $0x58, s3;
	s21 =	sadd.s32 $0x108, s3  }
0xf: {  	s8 =	sadd.s32 $0x26D8, s3;
	s24 =	sadd.s32 $0x51A00, s0;
	s25 =	sadd.s32 $0x51F80, s0  }
0x10: {  	s26 =	sadd.s32 $0x52500, s0;
	s31 =	sadd.s32 $0x52A80, s0;
	s11 =	sadd.s32 $0x53B00, s0  }
0x11: {  	s13 =	sadd.s32 $0x268, s3;
	s14 =	sadd.s32 $0x210, s3;
	[dreg:$0x14] =	wrdreg s18  }
0x12: {  	s15 =	sadd.s32 $0x1B8, s3;
	s17 =	sadd.s32 $0x160, s3;
	[dreg:$0xa] =	wrdreg s24  }
0x13: {  	s18 =	simm.s32 $0x19B30;
	s3 =	simm.s32 $0x0;
	[dreg:$0xb] =	wrdreg s25  }
0x14: {  	s10 =	sadd.s32 s5, s19;
	s6 =	sshrl.u32 s20, $0x3;
	[dreg:$0xc] =	wrdreg s26  }
0x15: {  	s7 =	sshrl.u32 s21, $0x3;
	s23 =	sshrl.u32 s8, $0x3;
	[dreg:$0xd] =	wrdreg s31  }
0x16: {  	s8 =	sadd.s32 $0x53580, s0;
	[dreg:$0x10] =	wrdreg s11;
	s1 =	sshrl.u32 s14, $0x3  }
0x17: {  	s16 =	sshrl.u32 s15, $0x3;
	[dreg:$0x13] =	wrdreg s17;
	s19 =	sadd.s32 $0xB000, s9  }
0x18: {  	s20 =	sadd.s32 $0xDC00, s9;
	s21 =	sadd.s32 $0x10800, s9;
	s25 =	sadd.s32 $0x11400, s9  }
0x19: {  	s11 =	simm.s32 $0x9;
	s14 =	simm.s32 $0x14000;
	[dreg:$0xf] =	wrdreg s8  }
0x1a: {  	s15 =	simm.s32 $0x140B0;
	s17 =	simm.s32 $0x14160;
	[dreg:$0x15] =	wrdreg s19  }
0x1b: {  	s9 =	simm.s32 $0x14058;
	s6 =	sadd.s32 s5, s6;
	[dreg:$0x16] =	wrdreg s20  }
0x1c: {  	s22 =	sadd.s32 s5, s7;
	s7 =	sadd.s32 $0x53000, s0;
	[dreg:$0x17] =	wrdreg s21  }
0x1d: {  	s0 =	sadd.s32 $0x53C80, s0;
	s24 =	sadd.s32 s16, s5;
	[dreg:$0x18] =	wrdreg s25  }
0x1e: {  	s26 =	sadd.s32 $0x16, s10;
	[dreg:$0x6] =	wrdreg s10;
	s31 =	sadd.s32 $0x4D0, s10  }
0x1f: {  	s10 =	simm.s32 $0x14330;
	s16 =	simm.s32 $0x16F30;
	[dreg:$0x7] =	wrdreg s6  }
0x20: {  	s19 =	simm.s32 $0x14210;
	s20 =	simm.s32 $0x1C730;
	[dreg:$0x8] =	wrdreg s22  }
0x21: {  	s21 =	simm.s32 $0x1;
	s25 =	simm.s32 $0x2;
	[dreg:$0xe] =	wrdreg s7  }
.Ltmp0:
0x22: {  	s8 =	simm.s32 $0x4;
	[dreg:$0x11] =	wrdreg s0;
	(pc) =	sbr.rel .LBB2_1-.Ltmp0, $4  }
0x23: {  	s6 =	sadd.s32 s5, s23;
	s0 =	sshrl.u32 s13, $0x3;
	[dreg:$0x19] =	wrdreg s26  }
0x24: {  	s23 =	sadd.s32 s1, s5;
	[dreg:$0x1a] =	wrdreg s31;
	s13 =	simm.s32 $0x4E200  }
0x25: {  	s1 =	simm.s32 $0x3;
	s7 =	simm.s32 $0x141B8;
	s26 =	simm.s32 $0x5  }
0x26: {  	v0 =	vimm.f32 $0.0e+00;
	[dreg:$0x9] =	wrdreg s6;
	s22 =	sadd.s32 s0, s5;
	s6 =	simm.s32 $0x14268  }
.LBB2_6:
0x27: {  	_ =	swait.ge [sflag:s28], $0x2C00  }
0x28: {  	[sflag:s28] =	ssyncset.done $0x0  }
0x29: {  	[sflag:s28] =	ssyncadd.s32 $0xFFFFD400  }
0x2a: {  	_ =	swait.ge [sflag:s29], $0x2C00  }
0x2b: {  	[sflag:s29] =	ssyncset.done $0x0  }
0x2c: {  	[sflag:s29] =	ssyncadd.s32 $0xFFFFD400  }
0x2d: {  	_ =	swait.ge [sflag:s30], $0x2C00  }
0x2e: {  	[sflag:s30] =	ssyncset.done $0x0  }
0x2f: {  	s0 =	rddreg [dreg:$0x1a];
	[sflag:s30] =	ssyncadd.s32 $0xFFFFD400  }
0x30: {  	[tilespmem:s14], [sflag:$0x9] =	stream.strided.gather [hbm4b:s0+s12], $0xB0, s13, s12, $0x38;
	[tilespmem:$0x1F330] =	vst v63  }
0x31: {  	_ =	swait.ge [sflag:s11], $0xB0  }
0x32: {  	[sflag:s11] =	ssyncset.done $0x0  }
0x33: {  	[sflag:s11] =	ssyncadd.s32 $0xFFFFFF50  }
0x34: {  	[tilespmem:s10], [sflag:$0x1] =	stream.indirect.gather [hbm4b:s4+s12], $0x80, s14, s12, $0xb8;
	[tilespmem:$0x1F330] =	vst v63  }
0x35: {  	_ =	swait.ge [sflag:s21], $0x2C00  }
0x36: {  	[sflag:s21] =	ssyncset.done $0x0  }
0x37: {  	[sflag:s21] =	ssyncadd.s32 $0xFFFFD400  }
0x38: {  	[spmem:s2] =	stream.indirect.scatter.add.f32 [tilespmem:s10], [sflag:$0x9], $0x80, s9, s12, $0xb8;
	[tilespmem:$0x1F330] =	vst v63  }
0x39: {  	_ =	swait.ge [sflag:s11], $0x2C00  }
0x3a: {  	s3 =	simm.s32 $0x38;
	[sflag:s11] =	ssyncset.done $0x0  }
0x3b: {  	s31 =	simm.s32 $0x142C0;
	s0 =	rddreg [dreg:$0x9];
	[sflag:s11] =	ssyncadd.s32 $0xFFFFD400  }
0x3c: {  	[tilespmem:s31], [sflag:$0x9] =	stream.strided.gather [hbm4b:s0+s3], $0x70, s13, s3, $0x38;
	[tilespmem:$0x1F330] =	vst v63  }
0x3d: {  	_ =	swait.ge [sflag:s11], $0x70  }
0x3e: {  	[sflag:s11] =	ssyncset.done $0x0  }
0x3f: {  	[sflag:s11] =	ssyncadd.s32 $0xFFFFFF90  }
0x40: {  	[tilespmem:s10], [sflag:$0x1] =	stream.indirect.gather [hbm4b:s4+s3], $0x80, s31, s3, $0xb8;
	[tilespmem:$0x1F330] =	vst v63  }
0x41: {  	_ =	swait.ge [sflag:s21], $0x1C00  }
0x42: {  	[sflag:s21] =	ssyncset.done $0x0  }
0x43: {  	s31 =	simm.s32 $0x142F8;
	[sflag:s21] =	ssyncadd.s32 $0xFFFFE400  }
0x44: {  	[spmem:s2] =	stream.indirect.scatter.add.f32 [tilespmem:s10], [sflag:$0x9], $0x80, s31, s3, $0xb8;
	[tilespmem:$0x1F330] =	vst v63  }
0x45: {  	_ =	swait.ge [sflag:s11], $0x1C00  }
0x46: {  	[sflag:s11] =	ssyncset.done $0x0  }
0x47: {  	[sflag:s11] =	ssyncadd.s32 $0xFFFFE400  }
0x48: {  	[bflag:$0x0] =	sbarrier.arrive $0xFFFF  }
0x49: {  	s3 =	rddreg [dreg:$0x3]  }
0x4a: {  	[tilespmem:s10], [sflag:$0x9] =	stream.linear.gather [spmem:s3], $0x2C00, $0x38;
	[tilespmem:$0x1F330] =	vst v63  }
0x4b: {  	_ =	swait.ge [sflag:s11], $0x2C00  }
0x4c: {  	[sflag:s11] =	ssyncset.done $0x0  }
0x4d: {  	s0 =	simm.s32 $0x0;
	s31 =	rddreg [dreg:$0xa];
	[sflag:s11] =	ssyncadd.s32 $0xFFFFD400  }
0x4e: {  	[hbm4b:s31+s0] =	stream.linear.scatter [tilespmem:s10], [sflag:$0x9], $0x2C00, $0x38;
	[tilespmem:$0x1F330] =	vst v63  }
0x4f: {  	_ =	swait.ge [sflag:s11], $0x2C00  }
0x50: {  	[sflag:s11] =	ssyncset.done $0x0  }
0x51: {  	s31 =	rddreg [dreg:$0x4];
	[sflag:s11] =	ssyncadd.s32 $0xFFFFD400  }
0x52: {  	[tilespmem:s10], [sflag:$0x9] =	stream.linear.gather [spmem:s31], $0x2C00, $0x38;
	[tilespmem:$0x1F330] =	vst v63  }
0x53: {  	_ =	swait.ge [sflag:s11], $0x2C00  }
0x54: {  	[sflag:s11] =	ssyncset.done $0x0  }
0x55: {  	s31 =	rddreg [dreg:$0xb];
	[sflag:s11] =	ssyncadd.s32 $0xFFFFD400  }
0x56: {  	[hbm4b:s31+s0] =	stream.linear.scatter [tilespmem:s10], [sflag:$0x9], $0x2C00, $0x38;
	[tilespmem:$0x1F330] =	vst v63  }
0x57: {  	_ =	swait.ge [sflag:s11], $0x2C00  }
0x58: {  	[sflag:s11] =	ssyncset.done $0x0  }
0x59: {  	s31 =	rddreg [dreg:$0x5];
	[sflag:s11] =	ssyncadd.s32 $0xFFFFD400  }
0x5a: {  	[tilespmem:s10], [sflag:$0x9] =	stream.linear.gather [spmem:s31], $0x2C00, $0x38;
	[tilespmem:$0x1F330] =	vst v63  }
0x5b: {  	_ =	swait.ge [sflag:s11], $0x2C00  }
0x5c: {  	[sflag:s11] =	ssyncset.done $0x0  }
0x5d: {  	s31 =	rddreg [dreg:$0xc];
	[sflag:s11] =	ssyncadd.s32 $0xFFFFD400  }
0x5e: {  	[hbm4b:s31+s0] =	stream.linear.scatter [tilespmem:s10], [sflag:$0x9], $0x2C00, $0x38;
	[tilespmem:$0x1F330] =	vst v63  }
0x5f: {  	_ =	swait.ge [sflag:s11], $0x2C00  }
0x60: {  	[sflag:s11] =	ssyncset.done $0x0  }
0x61: {  	s31 =	rddreg [dreg:$0x14];
	[sflag:s11] =	ssyncadd.s32 $0xFFFFD400  }
0x62: {  	[tilespmem:s10], [sflag:$0x9] =	stream.linear.gather [spmem:s31], $0x2C00, $0x38;
	[tilespmem:$0x1F330] =	vst v63  }
0x63: {  	_ =	swait.ge [sflag:s11], $0x2C00  }
0x64: {  	[sflag:s11] =	ssyncset.done $0x0  }
0x65: {  	s31 =	rddreg [dreg:$0xd];
	[sflag:s11] =	ssyncadd.s32 $0xFFFFD400  }
0x66: {  	[hbm4b:s31+s0] =	stream.linear.scatter [tilespmem:s10], [sflag:$0x9], $0x2C00, $0x38;
	[tilespmem:$0x1F330] =	vst v63  }
0x67: {  	_ =	swait.ge [sflag:s11], $0x2C00  }
0x68: {  	[sflag:s11] =	ssyncset.done $0x0  }
0x69: {  	s31 =	rddreg [dreg:$0x15];
	[sflag:s11] =	ssyncadd.s32 $0xFFFFD400  }
0x6a: {  	[tilespmem:s10], [sflag:$0x9] =	stream.linear.gather [spmem:s31], $0x2C00, $0x38;
	[tilespmem:$0x1F330] =	vst v63  }
0x6b: {  	_ =	swait.ge [sflag:s11], $0x2C00  }
0x6c: {  	[sflag:s11] =	ssyncset.done $0x0  }
0x6d: {  	s31 =	rddreg [dreg:$0xe];
	[sflag:s11] =	ssyncadd.s32 $0xFFFFD400  }
0x6e: {  	[hbm4b:s31+s0] =	stream.linear.scatter [tilespmem:s10], [sflag:$0x9], $0x2C00, $0x38;
	[tilespmem:$0x1F330] =	vst v63  }
0x6f: {  	_ =	swait.ge [sflag:s11], $0x2C00  }
0x70: {  	[sflag:s11] =	ssyncset.done $0x0  }
0x71: {  	s31 =	rddreg [dreg:$0x16];
	[sflag:s11] =	ssyncadd.s32 $0xFFFFD400  }
0x72: {  	[tilespmem:s10], [sflag:$0x9] =	stream.linear.gather [spmem:s31], $0x2C00, $0x38;
	[tilespmem:$0x1F330] =	vst v63  }
0x73: {  	_ =	swait.ge [sflag:s11], $0x2C00  }
0x74: {  	[sflag:s11] =	ssyncset.done $0x0  }
0x75: {  	s31 =	rddreg [dreg:$0xf];
	[sflag:s11] =	ssyncadd.s32 $0xFFFFD400  }
0x76: {  	[hbm4b:s31+s0] =	stream.linear.scatter [tilespmem:s10], [sflag:$0x9], $0x2C00, $0x38;
	[tilespmem:$0x1F330] =	vst v63  }
0x77: {  	_ =	swait.ge [sflag:s11], $0x2C00  }
0x78: {  	[sflag:s11] =	ssyncset.done $0x0  }
0x79: {  	s31 =	rddreg [dreg:$0x17];
	[sflag:s11] =	ssyncadd.s32 $0xFFFFD400  }
0x7a: {  	[tilespmem:s10], [sflag:$0x9] =	stream.linear.gather [spmem:s31], $0x2C00, $0x38;
	[tilespmem:$0x1F330] =	vst v63  }
0x7b: {  	_ =	swait.ge [sflag:s11], $0x2C00  }
0x7c: {  	[sflag:s11] =	ssyncset.done $0x0  }
0x7d: {  	s31 =	rddreg [dreg:$0x10];
	[sflag:s11] =	ssyncadd.s32 $0xFFFFD400  }
0x7e: {  	[hbm4b:s31+s0] =	stream.linear.scatter [tilespmem:s10], [sflag:$0x9], $0x2C00, $0x38;
	[tilespmem:$0x1F330] =	vst v63  }
0x7f: {  	_ =	swait.ge [sflag:s11], $0x2C00  }
0x80: {  	[sflag:s11] =	ssyncset.done $0x0  }
0x81: {  	s31 =	rddreg [dreg:$0x18];
	[sflag:s11] =	ssyncadd.s32 $0xFFFFD400  }
0x82: {  	[tilespmem:s10], [sflag:$0x9] =	stream.linear.gather [spmem:s31], $0x2C00, $0x38;
	[tilespmem:$0x1F330] =	vst v63  }
0x83: {  	_ =	swait.ge [sflag:s11], $0x2C00  }
0x84: {  	[sflag:s11] =	ssyncset.done $0x0  }
0x85: {  	s31 =	rddreg [dreg:$0x11];
	[sflag:s11] =	ssyncadd.s32 $0xFFFFD400  }
0x86: {  	[hbm4b:s31+s0] =	stream.linear.scatter [tilespmem:s10], [sflag:$0x9], $0x2C00, $0x38;
	[tilespmem:$0x1F330] =	vst v63  }
0x87: {  	_ =	swait.ge [sflag:s11], $0x2C00  }
0x88: {  	s0 =	rddreg [dreg:$0x1b]  }
0x89: {  	s31 =	rddreg [dreg:$0x12];
	s3 =	sadd.s32 $0x1, s0  }
0x8a: {  	p0 =	sne.s32 s3, s31  }
.Ltmp1:
0x8b: {  	_ = 	snop;
	(pc) =	sbr.rel @!p0 .LBB2_7-.Ltmp1, $3  }
0x8c: {  	_ =	sdelay $0x1  }
0x8d: {  	[sflag:s11] =	ssyncset.done $0x0  }
0x8e: {  	[sflag:s11] =	ssyncadd.s32 $0xFFFFD400  }
.LBB2_1:
0x8f: {  	[dreg:$0x1b] =	wrdreg s3;
	s3 =	simm.s32 $0x0;
	s31 =	simm.s32 $0x200  }
.LBB2_2:
0x90: {  	p0 =	sne.s32 s31, $0xAE00;
	[tilespmem:s3+$0x143A0] =	vst v0  }
0x91: {  	[tilespmem:s3+$0x14330] =	vst v0  }
0x92: {  	[tilespmem:s3+$0x14340] =	vst v0  }
.Ltmp2:
0x93: {  	[tilespmem:s3+$0x14350] =	vst v0;
	(pc) =	sbr.rel @p0 .LBB2_2-.Ltmp2, $4  }
0x94: {  	[tilespmem:s3+$0x14360] =	vst v0  }
0x95: {  	[tilespmem:s3+$0x14370] =	vst v0  }
0x96: {  	[tilespmem:s3+$0x14380] =	vst v0  }
0x97: {  	[tilespmem:s3+$0x14390] =	vst v0;
	s3 =	sshra.s32 s31, $0x2;
	s31 =	sadd.s32 $0x200, s31  }
0x98: {  	[tilespmem:s3+$0x143A0] =	vst v0  }
0x99: {  	[tilespmem:s3+$0x14330] =	vst v0  }
0x9a: {  	[tilespmem:s3+$0x14340] =	vst v0  }
0x9b: {  	[tilespmem:s3+$0x14350] =	vst v0  }
0x9c: {  	[tilespmem:s3+$0x14360] =	vst v0  }
0x9d: {  	[tilespmem:s3+$0x14370] =	vst v0  }
0x9e: {  	[tilespmem:s3+$0x14380] =	vst v0  }
0x9f: {  	[tilespmem:s3+$0x14390] =	vst v0;
	s0 =	rddreg [dreg:$0x3]  }
0xa0: {  	[spmem:s0] =	stream.linear.scatter [tilespmem:s10], [sflag:$0x9], $0x2C00, $0x38;
	[tilespmem:$0x1F330] =	vst v63  }
0xa1: {  	_ =	swait.ge [sflag:s11], $0x2C00  }
0xa2: {  	[sflag:s11] =	ssyncset.done $0x0  }
0xa3: {  	s3 =	rddreg [dreg:$0x4];
	[sflag:s11] =	ssyncadd.s32 $0xFFFFD400  }
0xa4: {  	[spmem:s3] =	stream.linear.scatter [tilespmem:s10], [sflag:$0x9], $0x2C00, $0x38;
	[tilespmem:$0x1F330] =	vst v63  }
0xa5: {  	_ =	swait.ge [sflag:s11], $0x2C00  }
0xa6: {  	[sflag:s11] =	ssyncset.done $0x0  }
0xa7: {  	s3 =	rddreg [dreg:$0x5];
	[sflag:s11] =	ssyncadd.s32 $0xFFFFD400  }
0xa8: {  	[spmem:s3] =	stream.linear.scatter [tilespmem:s10], [sflag:$0x9], $0x2C00, $0x38;
	[tilespmem:$0x1F330] =	vst v63  }
0xa9: {  	_ =	swait.ge [sflag:s11], $0x2C00  }
0xaa: {  	[sflag:s11] =	ssyncset.done $0x0  }
0xab: {  	s3 =	rddreg [dreg:$0x14];
	[sflag:s11] =	ssyncadd.s32 $0xFFFFD400  }
0xac: {  	[spmem:s3] =	stream.linear.scatter [tilespmem:s10], [sflag:$0x9], $0x2C00, $0x38;
	[tilespmem:$0x1F330] =	vst v63  }
0xad: {  	_ =	swait.ge [sflag:s11], $0x2C00  }
0xae: {  	[sflag:s11] =	ssyncset.done $0x0  }
0xaf: {  	s3 =	rddreg [dreg:$0x15];
	[sflag:s11] =	ssyncadd.s32 $0xFFFFD400  }
0xb0: {  	[spmem:s3] =	stream.linear.scatter [tilespmem:s10], [sflag:$0x9], $0x2C00, $0x38;
	[tilespmem:$0x1F330] =	vst v63  }
0xb1: {  	_ =	swait.ge [sflag:s11], $0x2C00  }
0xb2: {  	[sflag:s11] =	ssyncset.done $0x0  }
0xb3: {  	s3 =	rddreg [dreg:$0x16];
	[sflag:s11] =	ssyncadd.s32 $0xFFFFD400  }
0xb4: {  	[spmem:s3] =	stream.linear.scatter [tilespmem:s10], [sflag:$0x9], $0x2C00, $0x38;
	[tilespmem:$0x1F330] =	vst v63  }
0xb5: {  	_ =	swait.ge [sflag:s11], $0x2C00  }
0xb6: {  	[sflag:s11] =	ssyncset.done $0x0  }
0xb7: {  	s3 =	rddreg [dreg:$0x17];
	[sflag:s11] =	ssyncadd.s32 $0xFFFFD400  }
0xb8: {  	[spmem:s3] =	stream.linear.scatter [tilespmem:s10], [sflag:$0x9], $0x2C00, $0x38;
	[tilespmem:$0x1F330] =	vst v63  }
0xb9: {  	_ =	swait.ge [sflag:s11], $0x2C00  }
0xba: {  	[sflag:s11] =	ssyncset.done $0x0  }
0xbb: {  	s3 =	rddreg [dreg:$0x18];
	[sflag:s11] =	ssyncadd.s32 $0xFFFFD400  }
0xbc: {  	[spmem:s3] =	stream.linear.scatter [tilespmem:s10], [sflag:$0x9], $0x2C00, $0x38;
	[tilespmem:$0x1F330] =	vst v63  }
0xbd: {  	_ =	swait.ge [sflag:s11], $0x2C00  }
0xbe: {  	[sflag:s11] =	ssyncset.done $0x0  }
0xbf: {  	[sflag:s11] =	ssyncadd.s32 $0xFFFFD400  }
0xc0: {  	[bflag:$0x0] =	sbarrier.arrive $0xFFFF  }
0xc1: {  	s3 =	rddreg [dreg:$0x6]  }
0xc2: {  	[tilespmem:s14], [sflag:$0x9] =	stream.strided.gather [hbm4b:s3+s12], $0xB0, s13, s12, $0x38;
	[tilespmem:$0x1F330] =	vst v63  }
0xc3: {  	_ =	swait.ge [sflag:s11], $0xB0  }
0xc4: {  	[sflag:s11] =	ssyncset.done $0x0  }
0xc5: {  	[sflag:s11] =	ssyncadd.s32 $0xFFFFFF50  }
0xc6: {  	[tilespmem:s10], [sflag:$0x1] =	stream.indirect.gather [hbm4b:s4+s12], $0x80, s14, s12, $0xb8;
	[tilespmem:$0x1F330] =	vst v63  }
0xc7: {  	s3 =	rddreg [dreg:$0x7]  }
0xc8: {  	[tilespmem:s15], [sflag:$0x9] =	stream.strided.gather [hbm4b:s3+s12], $0xB0, s13, s12, $0x38;
	[tilespmem:$0x1F330] =	vst v63  }
0xc9: {  	_ =	swait.ge [sflag:s11], $0xB0  }
0xca: {  	[sflag:s11] =	ssyncset.done $0x0  }
0xcb: {  	[sflag:s11] =	ssyncadd.s32 $0xFFFFFF50  }
0xcc: {  	[tilespmem:s16], [sflag:$0x2] =	stream.indirect.gather [hbm4b:s4+s12], $0x80, s15, s12, $0xb8;
	[tilespmem:$0x1F330] =	vst v63  }
0xcd: {  	s3 =	rddreg [dreg:$0x19]  }
0xce: {  	[tilespmem:s17], [sflag:$0x9] =	stream.strided.gather [hbm4b:s3+s12], $0xB0, s13, s12, $0x38;
	[tilespmem:$0x1F330] =	vst v63  }
0xcf: {  	_ =	swait.ge [sflag:s11], $0xB0  }
0xd0: {  	[sflag:s11] =	ssyncset.done $0x0  }
0xd1: {  	[sflag:s11] =	ssyncadd.s32 $0xFFFFFF50  }
0xd2: {  	[tilespmem:s18], [sflag:$0x3] =	stream.indirect.gather [hbm4b:s4+s12], $0x80, s17, s12, $0xb8;
	[tilespmem:$0x1F330] =	vst v63  }
0xd3: {  	s3 =	rddreg [dreg:$0x8]  }
0xd4: {  	[tilespmem:s19], [sflag:$0x9] =	stream.strided.gather [hbm4b:s3+s12], $0xB0, s13, s12, $0x38;
	[tilespmem:$0x1F330] =	vst v63  }
0xd5: {  	_ =	swait.ge [sflag:s11], $0xB0  }
0xd6: {  	[sflag:s11] =	ssyncset.done $0x0  }
0xd7: {  	s3 =	simm.s32 $0x0;
	s31 =	rddreg [dreg:$0x13];
	[sflag:s11] =	ssyncadd.s32 $0xFFFFFF50  }
0xd8: {  	[tilespmem:s20], [sflag:$0x4] =	stream.indirect.gather [hbm4b:s4+s12], $0x80, s19, s12, $0xb8;
	[tilespmem:$0x1F330] =	vst v63  }
.LBB2_4:
0xd9: {  	_ =	swait.ge [sflag:s21], $0x2C00  }
0xda: {  	[sflag:s21] =	ssyncset.done $0x0  }
0xdb: {  	[sflag:s21] =	ssyncadd.s32 $0xFFFFD400  }
0xdc: {  	[spmem:s2] =	stream.indirect.scatter.add.f32 [tilespmem:s10], [sflag:$0x5], $0x80, s9, s12, $0xb8;
	[tilespmem:$0x1F330] =	vst v63  }
0xdd: {  	_ =	swait.ge [sflag:s25], $0x2C00  }
0xde: {  	[sflag:s25] =	ssyncset.done $0x0  }
0xdf: {  	s0 =	simm.s32 $0x14108;
	[sflag:s25] =	ssyncadd.s32 $0xFFFFD400  }
0xe0: {  	[spmem:s2] =	stream.indirect.scatter.add.f32 [tilespmem:s16], [sflag:$0x6], $0x80, s0, s12, $0xb8;
	[tilespmem:$0x1F330] =	vst v63  }
0xe1: {  	_ =	swait.ge [sflag:s1], $0x2C00  }
0xe2: {  	[sflag:s1] =	ssyncset.done $0x0  }
0xe3: {  	[sflag:s1] =	ssyncadd.s32 $0xFFFFD400  }
0xe4: {  	[spmem:s2] =	stream.indirect.scatter.add.f32 [tilespmem:s18], [sflag:$0x7], $0x80, s7, s12, $0xb8;
	[tilespmem:$0x1F330] =	vst v63  }
0xe5: {  	_ =	swait.ge [sflag:s8], $0x2C00  }
0xe6: {  	p0 =	seq.s32 s3, $0x4A4;
	[sflag:s8] =	ssyncset.done $0x0  }
.Ltmp3:
0xe7: {  	[sflag:s8] =	ssyncadd.s32 $0xFFFFD400;
	(pc) =	sbr.rel @p0 .LBB2_6-.Ltmp3, $4  }
0xe8: {  	[spmem:s2] =	stream.indirect.scatter.add.f32 [tilespmem:s20], [sflag:$0x8], $0x80, s6, s12, $0xb8;
	[tilespmem:$0x1F330] =	vst v63  }
0xe9: {  	_ =	swait.ge [sflag:s26], $0x2C00  }
0xea: {  	[sflag:s26] =	ssyncset.done $0x0  }
0xeb: {  	[sflag:s26] =	ssyncadd.s32 $0xFFFFD400  }
0xec: {  	s0 =	sshrl.u32 s31, $0x3  }
0xed: {  	s0 =	sadd.s32 s5, s0  }
0xee: {  	[tilespmem:s14], [sflag:$0x9] =	stream.strided.gather [hbm4b:s0+s12], $0xB0, s13, s12, $0x38;
	[tilespmem:$0x1F330] =	vst v63  }
0xef: {  	_ =	swait.ge [sflag:s11], $0xB0  }
0xf0: {  	[sflag:s11] =	ssyncset.done $0x0  }
0xf1: {  	[sflag:s11] =	ssyncadd.s32 $0xFFFFFF50  }
0xf2: {  	[tilespmem:s10], [sflag:$0x1] =	stream.indirect.gather [hbm4b:s4+s12], $0x80, s14, s12, $0xb8;
	[tilespmem:$0x1F330] =	vst v63  }
0xf3: {  	_ =	swait.ge [sflag:s28], $0x2C00  }
0xf4: {  	[sflag:s28] =	ssyncset.done $0x0  }
0xf5: {  	s0 =	sadd.s32 s3, s24;
	[sflag:s28] =	ssyncadd.s32 $0xFFFFD400  }
0xf6: {  	[tilespmem:s15], [sflag:$0x9] =	stream.strided.gather [hbm4b:s0+s12], $0xB0, s13, s12, $0x38;
	[tilespmem:$0x1F330] =	vst v63  }
0xf7: {  	_ =	swait.ge [sflag:s11], $0xB0  }
0xf8: {  	[sflag:s11] =	ssyncset.done $0x0  }
0xf9: {  	[sflag:s11] =	ssyncadd.s32 $0xFFFFFF50  }
0xfa: {  	[tilespmem:s16], [sflag:$0x2] =	stream.indirect.gather [hbm4b:s4+s12], $0x80, s15, s12, $0xb8;
	[tilespmem:$0x1F330] =	vst v63  }
0xfb: {  	_ =	swait.ge [sflag:s29], $0x2C00  }
0xfc: {  	[sflag:s29] =	ssyncset.done $0x0  }
0xfd: {  	s0 =	sadd.s32 s3, s23;
	[sflag:s29] =	ssyncadd.s32 $0xFFFFD400  }
0xfe: {  	[tilespmem:s17], [sflag:$0x9] =	stream.strided.gather [hbm4b:s0+s12], $0xB0, s13, s12, $0x38;
	[tilespmem:$0x1F330] =	vst v63  }
0xff: {  	_ =	swait.ge [sflag:s11], $0xB0  }
0x100: {  	[sflag:s11] =	ssyncset.done $0x0  }
0x101: {  	[sflag:s11] =	ssyncadd.s32 $0xFFFFFF50  }
0x102: {  	[tilespmem:s18], [sflag:$0x3] =	stream.indirect.gather [hbm4b:s4+s12], $0x80, s17, s12, $0xb8;
	[tilespmem:$0x1F330] =	vst v63  }
0x103: {  	_ =	swait.ge [sflag:s30], $0x2C00  }
0x104: {  	[sflag:s30] =	ssyncset.done $0x0  }
0x105: {  	s0 =	sadd.s32 s3, s22;
	[sflag:s30] =	ssyncadd.s32 $0xFFFFD400  }
0x106: {  	[tilespmem:s19], [sflag:$0x9] =	stream.strided.gather [hbm4b:s0+s12], $0xB0, s13, s12, $0x38;
	[tilespmem:$0x1F330] =	vst v63  }
.Ltmp4:
0x107: {  	_ = 	snop;
	(pc) =	sbr.rel .LBB2_4-.Ltmp4, $4  }
0x108: {  	_ =	swait.ge [sflag:s11], $0xB0  }
0x109: {  	[sflag:s11] =	ssyncset.done $0x0  }
0x10a: {  	s31 =	sadd.s32 $0x160, s31;
	s3 =	sadd.s32 $0x2C, s3;
	[sflag:s11] =	ssyncadd.s32 $0xFFFFFF50  }
0x10b: {  	[tilespmem:s20], [sflag:$0x4] =	stream.indirect.gather [hbm4b:s4+s12], $0x80, s19, s12, $0xb8;
	[tilespmem:$0x1F330] =	vst v63  }
.LBB2_7:
0x10c: {  	_ =	sfence.sel $0x180000  }
0x10d: {  	[bflag:$0x0] =	sbarrier.arrive $0xFFFF  }
0x10e: {  	_ =	strace $0x9000004D  }
0x10f: {  	s0 =	stileid.u32;
	[bflag:$0x2] =	sbarrier.arrive $0xFFFF  }
0x110: {  	p0 =	sne.s32 s0, $0x0;
	s0 =	rddreg [dreg:$0x2]  }
0x111: {  	s0 =	sadd.s32 @!p0 $0x100000, s0  }
0x112: {  	[sflag:s0] =	ssyncadd.tile.s32 @!p0 $0x1;
	_ =	shalt  }
.Lfunc_end2:
_tile_overlayer_lowered:
.L_overlay_start_2:
0x113: {  	(tag) =	ssettag $0x2  }
0x114: {  	s0 =	rddreg [dreg:$0x0];
	s2 =	stileid.u32  }
0x115: {  	s1 =	rddreg [dreg:$0x1];
	p0 =	sne.s32 s2, $0x0  }
0x116: {  	s3 =	rddreg [dreg:$0x2];
	[bflag:$0x3] =	sbarrier.arrive $0xFFFF;
	s2 =	simm.s32 @!p0 $0x1C09  }
0x117: {  	[timem:s3], [sflag:s2] =	dma.local @!p0 [hbm:s0], s1  }
0x118: {  	s0 =	simm.s32 @!p0 $0x9  }
0x119: {  	_ =	swait.ge @!p0 [sflag:s0], s1  }
0x11a: {  	s1 =	ssub.s32 @!p0 $0x0, s1;
	[sflag:s0] =	ssyncset.done @!p0 $0x0  }
0x11b: {  	[sflag:s0] =	ssyncadd.s32 @!p0 s1  }
0x11c: {  	[bflag:$0x3] =	sbarrier.arrive $0xFFFF  }
0x11d: {  	_ =	shalt  }

// kernel: kernel.6.cloned.1.call-start
scs
__scs_entry_jumppad:
0x0: {  	(pc) =	sbr.rel $0x88, $3  }
0x1: {  	(tag) =	ssettag $0x0;
	lr =	simm.s32 $0x1  }
0x2: {  	[smem:$0x3F98] =	sst lr;
	_ =	strace $0xD0000000  }
0x3: {  	_ = 	snop  }
0x4: {  	_ = 	snop  }
0x5: {  	_ = 	snop  }
0x6: {  	_ = 	snop  }
0x7: {  	_ = 	snop  }
__scs_overlays_trampoline_lowered:
0x8: {  	[smem:$0x3FA7] =	sst s0  }
0x9: {  	[smem:$0x3FA8] =	sst s1  }
0xa: {  	[smem:$0x3FA9] =	sst s2  }
0xb: {  	[smem:$0x3FAA] =	sst s3  }
0xc: {  	[smem:$0x3FAB] =	sst s4  }
0xd: {  	[smem:$0x3FAC] =	sst s5  }
0xe: {  	[smem:$0x3FAD] =	sst s6  }
0xf: {  	[smem:$0x3FAE] =	sst s7  }
0x10: {  	[smem:$0x3FAF] =	sst s8  }
0x11: {  	[smem:$0x3FB0] =	sst s9;
	s0 =	simm.s32 @!p0 $0x0  }
0x12: {  	s1 =	sld [smem:$0x3F96];
	s0 =	simm.s32 @p0 $0x1  }
0x13: {  	[smem:$0x3FB1] =	sst s0;
	s0 =	simm.s32 @!p1 $0x0  }
0x14: {  	s2 =	sld [smem:$0x3F95];
	s0 =	simm.s32 @p1 $0x1  }
0x15: {  	[smem:$0x3FB2] =	sst s0;
	s0 =	simm.s32 @!p2 $0x0  }
0x16: {  	s3 =	sld [smem:$0x3FDB];
	s0 =	simm.s32 @p2 $0x1  }
0x17: {  	s4 =	simm.s32 $0x1BF5;
	[smem:$0x3FB4] =	sst s0  }
0x18: {  	s0 =	sld [smem:$0x3F97];
	_ =	swait.ge [sflag:s4], $0x0  }
0x19: {  	s7 =	sld [smem:$0x3F98]  }
0x1a: {  	s8 =	sadd.s32 $0xFFFFE003, lr  }
0x1b: {  	s9 =	sadd.s32 $0xFFFFFEF7, lr;
	s5 =	simm.s32 $0xFFFFFFFF;
	p2 =	slt.u32 s8, $0xFFFFF086  }
0x1c: {  	p1 =	slt.u32 s9, $0xF7A;
	s5 =	simm.s32 @!p2 $0x0  }
0x1d: {  	s5 =	simm.s32 @p1 $0x1;
	p0 =	seq.s32 s7, s2  }
0x1e: {  	s7 =	smul.u32 @!p0 $0xF7A, s2;
	p2 =	seq.s32 @!p0 s5, $0x0  }
0x1f: {  	s9 =	smul.u32 $0xF7A, s1;
	s8 =	simm.s32 @!p0 $0x1BF5;
	p2 =	por !p2, p0  }
0x20: {  	[sflag:s8] =	ssyncset.s32 @!p0 $0xFFFFF086;
	s6 =	sadd.s32 @!p0 s3, s7;
	s7 =	simm.s32 @!p0 $0x108  }
0x21: {  	s3 =	sadd.s32 s3, s9;
	s6 =	sadd.s32 @!p0 $0x88, s6;
	s7 =	simm.s32 @p2 $0x1082  }
0x22: {  	[simem:s7], [sflag:s8] =	dma.local @!p0 [hbm:s6], $0xF7A  }
0x23: {  	s9 =	sor.u32 $0xD0000000, s2;
	s6 =	simm.s32 $0x108;
	_ =	swait.ge @!p0 [sflag:s8], $0x0  }
0x24: {  	s3 =	sadd.s32 $0x88, s3;
	s6 =	simm.s32 @!p1 $0x1082;
	[sflag:s4] =	ssyncset.s32 $0xFFFFF086  }
0x25: {  	[simem:s6], [sflag:s4] =	dma.local [hbm:s3], $0xF7A  }
0x26: {  	[smem:$0x3F98] =	sst s1;
	(tag) =	ssettag s2;
	_ =	strace s9  }
0x27: {  	s1 =	sld [smem:$0x3FA8]  }
0x28: {  	s2 =	sld [smem:$0x3FA9]  }
0x29: {  	s4 =	sld [smem:$0x3FAB]  }
0x2a: {  	p0 =	seq.s32 s5, $0x0;
	s5 =	sld [smem:$0x3FAC]  }
0x2b: {  	s6 =	sld [smem:$0x3FAD]  }
0x2c: {  	s7 =	sld [smem:$0x3FAE]  }
0x2d: {  	s3 =	simm.s32 $0x108;
	s8 =	sld [smem:$0x3FAF]  }
0x2e: {  	s3 =	simm.s32 @!p0 $0x1082;
	s9 =	sld [smem:$0x3FB0]  }
0x2f: {  	lr =	sadd.s32 s0, s3;
	s0 =	sld [smem:$0x3FA7]  }
0x30: {  	s3 =	sld [smem:$0x3FAA]  }
0x31: {  	[smem:$0x3FB3] =	sst s10  }
0x32: {  	s10 =	sld [smem:$0x3FB1];
	_ =	sdelay $0x3  }
0x33: {  	p0 =	seq.s32 s10, $0x1;
	s10 =	sld [smem:$0x3FB3];
	_ =	sdelay $0x3  }
0x34: {  	[smem:$0x3FB3] =	sst s10  }
0x35: {  	s10 =	sld [smem:$0x3FB2];
	_ =	sdelay $0x3  }
0x36: {  	p1 =	seq.s32 s10, $0x1;
	s10 =	sld [smem:$0x3FB3];
	_ =	sdelay $0x3  }
0x37: {  	[smem:$0x3FB3] =	sst s10  }
0x38: {  	s10 =	sld [smem:$0x3FB4]  }
0x39: {  	_ = 	snop;
	(pc) =	sbr.ind lr, $3  }
0x3a: {  	_ = 	snop  }
0x3b: {  	_ = 	snop  }
0x3c: {  	p2 =	seq.s32 s10, $0x1;
	s10 =	sld [smem:$0x3FB3]  }
0x3d: {  	_ =	shalt  }
0x3e: {  	_ =	shalt  }
0x3f: {  	_ =	shalt  }
0x40: {  	_ =	shalt  }
0x41: {  	_ =	shalt  }
0x42: {  	_ =	shalt  }
0x43: {  	_ =	shalt  }
0x44: {  	_ =	shalt  }
0x45: {  	_ =	shalt  }
0x46: {  	_ =	shalt  }
0x47: {  	_ =	shalt  }
0x48: {  	_ =	shalt  }
0x49: {  	_ =	shalt  }
0x4a: {  	_ =	shalt  }
0x4b: {  	_ =	shalt  }
0x4c: {  	_ =	shalt  }
0x4d: {  	_ =	shalt  }
0x4e: {  	_ =	shalt  }
0x4f: {  	_ =	shalt  }
0x50: {  	_ =	shalt  }
0x51: {  	_ =	shalt  }
0x52: {  	_ =	shalt  }
0x53: {  	_ =	shalt  }
0x54: {  	_ =	shalt  }
0x55: {  	_ =	shalt  }
0x56: {  	_ =	shalt  }
0x57: {  	_ =	shalt  }
0x58: {  	_ =	shalt  }
0x59: {  	_ =	shalt  }
0x5a: {  	_ =	shalt  }
0x5b: {  	_ =	shalt  }
0x5c: {  	_ =	shalt  }
0x5d: {  	_ =	shalt  }
0x5e: {  	_ =	shalt  }
0x5f: {  	_ =	shalt  }
0x60: {  	_ =	shalt  }
0x61: {  	_ =	shalt  }
0x62: {  	_ =	shalt  }
0x63: {  	_ =	shalt  }
0x64: {  	_ =	shalt  }
0x65: {  	_ =	shalt  }
0x66: {  	_ =	shalt  }
0x67: {  	_ =	shalt  }
0x68: {  	_ =	shalt  }
0x69: {  	_ =	shalt  }
0x6a: {  	_ =	shalt  }
0x6b: {  	_ =	shalt  }
0x6c: {  	_ =	shalt  }
0x6d: {  	_ =	shalt  }
0x6e: {  	_ =	shalt  }
0x6f: {  	_ =	shalt  }
0x70: {  	_ =	shalt  }
0x71: {  	_ =	shalt  }
0x72: {  	_ =	shalt  }
0x73: {  	_ =	shalt  }
0x74: {  	_ =	shalt  }
0x75: {  	_ =	shalt  }
0x76: {  	_ =	shalt  }
0x77: {  	_ =	shalt  }
0x78: {  	_ =	shalt  }
0x79: {  	_ =	shalt  }
0x7a: {  	_ =	shalt  }
0x7b: {  	_ =	shalt  }
0x7c: {  	_ =	shalt  }
0x7d: {  	_ =	shalt  }
0x7e: {  	_ =	shalt  }
0x7f: {  	_ =	shalt  }
0x80: {  	_ =	shalt  }
0x81: {  	_ =	shalt  }
0x82: {  	_ =	shalt  }
0x83: {  	_ =	shalt  }
0x84: {  	_ =	shalt  }
0x85: {  	_ =	shalt  }
0x86: {  	_ =	shalt  }
0x87: {  	_ =	shalt  }
.Lfunc_end0:
.L_simem_size_0:
called_computation_lowered:
.L_overlay_start_0:
0x88: {  	s2 =	sld [smem:$0x3FD9]  }
0x89: {  	s3 =	sld [smem:$0x3FFE];
	_ =	sdelay $0x1  }
0x8a: {  	s1 =	srdreg.scid  }
0x8b: {  	s0 =	sand.u32 $0x1, s1  }
0x8c: {  	s16 =	sshll.u32 s0, $0xA;
	s2 =	sadd.s32 s3, s2  }
0x8d: {  	s2 =	sadd.s32 s2, s16  }
0x8e: {  	[smem:$0x3FBF] =	sst s2  }
0x8f: {  	_ = 	snop  }
0x90: {  	(tm) =	ssettm $0x1  }
0x91: {  	s17 =	sld [smem:$0x3FFB];
	_ =	sdelay $0x3  }
0x92: {  	_ =	strace s17  }
0x93: {  	s2 =	sld [smem:$0x3FFC];
	_ =	sdelay $0x3  }
0x94: {  	_ =	strace s2  }
0x95: {  	s2 =	sld [smem:$0x3FFD];
	_ =	sdelay $0x3  }
0x96: {  	_ =	strace s2  }
0x97: {  	_ =	strace $0x8FFFFFFF  }
0x98: {  	s18 =	sld [smem:$0x3FDB];
	_ =	sdelay $0x1  }
0x99: {  	s19 =	simm.s32 $_scs_section_size  }
0x9a: {  	s4 =	simm.s32 $_size__tile_overlayer_lowered;
	s5 =	simm.s32 $_tile_overlayer_lowered  }
0x9b: {  	s22 =	simm.s32 $0x1BFF;
	s21 =	sshll.u32 s5, $0x1;
	s2 =	sadd.s32 s19, s18  }
0x9c: {  	s6 =	simm.s32 $0x0;
	s20 =	sshll.u32 s4, $0x1;
	s4 =	sadd.s32 s21, s2  }
0x9d: {  	[timem:s6], [sflag:s22] =	dma.local [hbm:s4], s20  }
0x9e: {  	_ =	swait.ge [sflag:s22], s20  }
0x9f: {  	s3 =	ssub.s32 $0x0, s20;
	[sflag:s22] =	ssyncset.done $0x0  }
0xa0: {  	[sflag:s22] =	ssyncadd.s32 s3;
	_ =	sdelay $0x1  }
0xa1: {  	s23 =	simm.s32 $0x1B8B  }
0xa2: {  	_ =	swait.ge [sflag:s23], $0x1  }
0xa3: {  	[sflag:s23] =	ssyncset.done $0x0  }
0xa4: {  	s25 =	simm.s32 $0x1B8E;
	s24 =	sld [smem:$0x3FFE];
	[sflag:s23] =	ssyncadd.s32 $0xFFFFFFFF  }
0xa5: {  	s26 =	simm.s32 $execute0_lowered;
	[smem:$0x3FD2] =	sst s25  }
0xa6: {  	s4 =	sshll.u32 s26, $0x1;
	_ =	strace $0x80000046;
	[dreg:$0x1] =	wrdreg $0xFFFFFFFF  }
0xa7: {  	s28 =	simm.s32 $_size_execute0_lowered;
	s2 =	sadd.s32 s2, s4;
	[dreg:$0x0] =	wrdreg $0x0  }
0xa8: {  	s4 =	sshll.u32 s28, $0x1;
	[dreg:$0x2] =	wrdreg s2  }
0xa9: {  	[dreg:$0x3] =	wrdreg s4  }
0xaa: {  	[dreg:$0x4] =	wrdreg $0xC0  }
0xab: {  	_ =	task [dreg:s6], $0x5FFFF  }
0xac: {  	[dreg:$0x1] =	wrdreg $0xFFFFFFFF  }
0xad: {  	[dreg:$0x0] =	wrdreg $0x60  }
0xae: {  	[dreg:$0x2] =	wrdreg s24  }
0xaf: {  	[dreg:$0x3] =	wrdreg $0x0  }
0xb0: {  	[dreg:$0x4] =	wrdreg $0x9  }
0xb1: {  	_ =	task.clear_ibuf [dreg:s6], $0x5FFFF;
	_ =	strace $0x90000046  }
0xb2: {  	s29 =	simm.s32 $0x9;
	_ =	strace $0x80000048  }
0xb3: {  	_ =	swait.ge [sflag:s29], $0x1  }
0xb4: {  	[sflag:s29] =	ssyncadd.s32 $0xFFFFFFFF  }
0xb5: {  	_ =	strace $0x90000048  }
0xb6: {  	_ =	sfence  }
0xb7: {  	s30 =	sld [smem:$0x0];
	_ =	sdelay $0x2  }
0xb8: {  	s31 =	sshll.u32 s1, $0xD;
	s1 =	sshrl.u32 s1, $0x2  }
0xb9: {  	s3 =	sand.u32 $0x4000, s31;
	s1 =	sadd.s32 s1, s30  }
0xba: {  	s0 =	sor.u32 s3, s0;
	s1 =	sshll.u32 s1, $0x11  }
0xbb: {  	s0 =	sor.u32 s1, s0  }
0xbc: {  	s0 =	sadd.s32 $0x8F2B, s0  }
0xbd: {  	[sflag:s0] =	ssyncadd.remote.s32 $0x1  }
0xbe: {  	_ =	sfence.sel $0xFFFF  }
0xbf: {  	[dreg:$0x0] =	wrdreg $0xFFFFFFFF;
	(pc) =	sbr.abs _section_cstart, $3  }
0xc0: {  	[dreg:$0x1] =	wrdreg $0xFFFFFFFF  }
0xc1: {  	_ =	task.clear_ibuf [dreg:s6], $0x2FFFF;
	_ =	strace $0x9FFFFFFF  }
0xc2: {  	(tm) =	ssettm $0x7FFFFFFF  }
0xc3: {  	_ =	shalt  }
tec
execute0_lowered:
.L_overlay_start_1:
0x0: {  	(tag) =	ssettag $0x1  }
0x1: {  	s1 =	srdreg.scid  }
0x2: {  	s0 =	stileid.u32;
	s5 =	rddreg [dreg:$0x0]  }
0x3: {  	s2 =	rddreg [dreg:$0x1];
	s3 =	simm.s32 $0x0;
	s13 =	simm.s32 $0x3210  }
0x4: {  	s14 =	simm.s32 $0x3;
	s15 =	simm.s32 $0x2800;
	s16 =	simm.s32 $0x80  }
0x5: {  	s17 =	simm.s32 $0x2910;
	s18 =	simm.s32 $0x2880;
	s19 =	simm.s32 $0x1  }
0x6: {  	s20 =	simm.s32 $0x2;
	s21 =	simm.s32 $0x2900;
	s7 =	smul.u32 $0x500, s0  }
0x7: {  	s22 =	simm.s32 $0x10;
	s23 =	simm.s32 $0x3110;
	s10 =	smul.u32 $0x2710, s0  }
0x8: {  	s6 =	sand.u32 $0x1, s1;
	s1 =	rddreg [dreg:$0x2];
	s25 =	smul.u32 $0xA000, s0  }
0x9: {  	s24 =	simm.s32 $0x0;
	[smem:$0x7FF] =	sst s3;
	s8 =	smul.u32 $0x5000, s6  }
0xa: {  	s4 =	sadd.s32 $0x2200, s5;
	s9 =	smul.u32 $0x27100, s6;
	s6 =	ssub.s32 $0x2, s6  }
0xb: {  	_ =	strace $0x80000047;
	s28 =	sshrl.u32 s6, $0x1;
	s31 =	sshrl.u32 s25, $0x2  }
0xc: {  	s7 =	sadd.s32 s7, s8;
	s11 =	sadd.s32 s10, s9;
	s30 =	ssub.s32 s6, s28  }
0xd: {  	s6 =	sadd.s32 s31, s2;
	s26 =	sadd.s32 s7, s5;
	s29 =	sshrl.u32 s11, $0x3  }
0xe: {  	s12 =	sadd.s32 $0x80, s11;
	s9 =	smax.u32 s30, $0x1;
	s11 =	sadd.s32 $0x100, s11  }
0xf: {  	s5 =	sadd.s32 s4, s29;
	s8 =	sadd.s32 $0xC000, s26;
	s12 =	sshrl.u32 s12, $0x3  }
0x10: {  	v0 =	vimm.f32 $0.0e+00;
	v1 =	vimm.f32 $1.000000000e+00;
	s7 =	sadd.s32 $0x4E0, s5;
	s10 =	sadd.s32 $0x4D0, s5;
	s12 =	sadd.s32 s12, s4  }
.LBB2_1:
0x11: {  	s25 =	simm.s32 $0x0  }
.LBB2_2:
0x12: {  	p0 =	sne.s32 s25, $0x9FC0  }
.Ltmp0:
0x13: {  	_ = 	snop;
	(pc) =	sbr.rel @p0 .LBB2_2-.Ltmp0, $3  }
0x14: {  	_ =	sdelay $0x1  }
0x15: {  	s26 =	sshra.s32 s25, $0x2  }
0x16: {  	s25 =	sadd.s32 $0x40, s25;
	[tilespmem:s26+$0x3210] =	vst v0  }
0x17: {  	s25 =	simm.s32 $0x40;
	s26 =	simm.s32 $0x0  }
.LBB2_4:
0x18: {  	p0 =	sne.s32 s25, $0x1FC0;
	[tilespmem:s26+$0x2910] =	vst v1;
	s26 =	smov.u32 s25;
	s25 =	sadd.s32 $0x40, s25  }
.Ltmp1:
0x19: {  	(pc) =	sbr.rel @p0 .LBB2_4-.Ltmp1, $2  }
0x1a: {  	_ =	sdelay $0x2  }
0x1b: {  	s26 =	sshra.s32 s26, $0x2  }
0x1c: {  	[tilespmem:s26+$0x2910] =	vst v1  }
0x1d: {  	[tilespmem:$0x3110] =	vst v1  }
0x1e: {  	[tilespmem:$0x3120] =	vst v1  }
0x1f: {  	[tilespmem:$0x3130] =	vst v1  }
0x20: {  	[tilespmem:$0x3140] =	vst v1  }
0x21: {  	[tilespmem:$0x3150] =	vst v1  }
0x22: {  	[tilespmem:$0x3160] =	vst v1  }
0x23: {  	[tilespmem:$0x3170] =	vst v1  }
0x24: {  	[tilespmem:$0x3180] =	vst v1  }
0x25: {  	[tilespmem:$0x3190] =	vst v1  }
0x26: {  	[tilespmem:$0x31A0] =	vst v1  }
0x27: {  	[tilespmem:$0x31B0] =	vst v1  }
0x28: {  	[tilespmem:$0x31C0] =	vst v1  }
0x29: {  	[tilespmem:$0x31D0] =	vst v1  }
0x2a: {  	[tilespmem:$0x31E0] =	vst v1  }
0x2b: {  	[tilespmem:$0x31F0] =	vst v1  }
0x2c: {  	[tilespmem:$0x3200] =	vst v1  }
0x2d: {  	[spmem:s6] =	stream.linear.scatter [tilespmem:s13], [sflag:$0x3], $0x2800, $0x38;
	[tilespmem:$0x5A10] =	vst v63  }
0x2e: {  	_ =	swait.ge [sflag:s14], $0x2800  }
0x2f: {  	[sflag:s14] =	ssyncset.done $0x0  }
0x30: {  	[sflag:s14] =	ssyncadd.s32 $0xFFFFD800  }
0x31: {  	s25 =	simm.s32 $0x0;
	[bflag:$0x0] =	sbarrier.arrive $0xFFFF  }
0x32: {  	[tilespmem:s15], [sflag:$0x3] =	stream.linear.gather [hbm4b:s5+s25], $0x80, $0x38;
	[tilespmem:$0x5A10] =	vst v63  }
0x33: {  	_ =	swait.ge [sflag:s14], $0x80  }
0x34: {  	[sflag:s14] =	ssyncset.done $0x0  }
0x35: {  	[sflag:s14] =	ssyncadd.s32 $0xFFFFFF80  }
0x36: {  	[spmem:s2] =	stream.indirect.scatter.add.f32 [tilespmem:s17], [sflag:$0x1], $0x10, s15, s16, $0xb8;
	[tilespmem:$0x5A10] =	vst v63  }
0x37: {  	s30 =	sadd.s32 $0x0, s12  }
0x38: {  	[tilespmem:s18], [sflag:$0x3] =	stream.linear.gather [hbm4b:s30+s3], $0x80, $0x38;
	[tilespmem:$0x5A10] =	vst v63  }
0x39: {  	_ =	swait.ge [sflag:s14], $0x80  }
0x3a: {  	[sflag:s14] =	ssyncset.done $0x0  }
0x3b: {  	[sflag:s14] =	ssyncadd.s32 $0xFFFFFF80  }
0x3c: {  	[spmem:s2] =	stream.indirect.scatter.add.f32 [tilespmem:s17], [sflag:$0x2], $0x10, s18, s16, $0xb8;
	[tilespmem:$0x5A10] =	vst v63  }
0x3d: {  	_ =	swait.ge [sflag:s19], $0x800  }
0x3e: {  	s31 =	sshrl.u32 s11, $0x3;
	[sflag:s19] =	ssyncset.done $0x0  }
0x3f: {  	s25 =	sadd.s32 s4, s31;
	[sflag:s19] =	ssyncadd.s32 $0xFFFFF800  }
0x40: {  	[tilespmem:s15], [sflag:$0x3] =	stream.linear.gather [hbm4b:s25+s3], $0x80, $0x38;
	[tilespmem:$0x5A10] =	vst v63  }
0x41: {  	_ =	swait.ge [sflag:s14], $0x80  }
0x42: {  	[sflag:s14] =	ssyncset.done $0x0  }
0x43: {  	[sflag:s14] =	ssyncadd.s32 $0xFFFFFF80  }
0x44: {  	_ =	swait.ge [sflag:s20], $0x800  }
0x45: {  	s26 =	smov.u32 s11;
	s25 =	simm.s32 $0x20;
	[sflag:s20] =	ssyncset.done $0x0  }
.LBB2_6:
0x46: {  	p0 =	sne.s32 s25, $0x4A0;
	[sflag:s20] =	ssyncadd.s32 $0xFFFFF800;
	s26 =	sadd.s32 $0x100, s26  }
0x47: {  	[spmem:s2] =	stream.indirect.scatter.add.f32 [tilespmem:s17], [sflag:$0x1], $0x10, s15, s16, $0xb8;
	[tilespmem:$0x5A10] =	vst v63  }
0x48: {  	s28 =	sadd.s32 s25, s12;
	s25 =	sadd.s32 $0x20, s25  }
0x49: {  	[tilespmem:s18], [sflag:$0x3] =	stream.linear.gather [hbm4b:s28+s3], $0x80, $0x38;
	[tilespmem:$0x5A10] =	vst v63  }
0x4a: {  	_ =	swait.ge [sflag:s14], $0x80  }
0x4b: {  	[sflag:s14] =	ssyncset.done $0x0  }
0x4c: {  	[sflag:s14] =	ssyncadd.s32 $0xFFFFFF80  }
0x4d: {  	[spmem:s2] =	stream.indirect.scatter.add.f32 [tilespmem:s17], [sflag:$0x2], $0x10, s18, s16, $0xb8;
	[tilespmem:$0x5A10] =	vst v63  }
0x4e: {  	_ =	swait.ge [sflag:s19], $0x800  }
0x4f: {  	s28 =	sshrl.u32 s26, $0x3;
	[sflag:s19] =	ssyncset.done $0x0  }
0x50: {  	s28 =	sadd.s32 s4, s28;
	[sflag:s19] =	ssyncadd.s32 $0xFFFFF800  }
0x51: {  	[tilespmem:s15], [sflag:$0x3] =	stream.linear.gather [hbm4b:s28+s3], $0x80, $0x38;
	[tilespmem:$0x5A10] =	vst v63  }
.Ltmp2:
0x52: {  	_ =	swait.ge [sflag:s14], $0x80;
	(pc) =	sbr.rel @p0 .LBB2_6-.Ltmp2, $4  }
0x53: {  	[sflag:s14] =	ssyncset.done $0x0  }
0x54: {  	[sflag:s14] =	ssyncadd.s32 $0xFFFFFF80  }
0x55: {  	_ =	swait.ge [sflag:s20], $0x800  }
0x56: {  	[sflag:s20] =	ssyncset.done $0x0  }
0x57: {  	[sflag:s20] =	ssyncadd.s32 $0xFFFFF800  }
0x58: {  	[spmem:s2] =	stream.indirect.scatter.add.f32 [tilespmem:s17], [sflag:$0x1], $0x10, s15, s16, $0xb8;
	[tilespmem:$0x5A10] =	vst v63  }
0x59: {  	_ = 	snop  }
0x5a: {  	[tilespmem:s18], [sflag:$0x3] =	stream.linear.gather [hbm4b:s10+s3], $0x80, $0x38;
	[tilespmem:$0x5A10] =	vst v63  }
0x5b: {  	_ =	swait.ge [sflag:s14], $0x80  }
0x5c: {  	[sflag:s14] =	ssyncset.done $0x0  }
0x5d: {  	[sflag:s14] =	ssyncadd.s32 $0xFFFFFF80  }
0x5e: {  	[spmem:s2] =	stream.indirect.scatter.add.f32 [tilespmem:s17], [sflag:$0x2], $0x10, s18, s16, $0xb8;
	[tilespmem:$0x5A10] =	vst v63  }
0x5f: {  	_ =	swait.ge [sflag:s19], $0x800  }
0x60: {  	[sflag:s19] =	ssyncset.done $0x0  }
0x61: {  	[sflag:s19] =	ssyncadd.s32 $0xFFFFF800  }
0x62: {  	_ =	swait.ge [sflag:s20], $0x800  }
0x63: {  	[sflag:s20] =	ssyncset.done $0x0  }
0x64: {  	[sflag:s20] =	ssyncadd.s32 $0xFFFFF800  }
0x65: {  	[tilespmem:s21], [sflag:$0x3] =	stream.linear.gather [hbm4b:s7+s3], $0x10, $0x38;
	[tilespmem:$0x5A10] =	vst v63  }
0x66: {  	_ =	swait.ge [sflag:s14], $0x10  }
0x67: {  	[sflag:s14] =	ssyncset.done $0x0  }
0x68: {  	[sflag:s14] =	ssyncadd.s32 $0xFFFFFFF0  }
0x69: {  	[spmem:s2] =	stream.indirect.scatter.add.f32 [tilespmem:s23], [sflag:$0x3], $0x10, s21, s22, $0xb8;
	[tilespmem:$0x5A10] =	vst v63  }
0x6a: {  	_ =	swait.ge [sflag:s14], $0x100  }
0x6b: {  	[sflag:s14] =	ssyncset.done $0x0  }
0x6c: {  	[sflag:s14] =	ssyncadd.s32 $0xFFFFFF00  }
0x6d: {  	[bflag:$0x0] =	sbarrier.arrive $0xFFFF  }
0x6e: {  	[tilespmem:s13], [sflag:$0x3] =	stream.linear.gather [spmem:s6], $0x2800, $0x38;
	[tilespmem:$0x5A10] =	vst v63  }
0x6f: {  	s24 =	sadd.s32 $0x1, s24;
	_ =	swait.ge [sflag:s14], $0x2800  }
0x70: {  	p0 =	sne.s32 s24, s9;
	[sflag:s14] =	ssyncset.done $0x0  }
.Ltmp3:
0x71: {  	[sflag:s14] =	ssyncadd.s32 $0xFFFFD800;
	(pc) =	sbr.rel @p0 .LBB2_1-.Ltmp3, $4  }
0x72: {  	[hbm4b:s8+s3] =	stream.linear.scatter [tilespmem:s13], [sflag:$0x3], $0x2800, $0x38;
	[tilespmem:$0x5A10] =	vst v63  }
0x73: {  	_ =	swait.ge [sflag:s14], $0x2800  }
0x74: {  	[sflag:s14] =	ssyncset.done $0x0  }
0x75: {  	[sflag:s14] =	ssyncadd.s32 $0xFFFFD800  }
0x76: {  	_ =	sfence.sel $0x180000  }
0x77: {  	[bflag:$0x0] =	sbarrier.arrive $0xFFFF  }
0x78: {  	p0 =	sne.s32 s0, $0x0;
	_ =	strace $0x90000047  }
0x79: {  	s0 =	sadd.s32 @!p0 $0x100000, s1;
	[bflag:$0x2] =	sbarrier.arrive $0xFFFF  }
0x7a: {  	[sflag:s0] =	ssyncadd.tile.s32 @!p0 $0x1;
	_ =	shalt  }
.Lfunc_end2:
_tile_overlayer_lowered:
.L_overlay_start_2:
0x7b: {  	(tag) =	ssettag $0x2  }
0x7c: {  	s0 =	rddreg [dreg:$0x0];
	s2 =	stileid.u32  }
0x7d: {  	s1 =	rddreg [dreg:$0x1];
	p0 =	sne.s32 s2, $0x0  }
0x7e: {  	s3 =	rddreg [dreg:$0x2];
	[bflag:$0x3] =	sbarrier.arrive $0xFFFF;
	s2 =	simm.s32 @!p0 $0x1C03  }
0x7f: {  	[timem:s3], [sflag:s2] =	dma.local @!p0 [hbm:s0], s1  }
0x80: {  	s0 =	simm.s32 @!p0 $0x3  }
0x81: {  	_ =	swait.ge @!p0 [sflag:s0], s1  }
0x82: {  	s1 =	ssub.s32 @!p0 $0x0, s1;
	[sflag:s0] =	ssyncset.done @!p0 $0x0  }
0x83: {  	[sflag:s0] =	ssyncadd.s32 @!p0 s1  }
0x84: {  	[bflag:$0x3] =	sbarrier.arrive $0xFFFF  }
0x85: {  	_ =	shalt  }

// kernel: kernel.9.cloned.1.call-start
scs
__scs_entry_jumppad:
0x0: {  	(pc) =	sbr.rel $0x88, $3  }
0x1: {  	(tag) =	ssettag $0x0;
	lr =	simm.s32 $0x1  }
0x2: {  	[smem:$0x3F98] =	sst lr;
	_ =	strace $0xD0000000  }
0x3: {  	_ = 	snop  }
0x4: {  	_ = 	snop  }
0x5: {  	_ = 	snop  }
0x6: {  	_ = 	snop  }
0x7: {  	_ = 	snop  }
__scs_overlays_trampoline_lowered:
0x8: {  	[smem:$0x3FA7] =	sst s0  }
0x9: {  	[smem:$0x3FA8] =	sst s1  }
0xa: {  	[smem:$0x3FA9] =	sst s2  }
0xb: {  	[smem:$0x3FAA] =	sst s3  }
0xc: {  	[smem:$0x3FAB] =	sst s4  }
0xd: {  	[smem:$0x3FAC] =	sst s5  }
0xe: {  	[smem:$0x3FAD] =	sst s6  }
0xf: {  	[smem:$0x3FAE] =	sst s7  }
0x10: {  	[smem:$0x3FAF] =	sst s8  }
0x11: {  	[smem:$0x3FB0] =	sst s9;
	s0 =	simm.s32 @!p0 $0x0  }
0x12: {  	s1 =	sld [smem:$0x3F96];
	s0 =	simm.s32 @p0 $0x1  }
0x13: {  	[smem:$0x3FB1] =	sst s0;
	s0 =	simm.s32 @!p1 $0x0  }
0x14: {  	s2 =	sld [smem:$0x3F95];
	s0 =	simm.s32 @p1 $0x1  }
0x15: {  	[smem:$0x3FB2] =	sst s0;
	s0 =	simm.s32 @!p2 $0x0  }
0x16: {  	s3 =	sld [smem:$0x3FDB];
	s0 =	simm.s32 @p2 $0x1  }
0x17: {  	s4 =	simm.s32 $0x1BF5;
	[smem:$0x3FB4] =	sst s0  }
0x18: {  	s0 =	sld [smem:$0x3F97];
	_ =	swait.ge [sflag:s4], $0x0  }
0x19: {  	s7 =	sld [smem:$0x3F98]  }
0x1a: {  	s8 =	sadd.s32 $0xFFFFE003, lr  }
0x1b: {  	s9 =	sadd.s32 $0xFFFFFEF7, lr;
	s5 =	simm.s32 $0xFFFFFFFF;
	p2 =	slt.u32 s8, $0xFFFFF086  }
0x1c: {  	p1 =	slt.u32 s9, $0xF7A;
	s5 =	simm.s32 @!p2 $0x0  }
0x1d: {  	s5 =	simm.s32 @p1 $0x1;
	p0 =	seq.s32 s7, s2  }
0x1e: {  	s7 =	smul.u32 @!p0 $0xF7A, s2;
	p2 =	seq.s32 @!p0 s5, $0x0  }
0x1f: {  	s9 =	smul.u32 $0xF7A, s1;
	s8 =	simm.s32 @!p0 $0x1BF5;
	p2 =	por !p2, p0  }
0x20: {  	[sflag:s8] =	ssyncset.s32 @!p0 $0xFFFFF086;
	s6 =	sadd.s32 @!p0 s3, s7;
	s7 =	simm.s32 @!p0 $0x108  }
0x21: {  	s3 =	sadd.s32 s3, s9;
	s6 =	sadd.s32 @!p0 $0x88, s6;
	s7 =	simm.s32 @p2 $0x1082  }
0x22: {  	[simem:s7], [sflag:s8] =	dma.local @!p0 [hbm:s6], $0xF7A  }
0x23: {  	s9 =	sor.u32 $0xD0000000, s2;
	s6 =	simm.s32 $0x108;
	_ =	swait.ge @!p0 [sflag:s8], $0x0  }
0x24: {  	s3 =	sadd.s32 $0x88, s3;
	s6 =	simm.s32 @!p1 $0x1082;
	[sflag:s4] =	ssyncset.s32 $0xFFFFF086  }
0x25: {  	[simem:s6], [sflag:s4] =	dma.local [hbm:s3], $0xF7A  }
0x26: {  	[smem:$0x3F98] =	sst s1;
	(tag) =	ssettag s2;
	_ =	strace s9  }
0x27: {  	s1 =	sld [smem:$0x3FA8]  }
0x28: {  	s2 =	sld [smem:$0x3FA9]  }
0x29: {  	s4 =	sld [smem:$0x3FAB]  }
0x2a: {  	p0 =	seq.s32 s5, $0x0;
	s5 =	sld [smem:$0x3FAC]  }
0x2b: {  	s6 =	sld [smem:$0x3FAD]  }
0x2c: {  	s7 =	sld [smem:$0x3FAE]  }
0x2d: {  	s3 =	simm.s32 $0x108;
	s8 =	sld [smem:$0x3FAF]  }
0x2e: {  	s3 =	simm.s32 @!p0 $0x1082;
	s9 =	sld [smem:$0x3FB0]  }
0x2f: {  	lr =	sadd.s32 s0, s3;
	s0 =	sld [smem:$0x3FA7]  }
0x30: {  	s3 =	sld [smem:$0x3FAA]  }
0x31: {  	[smem:$0x3FB3] =	sst s10  }
0x32: {  	s10 =	sld [smem:$0x3FB1];
	_ =	sdelay $0x3  }
0x33: {  	p0 =	seq.s32 s10, $0x1;
	s10 =	sld [smem:$0x3FB3];
	_ =	sdelay $0x3  }
0x34: {  	[smem:$0x3FB3] =	sst s10  }
0x35: {  	s10 =	sld [smem:$0x3FB2];
	_ =	sdelay $0x3  }
0x36: {  	p1 =	seq.s32 s10, $0x1;
	s10 =	sld [smem:$0x3FB3];
	_ =	sdelay $0x3  }
0x37: {  	[smem:$0x3FB3] =	sst s10  }
0x38: {  	s10 =	sld [smem:$0x3FB4]  }
0x39: {  	_ = 	snop;
	(pc) =	sbr.ind lr, $3  }
0x3a: {  	_ = 	snop  }
0x3b: {  	_ = 	snop  }
0x3c: {  	p2 =	seq.s32 s10, $0x1;
	s10 =	sld [smem:$0x3FB3]  }
0x3d: {  	_ =	shalt  }
0x3e: {  	_ =	shalt  }
0x3f: {  	_ =	shalt  }
0x40: {  	_ =	shalt  }
0x41: {  	_ =	shalt  }
0x42: {  	_ =	shalt  }
0x43: {  	_ =	shalt  }
0x44: {  	_ =	shalt  }
0x45: {  	_ =	shalt  }
0x46: {  	_ =	shalt  }
0x47: {  	_ =	shalt  }
0x48: {  	_ =	shalt  }
0x49: {  	_ =	shalt  }
0x4a: {  	_ =	shalt  }
0x4b: {  	_ =	shalt  }
0x4c: {  	_ =	shalt  }
0x4d: {  	_ =	shalt  }
0x4e: {  	_ =	shalt  }
0x4f: {  	_ =	shalt  }
0x50: {  	_ =	shalt  }
0x51: {  	_ =	shalt  }
0x52: {  	_ =	shalt  }
0x53: {  	_ =	shalt  }
0x54: {  	_ =	shalt  }
0x55: {  	_ =	shalt  }
0x56: {  	_ =	shalt  }
0x57: {  	_ =	shalt  }
0x58: {  	_ =	shalt  }
0x59: {  	_ =	shalt  }
0x5a: {  	_ =	shalt  }
0x5b: {  	_ =	shalt  }
0x5c: {  	_ =	shalt  }
0x5d: {  	_ =	shalt  }
0x5e: {  	_ =	shalt  }
0x5f: {  	_ =	shalt  }
0x60: {  	_ =	shalt  }
0x61: {  	_ =	shalt  }
0x62: {  	_ =	shalt  }
0x63: {  	_ =	shalt  }
0x64: {  	_ =	shalt  }
0x65: {  	_ =	shalt  }
0x66: {  	_ =	shalt  }
0x67: {  	_ =	shalt  }
0x68: {  	_ =	shalt  }
0x69: {  	_ =	shalt  }
0x6a: {  	_ =	shalt  }
0x6b: {  	_ =	shalt  }
0x6c: {  	_ =	shalt  }
0x6d: {  	_ =	shalt  }
0x6e: {  	_ =	shalt  }
0x6f: {  	_ =	shalt  }
0x70: {  	_ =	shalt  }
0x71: {  	_ =	shalt  }
0x72: {  	_ =	shalt  }
0x73: {  	_ =	shalt  }
0x74: {  	_ =	shalt  }
0x75: {  	_ =	shalt  }
0x76: {  	_ =	shalt  }
0x77: {  	_ =	shalt  }
0x78: {  	_ =	shalt  }
0x79: {  	_ =	shalt  }
0x7a: {  	_ =	shalt  }
0x7b: {  	_ =	shalt  }
0x7c: {  	_ =	shalt  }
0x7d: {  	_ =	shalt  }
0x7e: {  	_ =	shalt  }
0x7f: {  	_ =	shalt  }
0x80: {  	_ =	shalt  }
0x81: {  	_ =	shalt  }
0x82: {  	_ =	shalt  }
0x83: {  	_ =	shalt  }
0x84: {  	_ =	shalt  }
0x85: {  	_ =	shalt  }
0x86: {  	_ =	shalt  }
0x87: {  	_ =	shalt  }
.Lfunc_end0:
.L_simem_size_0:
called_computation.1_lowered:
.L_overlay_start_0:
0x88: {  	s2 =	sld [smem:$0x3FD9]  }
0x89: {  	s3 =	sld [smem:$0x3FFE];
	_ =	sdelay $0x1  }
0x8a: {  	s1 =	srdreg.scid  }
0x8b: {  	s0 =	sand.u32 $0x1, s1  }
0x8c: {  	s17 =	sshll.u32 s0, $0xA;
	s2 =	sadd.s32 s3, s2  }
0x8d: {  	s2 =	sadd.s32 s2, s17  }
0x8e: {  	[smem:$0x3FBF] =	sst s2  }
0x8f: {  	_ = 	snop  }
0x90: {  	s2 =	sld [smem:$0x3FC9];
	(tm) =	ssettm $0x1  }
0x91: {  	s18 =	sld [smem:$0x3FFB];
	_ =	sdelay $0x3  }
0x92: {  	_ =	strace s18  }
0x93: {  	s3 =	sld [smem:$0x3FFC];
	_ =	sdelay $0x3  }
0x94: {  	_ =	strace s3  }
0x95: {  	s3 =	sld [smem:$0x3FFD];
	_ =	sdelay $0x3  }
0x96: {  	_ =	strace s3  }
0x97: {  	_ =	strace $0x8FFFFFFF  }
0x98: {  	s19 =	sld [smem:$0x3FDB];
	_ =	sdelay $0x1  }
0x99: {  	s4 =	simm.s32 $_scs_section_size  }
0x9a: {  	s5 =	simm.s32 $_size__tile_overlayer_lowered;
	s6 =	simm.s32 $_tile_overlayer_lowered  }
0x9b: {  	s22 =	simm.s32 $0x1BFF;
	s21 =	sshll.u32 s6, $0x1;
	s3 =	sadd.s32 s4, s19  }
0x9c: {  	s7 =	simm.s32 $0x0;
	s20 =	sshll.u32 s5, $0x1;
	s5 =	sadd.s32 s21, s3  }
0x9d: {  	[timem:s7], [sflag:s22] =	dma.local [hbm:s5], s20  }
0x9e: {  	_ =	swait.ge [sflag:s22], s20  }
0x9f: {  	s4 =	ssub.s32 $0x0, s20;
	[sflag:s22] =	ssyncset.done $0x0  }
0xa0: {  	[sflag:s22] =	ssyncadd.s32 s4;
	_ =	sdelay $0x1  }
0xa1: {  	s23 =	simm.s32 $0x1B8B  }
0xa2: {  	_ =	swait.ge [sflag:s23], $0x1  }
0xa3: {  	[sflag:s23] =	ssyncset.done $0x0  }
0xa4: {  	s25 =	simm.s32 $0x1B8E;
	s24 =	sld [smem:$0x3FFE];
	[sflag:s23] =	ssyncadd.s32 $0xFFFFFFFF  }
0xa5: {  	s26 =	simm.s32 $execute0_lowered;
	[smem:$0x3FD2] =	sst s25  }
0xa6: {  	s5 =	sshll.u32 s26, $0x1;
	_ =	strace $0x80000049;
	[dreg:$0x1] =	wrdreg $0xFFFFFFFF  }
0xa7: {  	s28 =	simm.s32 $_size_execute0_lowered;
	s3 =	sadd.s32 s3, s5;
	[dreg:$0x0] =	wrdreg $0x0  }
0xa8: {  	s5 =	sshll.u32 s28, $0x1;
	[dreg:$0x2] =	wrdreg s3  }
0xa9: {  	[dreg:$0x3] =	wrdreg s5  }
0xaa: {  	[dreg:$0x4] =	wrdreg $0xC0  }
0xab: {  	_ =	task [dreg:s7], $0x5FFFF  }
0xac: {  	[dreg:$0x1] =	wrdreg $0xFFFFFFFF  }
0xad: {  	[dreg:$0x0] =	wrdreg $0x60  }
0xae: {  	[dreg:$0x2] =	wrdreg s2  }
0xaf: {  	[dreg:$0x3] =	wrdreg s24  }
0xb0: {  	[dreg:$0x4] =	wrdreg $0x9  }
0xb1: {  	_ =	task.clear_ibuf [dreg:s7], $0x5FFFF;
	_ =	strace $0x90000049  }
0xb2: {  	s29 =	simm.s32 $0x9;
	_ =	strace $0x8000004B  }
0xb3: {  	_ =	swait.ge [sflag:s29], $0x1  }
0xb4: {  	[sflag:s29] =	ssyncadd.s32 $0xFFFFFFFF  }
0xb5: {  	_ =	strace $0x9000004B  }
0xb6: {  	_ =	sfence  }
0xb7: {  	s30 =	sld [smem:$0x0];
	_ =	sdelay $0x2  }
0xb8: {  	s31 =	sshll.u32 s1, $0xD;
	s1 =	sshrl.u32 s1, $0x2  }
0xb9: {  	s3 =	sand.u32 $0x4000, s31;
	s1 =	sadd.s32 s1, s30  }
0xba: {  	s0 =	sor.u32 s3, s0;
	s1 =	sshll.u32 s1, $0x11  }
0xbb: {  	s0 =	sor.u32 s1, s0  }
0xbc: {  	s0 =	sadd.s32 $0x8F2B, s0  }
0xbd: {  	[sflag:s0] =	ssyncadd.remote.s32 $0x1  }
0xbe: {  	_ =	sfence.sel $0xFFFF  }
0xbf: {  	[dreg:$0x0] =	wrdreg $0xFFFFFFFF;
	(pc) =	sbr.abs _section_cstart, $3  }
0xc0: {  	[dreg:$0x1] =	wrdreg $0xFFFFFFFF  }
0xc1: {  	_ =	task.clear_ibuf [dreg:s7], $0x2FFFF;
	_ =	strace $0x9FFFFFFF  }
0xc2: {  	(tm) =	ssettm $0x7FFFFFFF  }
0xc3: {  	_ =	shalt  }
tec
execute0_lowered:
.L_overlay_start_1:
0x0: {  	(tag) =	ssettag $0x1  }
0x1: {  	s4 =	rddreg [dreg:$0x0];
	s1 =	srdreg.scid  }
0x2: {  	s0 =	stileid.u32;
	s10 =	rddreg [dreg:$0x1];
	s2 =	simm.s32 $0x0  }
0x3: {  	s13 =	simm.s32 $0x1400;
	s3 =	sand.u32 $0x1, s1;
	s5 =	sshll.u32 s0, $0x1  }
0x4: {  	s14 =	simm.s32 $0x0;
	s1 =	rddreg [dreg:$0x2];
	s5 =	sor.u32 s3, s5  }
0x5: {  	[smem:$0x7FF] =	sst s2;
	s3 =	ssub.s32 $0x2, s3;
	s6 =	smul.u32 $0x1400, s5  }
0x6: {  	s8 =	sadd.s32 $0xC000, s10;
	s7 =	smul.u32 $0x280, s5;
	s11 =	sshrl.u32 s3, $0x1  }
0x7: {  	_ =	strace $0x8000004A;
	p0 =	seq.s32 s5, $0x1F;
	s11 =	ssub.s32 s3, s11  }
0x8: {  	s9 =	sadd.s32 s6, s10;
	s12 =	sadd.s32 s7, s10;
	s3 =	sadd.s32 s4, s6  }
0x9: {  	s4 =	sadd.s32 $0x26C00, s4;
	s6 =	sshrl.u32 s6, $0x3;
	s5 =	sadd.s32 s8, s7  }
0xa: {  	s10 =	sadd.s32 $0x3CC00, s10;
	s11 =	smax.u32 s11, $0x1;
	s31 =	sadd.s32 s8, s6  }
0xb: {  	s6 =	simm.s32 $0x50;
	s8 =	sadd.s32 $0x2200, s12;
	s9 =	sadd.s32 $0x16000, s9  }
0xc: {  	s12 =	simm.s32 $0x2;
	s7 =	sadd.s32 $0x5000, s31;
	s6 =	simm.s32 @!p0 $0x140  }
.LBB2_1:
0xd: {  	s15 =	simm.s32 @p0 $0x0;
	s16 =	simm.s32 @p0 $0x2800  }
0xe: {  	[tilespmem:s16], [sflag:$0x1] =	stream.linear.gather @p0 [hbm4b:s4+s15], $0x2800, $0x38;
	[tilespmem:$0xC800] =	vst v63  }
0xf: {  	s15 =	simm.s32 @!p0 $0x0;
	s16 =	simm.s32 @!p0 $0x2800  }
0x10: {  	[tilespmem:s16], [sflag:$0x1] =	stream.linear.gather @!p0 [hbm4b:s3+s15], $0xA000, $0x38;
	[tilespmem:$0xC800] =	vst v63  }
0x11: {  	_ = 	snop  }
0x12: {  	[tilespmem:s2], [sflag:$0x2] =	stream.linear.gather [hbm4b:s5+s2], $0x1400, $0x38;
	[tilespmem:$0xC800] =	vst v63  }
0x13: {  	_ =	swait.ge [sflag:s12], $0x1400  }
0x14: {  	[sflag:s12] =	ssyncset.done $0x0  }
0x15: {  	[sflag:s12] =	ssyncadd.s32 $0xFFFFEC00  }
0x16: {  	[tilespmem:s13], [sflag:$0x2] =	stream.linear.gather [hbm4b:s7+s2], $0x1400, $0x38;
	[tilespmem:$0xC800] =	vst v63  }
0x17: {  	_ =	swait.ge [sflag:s12], $0x1400  }
0x18: {  	[sflag:s12] =	ssyncset.done $0x0  }
0x19: {  	s15 =	simm.s32 $0x0;
	[sflag:s12] =	ssyncadd.s32 $0xFFFFEC00  }
0x1a: {  	s16 =	simm.s32 $0x40;
	v0 =	vld [tilespmem:s15+$0x1400]  }
.LBB2_2:
0x1b: {  	p1 =	sne.s32 s16, $0x4FC0;
	v1 =	vld [tilespmem:s15+$0x0];
	_ =	sdelay $0x4  }
0x1c: {  	v0 =	vadd.f32 v0, v1;
	_ =	sdelay $0x1  }
0x1d: {  	v0 =	vadd.f32 $1.000000000e+00, v0;
	_ =	sdelay $0x1  }
0x1e: {  	v1 =	vshrl.u32 v0, $0x1;
	v0 =	vmul.f32 $5.000000000e-01, v0  }
0x1f: {  	v1 =	vsub.s32 $0x5F3759DF, v1  }
0x20: {  	v2 =	vmul.f32 v1, v0;
	_ =	sdelay $0x1  }
0x21: {  	v2 =	vmul.f32 v1, v2;
	_ =	sdelay $0x1  }
0x22: {  	v2 =	vsub.f32 $1.500000000e+00, v2;
	_ =	sdelay $0x1  }
0x23: {  	v1 =	vmul.f32 v1, v2;
	_ =	sdelay $0x1  }
0x24: {  	v2 =	vmul.f32 v1, v0;
	_ =	sdelay $0x1  }
0x25: {  	v2 =	vmul.f32 v2, v1;
	_ =	sdelay $0x1  }
0x26: {  	v2 =	vsub.f32 $1.500000000e+00, v2;
	_ =	sdelay $0x1  }
0x27: {  	v1 =	vmul.f32 v2, v1;
	_ =	sdelay $0x1  }
0x28: {  	v0 =	vmul.f32 v1, v0;
	_ =	sdelay $0x1  }
0x29: {  	v0 =	vmul.f32 v0, v1;
	_ =	sdelay $0x1  }
.Ltmp0:
0x2a: {  	v0 =	vsub.f32 $1.500000000e+00, v0;
	(pc) =	sbr.rel @p1 .LBB2_2-.Ltmp0, $4  }
0x2b: {  	_ = 	snop  }
0x2c: {  	v1 =	vmul.f32 v0, v1  }
0x2d: {  	s17 =	sshra.s32 s16, $0x2  }
0x2e: {  	s16 =	sadd.s32 $0x40, s16;
	v0 =	vld [tilespmem:s17+$0x1400];
	[tilespmem:s15+$0x0] =	vst v1;
	s15 =	smov.u32 s17  }
0x2f: {  	v1 =	vld [tilespmem:s15+$0x0];
	_ =	sdelay $0x4  }
0x30: {  	v0 =	vadd.f32 v0, v1;
	_ =	sdelay $0x1  }
0x31: {  	v0 =	vadd.f32 $1.000000000e+00, v0;
	_ =	sdelay $0x1  }
0x32: {  	v1 =	vshrl.u32 v0, $0x1;
	v0 =	vmul.f32 $5.000000000e-01, v0  }
0x33: {  	v1 =	vsub.s32 $0x5F3759DF, v1  }
0x34: {  	v2 =	vmul.f32 v1, v0;
	_ =	sdelay $0x1  }
0x35: {  	v2 =	vmul.f32 v1, v2;
	_ =	sdelay $0x1  }
0x36: {  	v2 =	vsub.f32 $1.500000000e+00, v2;
	_ =	sdelay $0x1  }
0x37: {  	v1 =	vmul.f32 v1, v2;
	_ =	sdelay $0x1  }
0x38: {  	v2 =	vmul.f32 v1, v0;
	_ =	sdelay $0x1  }
0x39: {  	v2 =	vmul.f32 v2, v1;
	_ =	sdelay $0x1  }
0x3a: {  	v2 =	vsub.f32 $1.500000000e+00, v2;
	_ =	sdelay $0x1  }
0x3b: {  	v1 =	vmul.f32 v2, v1;
	_ =	sdelay $0x1  }
0x3c: {  	v0 =	vmul.f32 v1, v0;
	_ =	sdelay $0x1  }
0x3d: {  	v0 =	vmul.f32 v0, v1;
	_ =	sdelay $0x1  }
0x3e: {  	v0 =	vsub.f32 $1.500000000e+00, v0;
	_ =	sdelay $0x1  }
0x3f: {  	v0 =	vmul.f32 v0, v1;
	_ =	sdelay $0x1  }
0x40: {  	[tilespmem:s15+$0x0] =	vst v0  }
0x41: {  	[hbm4b:s8+s2] =	stream.linear.scatter [tilespmem:s2], [sflag:$0x2], $0x1400, $0x38;
	[tilespmem:$0xC800] =	vst v63  }
0x42: {  	_ =	swait.ge [sflag:s12], $0x1400  }
0x43: {  	[sflag:s12] =	ssyncset.done $0x0  }
0x44: {  	s15 =	simm.s32 @p0 $0x1;
	[sflag:s12] =	ssyncadd.s32 $0xFFFFEC00  }
0x45: {  	_ =	swait.ge @p0 [sflag:s15], $0x2800  }
0x46: {  	[sflag:s15] =	ssyncset.done @p0 $0x0  }
0x47: {  	[sflag:s15] =	ssyncadd.s32 @p0 $0xFFFFD800;
	s15 =	simm.s32 @!p0 $0x1  }
0x48: {  	_ =	swait.ge @!p0 [sflag:s15], $0xA000  }
0x49: {  	[sflag:s15] =	ssyncset.done @!p0 $0x0  }
0x4a: {  	[sflag:s15] =	ssyncadd.s32 @!p0 $0xFFFF6000;
	s15 =	simm.s32 $0x2840  }
0x4b: {  	v0 =	vld [tilespmem:s15+$0x10]  }
0x4c: {  	s16 =	simm.s32 $0x0;
	v1 =	vld [tilespmem:s15+$0x20]  }
0x4d: {  	v3 =	vld [tilespmem:s16+$0x0]  }
0x4e: {  	v2 =	vld [tilespmem:s15+$0xFFFFFFF0]  }
0x4f: {  	v4 =	vld [tilespmem:s15+$0x0]  }
0x50: {  	v5 =	vld [tilespmem:s15+$0x30]  }
0x51: {  	v6 =	vld [tilespmem:s15+$0xFFFFFFE0]  }
0x52: {  	v7 =	vld [tilespmem:s15+$0xFFFFFFD0];
	v0 =	vmul.f32 v0, v3  }
0x53: {  	p1 =	sne.s32 s6, $0x1;
	v8 =	vld [tilespmem:s15+$0xFFFFFFC0];
	v2 =	vmul.f32 v2, v3  }
.Ltmp1:
0x54: {  	v1 =	vmul.f32 v1, v3;
	[tilespmem:s15+$0x10] =	vst v0;
	(pc) =	sbr.rel @!p1 .LBB2_5-.Ltmp1, $4  }
0x55: {  	v4 =	vmul.f32 v4, v3;
	[tilespmem:s15+$0xFFFFFFF0] =	vst v2  }
0x56: {  	v6 =	vmul.f32 v6, v3;
	[tilespmem:s15+$0x20] =	vst v1  }
0x57: {  	[tilespmem:s15+$0x0] =	vst v4;
	v2 =	vmul.f32 v7, v3  }
0x58: {  	s17 =	sadd.s32 $0xFFFFFFFF, s6;
	s18 =	simm.s32 $0x28C0;
	v0 =	vmul.f32 v5, v3;
	v1 =	vmul.f32 v8, v3;
	[tilespmem:s15+$0xFFFFFFE0] =	vst v6  }
.LBB2_4:
0x59: {  	v3 =	vld [tilespmem:s18+$0x10];
	p1 =	sne.s32 s17, $0x1;
	s17 =	sadd.s32 $0xFFFFFFFF, s17;
	[tilespmem:s15+$0xFFFFFFD0] =	vst v2;
	s16 =	sadd.s32 $0x10, s16  }
0x5a: {  	v2 =	vld [tilespmem:s18+$0x20];
	[tilespmem:s15+$0xFFFFFFC0] =	vst v1  }
0x5b: {  	v1 =	vld [tilespmem:s18+$0xFFFFFFF0];
	[tilespmem:s15+$0x30] =	vst v0;
	s15 =	smov.u32 s18  }
0x5c: {  	v4 =	vld [tilespmem:s16+$0x0]  }
0x5d: {  	v0 =	vld [tilespmem:s18+$0x0]  }
0x5e: {  	v5 =	vld [tilespmem:s18+$0x30]  }
0x5f: {  	v6 =	vld [tilespmem:s18+$0xFFFFFFE0]  }
0x60: {  	v7 =	vld [tilespmem:s18+$0xFFFFFFD0]  }
0x61: {  	v8 =	vld [tilespmem:s18+$0xFFFFFFC0];
	v1 =	vmul.f32 v1, v4;
	v3 =	vmul.f32 v3, v4  }
0x62: {  	v10 =	vmul.f32 v2, v4;
	v9 =	vmul.f32 v0, v4  }
.Ltmp2:
0x63: {  	[tilespmem:s18+$0x10] =	vst v3;
	v0 =	vmul.f32 v5, v4;
	(pc) =	sbr.rel @p1 .LBB2_4-.Ltmp2, $4  }
0x64: {  	v3 =	vmul.f32 v6, v4;
	[tilespmem:s18+$0xFFFFFFF0] =	vst v1  }
0x65: {  	v2 =	vmul.f32 v7, v4;
	[tilespmem:s18+$0x20] =	vst v10  }
0x66: {  	v1 =	vmul.f32 v8, v4;
	[tilespmem:s18+$0x0] =	vst v9  }
0x67: {  	s18 =	sadd.s32 $0x80, s18;
	[tilespmem:s15+$0xFFFFFFE0] =	vst v3  }
.LBB2_5:
0x68: {  	[tilespmem:s15+$0xFFFFFFD0] =	vst v2  }
0x69: {  	[tilespmem:s15+$0xFFFFFFC0] =	vst v1  }
0x6a: {  	s16 =	simm.s32 @p0 $0x2800;
	[tilespmem:s15+$0x30] =	vst v0;
	s15 =	simm.s32 @p0 $0x0  }
0x6b: {  	[hbm4b:s10+s15] =	stream.linear.scatter @p0 [tilespmem:s16], [sflag:$0x2], $0x2800, $0x38;
	[tilespmem:$0xC800] =	vst v63  }
0x6c: {  	s15 =	simm.s32 @p0 $0x2  }
0x6d: {  	s14 =	sadd.s32 $0x1, s14;
	_ =	swait.ge @p0 [sflag:s15], $0x2800  }
0x6e: {  	p1 =	sne.s32 s14, s11;
	[sflag:s15] =	ssyncset.done @p0 $0x0  }
0x6f: {  	s16 =	simm.s32 @!p0 $0x2800;
	[sflag:s15] =	ssyncadd.s32 @p0 $0xFFFFD800;
	s15 =	simm.s32 @!p0 $0x0  }
0x70: {  	[hbm4b:s9+s15] =	stream.linear.scatter @!p0 [tilespmem:s16], [sflag:$0x2], $0xA000, $0x38;
	[tilespmem:$0xC800] =	vst v63  }
.Ltmp3:
0x71: {  	_ = 	snop;
	(pc) =	sbr.rel @p1 .LBB2_1-.Ltmp3, $4  }
0x72: {  	s15 =	simm.s32 @!p0 $0x2  }
0x73: {  	_ =	swait.ge @!p0 [sflag:s15], $0xA000  }
0x74: {  	[sflag:s15] =	ssyncset.done @!p0 $0x0  }
0x75: {  	[sflag:s15] =	ssyncadd.s32 @!p0 $0xFFFF6000  }
0x76: {  	_ =	sfence.sel $0x180000  }
0x77: {  	[bflag:$0x0] =	sbarrier.arrive $0xFFFF  }
0x78: {  	p0 =	sne.s32 s0, $0x0;
	_ =	strace $0x9000004A  }
0x79: {  	s0 =	sadd.s32 @!p0 $0x100000, s1;
	[bflag:$0x2] =	sbarrier.arrive $0xFFFF  }
0x7a: {  	[sflag:s0] =	ssyncadd.tile.s32 @!p0 $0x1;
	_ =	shalt  }
.Lfunc_end2:
_tile_overlayer_lowered:
.L_overlay_start_2:
0x7b: {  	(tag) =	ssettag $0x2  }
0x7c: {  	s0 =	rddreg [dreg:$0x0];
	s2 =	stileid.u32  }
0x7d: {  	s1 =	rddreg [dreg:$0x1];
	p0 =	sne.s32 s2, $0x0  }
0x7e: {  	s3 =	rddreg [dreg:$0x2];
	[bflag:$0x3] =	sbarrier.arrive $0xFFFF;
	s2 =	simm.s32 @!p0 $0x1C02  }
0x7f: {  	[timem:s3], [sflag:s2] =	dma.local @!p0 [hbm:s0], s1  }
0x80: {  	s0 =	simm.s32 @!p0 $0x2  }
0x81: {  	_ =	swait.ge @!p0 [sflag:s0], s1  }
0x82: {  	s1 =	ssub.s32 @!p0 $0x0, s1;
	[sflag:s0] =	ssyncset.done @!p0 $0x0  }
0x83: {  	[sflag:s0] =	ssyncadd.s32 @!p0 s1  }
0x84: {  	[bflag:$0x3] =	sbarrier.arrive $0xFFFF  }
0x85: {  	_ =	shalt  }

</sc_bundles>
